<compile_context>
chip_gen: v7x
topology: tpu7x:2x2x1
jax: 0.10.2.dev20260603
libtpu: 0.0.44.dev20260713+nightly
codegen_flags: <defaults>
</compile_context>

<pallas_src>
import functools

import jax
import jax.numpy as jnp
from jax import lax
from jax.experimental import pallas as pl
from jax.experimental.pallas import tpu as pltpu
from jax.experimental.pallas import tpu_sc as plsc

N, E, D, R, T = 10000, 320000, 128, 8, 16

NC, NS = 2, 16
NW = NC * NS
CHUNK = 128
EPW = -(-E // NW)
CPW = -(-EPW // CHUNK)
EPAD = NW * CPW * CHUNK

NP = 10240
BN = 512
NBLK = NP // BN
ACC = NP
RPT = ACC // NS
ZCH = RPT // CHUNK



def _sc_agg_body(y_hbm, gi_hbm, di_hbm, z_hbm, out_hbm,
                 acc, gi_v, di_v, rows_v, sem):
    c = lax.axis_index("c")
    s = lax.axis_index("s")
    w = c * NS + s
    pltpu.sync_copy(gi_hbm.at[w], gi_v)
    pltpu.sync_copy(di_hbm.at[w], di_v)
    pltpu.sync_copy(z_hbm, rows_v)
    for k in range(ZCH):
        pltpu.sync_copy(rows_v, acc.at[pl.ds(s * RPT + k * CHUNK, CHUNK)])
    plsc.subcore_barrier()

    def chunk(j, carry):
        pltpu.async_copy(y_hbm.at[gi_v.at[j]], rows_v, sem).wait()
        pltpu.sync_copy(rows_v, acc.at[di_v.at[j]], add=True)
        return carry

    lax.fori_loop(0, CPW, chunk, 0)
    plsc.subcore_barrier()
    for k in range(ZCH):
        sl = pl.ds(s * RPT + k * CHUNK, CHUNK)
        pltpu.sync_copy(acc.at[sl], rows_v)
        pltpu.sync_copy(rows_v, out_hbm.at[c].at[sl])


_sc_agg = pl.kernel(
    _sc_agg_body,
    out_type=jax.ShapeDtypeStruct((NC, ACC, D), jnp.float32),
    mesh=plsc.VectorSubcoreMesh(core_axis_name="c", subcore_axis_name="s"),
    scratch_types=[
        pltpu.VMEM_SHARED((ACC, D), jnp.float32),
        pltpu.VMEM((CPW, CHUNK), jnp.int32),
        pltpu.VMEM((CPW, CHUNK), jnp.int32),
        pltpu.VMEM((CHUNK, D), jnp.float32),
        pltpu.SemaphoreType.DMA,
    ],
)



def _tc_first_body(nt_ref, emb_ref, wc_ref, wr_ref, b_ref, y_ref, root_ref):
    nt = nt_ref[0]
    oh = (jnp.broadcast_to(nt, (T, BN))
          == lax.broadcasted_iota(jnp.int32, (T, BN), 0)).astype(jnp.float32)
    x = lax.dot_general(oh, emb_ref[...], (((0,), (0,)), ((), ())),
                        preferred_element_type=jnp.float32)
    y_ref[...] = jnp.dot(x, wc_ref[...], preferred_element_type=jnp.float32)
    root_ref[...] = (jnp.dot(x, wr_ref[...], preferred_element_type=jnp.float32)
                     + b_ref[...])


def _tc_mid_body(a0_ref, a1_ref, rp_ref, wc_ref, wr_ref, b_ref, y_ref, root_ref):
    z = a0_ref[...] + a1_ref[...] + rp_ref[...]
    x = jnp.where(z >= 0, z, 0.01 * z)
    y_ref[...] = jnp.dot(x, wc_ref[...], preferred_element_type=jnp.float32)
    root_ref[...] = (jnp.dot(x, wr_ref[...], preferred_element_type=jnp.float32)
                     + b_ref[...])


def _tc_final_body(a0_ref, a1_ref, rp_ref, x_ref):
    z = a0_ref[...] + a1_ref[...] + rp_ref[...]
    x_ref[...] = jnp.where(z >= 0, z, 0.01 * z)


_full = lambda shape: pl.BlockSpec(shape, lambda i: tuple(0 for _ in shape))
_rows = lambda shape: pl.BlockSpec(shape, lambda i: (i,) + tuple(0 for _ in shape[1:]))

_tc_first = pl.pallas_call(
    _tc_first_body,
    grid=(NBLK,),
    in_specs=[
        pl.BlockSpec((1, 1, BN), lambda i: (i, 0, 0)),
        _full((T, D)), _full((D, R * D)), _full((D, D)), _full((1, D)),
    ],
    out_specs=[_rows((BN, R * D)), _rows((BN, D))],
    out_shape=[jax.ShapeDtypeStruct((NP, R * D), jnp.float32),
               jax.ShapeDtypeStruct((NP, D), jnp.float32)],
)

_tc_mid = pl.pallas_call(
    _tc_mid_body,
    grid=(NBLK,),
    in_specs=[
        _rows((BN, D)), _rows((BN, D)), _rows((BN, D)),
        _full((D, R * D)), _full((D, D)), _full((1, D)),
    ],
    out_specs=[_rows((BN, R * D)), _rows((BN, D))],
    out_shape=[jax.ShapeDtypeStruct((NP, R * D), jnp.float32),
               jax.ShapeDtypeStruct((NP, D), jnp.float32)],
)

_tc_final = pl.pallas_call(
    _tc_final_body,
    grid=(NBLK,),
    in_specs=[_rows((BN, D)), _rows((BN, D)), _rows((BN, D))],
    out_specs=_rows((BN, D)),
    out_shape=jax.ShapeDtypeStruct((NP, D), jnp.float32),
)



def kernel(node_type, edge_index, edge_type, emb, W, W_root, b):
    L = W.shape[0]
    src = edge_index[0].astype(jnp.int32)
    dst = edge_index[1].astype(jnp.int32)
    et = edge_type.astype(jnp.int32)
    gi = jnp.concatenate([src * R + et, jnp.zeros((EPAD - E,), jnp.int32)])
    gi = gi.reshape(NW, CPW, CHUNK)
    di = jnp.concatenate([dst, jnp.full((EPAD - E,), N, jnp.int32)])
    di = di.reshape(NW, CPW, CHUNK)
    zeros_blk = jnp.zeros((CHUNK, D), jnp.float32)
    nt3 = jnp.concatenate([node_type.astype(jnp.int32),
                           jnp.zeros((NP - N,), jnp.int32)]).reshape(NBLK, 1, BN)
    Wcat = W.astype(jnp.float32).transpose(0, 2, 1, 3).reshape(L, D, R * D)
    Wr = W_root.astype(jnp.float32)
    brow = b.astype(jnp.float32).reshape(L, 1, D)

    y, root = _tc_first(nt3, emb.astype(jnp.float32), Wcat[0], Wr[0], brow[0])
    for l in range(L):
        agg = _sc_agg(y.reshape(NP * R, D), gi, di, zeros_blk)
        if l + 1 < L:
            y, root = _tc_mid(agg[0], agg[1], root,
                              Wcat[l + 1], Wr[l + 1], brow[l + 1])
        else:
            xf = _tc_final(agg[0], agg[1], root)
    return xf[:N]

# --- scband reference (transcript-rebuilt; emitter-appended) ---
"""Pipeline reference for scband-rgcn-26792005992743 (READ-ONLY COPY).

The authoritative reference and input builder live on the scoring server;
editing this copy changes nothing except your own understanding.
"""

import jax, jax.numpy as jnp
import numpy as np

N, E, D, R, T, L = 10000, 320000, 128, 8, 16, 3

def setup_inputs(seed: int = 0) -> dict:
    key = jax.random.key(seed)
    ks = jax.random.split(key, 7)
    node_type = jax.random.randint(ks[0], (N,), 0, T)
    edge_index = jax.random.randint(ks[1], (2, E), 0, N)
    edge_type = jax.random.randint(ks[2], (E,), 0, R)
    # learned parameters
    emb = jax.random.normal(ks[3], (T, D), dtype=jnp.float32)            # node2emb table
    W = jax.random.normal(ks[4], (L, R, D, D), dtype=jnp.float32) * 0.05  # per-relation weights, per layer
    W_root = jax.random.normal(ks[5], (L, D, D), dtype=jnp.float32) * 0.05  # root/self weights
    b = jnp.zeros((L, D), dtype=jnp.float32)                              # biases
    return {"node_type": node_type, "edge_index": edge_index, "edge_type": edge_type,
            "emb": emb, "W": W, "W_root": W_root, "b": b}

def reference(node_type, edge_index, edge_type, emb, W, W_root, b):
    # node2emb embedding lookup
    x = jnp.take(emb, node_type, axis=0)                  # [N, D]
    src = edge_index[0]
    dst = edge_index[1]
    num_layers = W.shape[0]
    for l in range(num_layers):
        # RGCNConv(aggr='add'): out = x @ W_root + sum_{edges} (x_src @ W[edge_type]) + b
        xr = jnp.einsum('nd,rdf->rnf', x, W[l])           # [R, N, D] relation-transformed features
        msgs = xr[edge_type, src]                         # [E, D] gather by (relation, src)
        agg = jax.ops.segment_sum(msgs, dst, num_segments=N)  # scatter-add to dst
        x = agg + x @ W_root[l] + b[l]
        x = jax.nn.leaky_relu(x)                          # activation between layers (applied after every layer as in forward)
    return x

if __name__ == "__main__":
    import jax
    _d = setup_inputs()
    print(jax.jit(kernel)(*tuple(_d.values())))

</pallas_src>

<mosaic_0001>
#map = affine_map<(d0, d1) -> (0, 0)>
#map1 = affine_map<(d0, d1) -> (0, 0, 0)>
module attributes {stable_mosaic.version = 14 : i64} {
  func.func @_sc_agg_body(%arg0: i32, %arg1: i32, %arg2: memref<81920x128xf32, #tpu.memory_space<hbm>>, %arg3: memref<32x79x128xi32, #tpu.memory_space<hbm>>, %arg4: memref<32x79x128xi32, #tpu.memory_space<hbm>>, %arg5: memref<128x128xf32, #tpu.memory_space<hbm>>, %arg6: memref<2x10240x128xf32, #tpu.memory_space<hbm>>, %arg7: memref<10240x128xf32, #tpu.memory_space<vmem_shared>>, %arg8: memref<79x128xi32, #tpu.memory_space<vmem>>, %arg9: memref<79x128xi32, #tpu.memory_space<vmem>>, %arg10: memref<128x128xf32, #tpu.memory_space<vmem>>, %arg11: memref<!tpu.dma_semaphore, #tpu.memory_space<semaphore_mem>>) attributes {dimension_semantics = [#tpu.dimension_semantics<core_parallel>, #tpu.dimension_semantics<subcore_parallel>], iteration_bounds = array<i64: 2, 16>, scalar_prefetch = 0 : i64, scratch_operands = 5 : i64, tpu.core_type = #tpu.core_type<sc_vector_subcore>, window_params = [{transform_indices = #map}, {transform_indices = #map1}, {transform_indices = #map1}, {transform_indices = #map}, {transform_indices = #map1}]} {
    %mul3A = arith.constant 16 : i32
    %mul3A_0 = arith.muli %arg0, %mul3A : i32
    %add3A = arith.addi %mul3A_0, %arg1 : i32
    "tpu.region"() ({
      %run_scoped3A = tpu.sem_alloc : memref<!tpu.dma_semaphore, #tpu.memory_space<semaphore_mem>>
      %dma_start3A = arith.constant 0 : i32
      %dma_start3A_47 = arith.constant 0 : i32
      %dma_start3A_48 = tpu.memref_slice %arg3[%add3A, %dma_start3A, %dma_start3A_47] : memref<32x79x128xi32, #tpu.memory_space<hbm>> -> memref<1x79x128xi32, #tpu.memory_space<hbm>>
      %dma_start3A_49 = tpu.memref_squeeze %dma_start3A_48 : memref<1x79x128xi32, #tpu.memory_space<hbm>> -> memref<79x128xi32, #tpu.memory_space<hbm>>
      %dma_start3A_50 = arith.constant 0 : i32
      %dma_start3A_51 = arith.constant 0 : i32
      %dma_start3A_52 = tpu.memref_slice %arg3[%add3A, %dma_start3A_50, %dma_start3A_51] : memref<32x79x128xi32, #tpu.memory_space<hbm>> -> memref<1x79x128xi32, #tpu.memory_space<hbm>>
      %dma_start3A_53 = tpu.memref_squeeze %dma_start3A_52 : memref<1x79x128xi32, #tpu.memory_space<hbm>> -> memref<79x128xi32, #tpu.memory_space<hbm>>
      tpu.enqueue_dma source(%dma_start3A_53 : memref<79x128xi32, #tpu.memory_space<hbm>>) target(%arg8 : memref<79x128xi32, #tpu.memory_space<vmem>>) target_semaphore(%run_scoped3A : memref<!tpu.dma_semaphore, #tpu.memory_space<semaphore_mem>>)
      %dma_wait3A = arith.constant 0 : i32
      %dma_wait3A_54 = arith.constant 0 : i32
      %dma_wait3A_55 = tpu.memref_slice %arg3[%add3A, %dma_wait3A, %dma_wait3A_54] : memref<32x79x128xi32, #tpu.memory_space<hbm>> -> memref<1x79x128xi32, #tpu.memory_space<hbm>>
      %dma_wait3A_56 = tpu.memref_squeeze %dma_wait3A_55 : memref<1x79x128xi32, #tpu.memory_space<hbm>> -> memref<79x128xi32, #tpu.memory_space<hbm>>
      %dma_wait3A_57 = arith.constant 0 : i32
      %dma_wait3A_58 = arith.constant 0 : i32
      %dma_wait3A_59 = tpu.memref_slice %arg3[%add3A, %dma_wait3A_57, %dma_wait3A_58] : memref<32x79x128xi32, #tpu.memory_space<hbm>> -> memref<1x79x128xi32, #tpu.memory_space<hbm>>
      %dma_wait3A_60 = tpu.memref_squeeze %dma_wait3A_59 : memref<1x79x128xi32, #tpu.memory_space<hbm>> -> memref<79x128xi32, #tpu.memory_space<hbm>>
      tpu.wait_dma2 semaphore(%run_scoped3A : memref<!tpu.dma_semaphore, #tpu.memory_space<semaphore_mem>>) src(%dma_wait3A_60 : memref<79x128xi32, #tpu.memory_space<hbm>>) dst(%arg8 : memref<79x128xi32, #tpu.memory_space<vmem>>)
      tpu.yield
    }) : () -> ()
    "tpu.region"() ({
      %run_scoped3A = tpu.sem_alloc : memref<!tpu.dma_semaphore, #tpu.memory_space<semaphore_mem>>
      %dma_start3A = arith.constant 0 : i32
      %dma_start3A_47 = arith.constant 0 : i32
      %dma_start3A_48 = tpu.memref_slice %arg4[%add3A, %dma_start3A, %dma_start3A_47] : memref<32x79x128xi32, #tpu.memory_space<hbm>> -> memref<1x79x128xi32, #tpu.memory_space<hbm>>
      %dma_start3A_49 = tpu.memref_squeeze %dma_start3A_48 : memref<1x79x128xi32, #tpu.memory_space<hbm>> -> memref<79x128xi32, #tpu.memory_space<hbm>>
      %dma_start3A_50 = arith.constant 0 : i32
      %dma_start3A_51 = arith.constant 0 : i32
      %dma_start3A_52 = tpu.memref_slice %arg4[%add3A, %dma_start3A_50, %dma_start3A_51] : memref<32x79x128xi32, #tpu.memory_space<hbm>> -> memref<1x79x128xi32, #tpu.memory_space<hbm>>
      %dma_start3A_53 = tpu.memref_squeeze %dma_start3A_52 : memref<1x79x128xi32, #tpu.memory_space<hbm>> -> memref<79x128xi32, #tpu.memory_space<hbm>>
      tpu.enqueue_dma source(%dma_start3A_53 : memref<79x128xi32, #tpu.memory_space<hbm>>) target(%arg9 : memref<79x128xi32, #tpu.memory_space<vmem>>) target_semaphore(%run_scoped3A : memref<!tpu.dma_semaphore, #tpu.memory_space<semaphore_mem>>)
      %dma_wait3A = arith.constant 0 : i32
      %dma_wait3A_54 = arith.constant 0 : i32
      %dma_wait3A_55 = tpu.memref_slice %arg4[%add3A, %dma_wait3A, %dma_wait3A_54] : memref<32x79x128xi32, #tpu.memory_space<hbm>> -> memref<1x79x128xi32, #tpu.memory_space<hbm>>
      %dma_wait3A_56 = tpu.memref_squeeze %dma_wait3A_55 : memref<1x79x128xi32, #tpu.memory_space<hbm>> -> memref<79x128xi32, #tpu.memory_space<hbm>>
      %dma_wait3A_57 = arith.constant 0 : i32
      %dma_wait3A_58 = arith.constant 0 : i32
      %dma_wait3A_59 = tpu.memref_slice %arg4[%add3A, %dma_wait3A_57, %dma_wait3A_58] : memref<32x79x128xi32, #tpu.memory_space<hbm>> -> memref<1x79x128xi32, #tpu.memory_space<hbm>>
      %dma_wait3A_60 = tpu.memref_squeeze %dma_wait3A_59 : memref<1x79x128xi32, #tpu.memory_space<hbm>> -> memref<79x128xi32, #tpu.memory_space<hbm>>
      tpu.wait_dma2 semaphore(%run_scoped3A : memref<!tpu.dma_semaphore, #tpu.memory_space<semaphore_mem>>) src(%dma_wait3A_60 : memref<79x128xi32, #tpu.memory_space<hbm>>) dst(%arg9 : memref<79x128xi32, #tpu.memory_space<vmem>>)
      tpu.yield
    }) : () -> ()
    "tpu.region"() ({
      %run_scoped3A = tpu.sem_alloc : memref<!tpu.dma_semaphore, #tpu.memory_space<semaphore_mem>>
      tpu.enqueue_dma source(%arg5 : memref<128x128xf32, #tpu.memory_space<hbm>>) target(%arg10 : memref<128x128xf32, #tpu.memory_space<vmem>>) target_semaphore(%run_scoped3A : memref<!tpu.dma_semaphore, #tpu.memory_space<semaphore_mem>>)
      tpu.wait_dma2 semaphore(%run_scoped3A : memref<!tpu.dma_semaphore, #tpu.memory_space<semaphore_mem>>) src(%arg5 : memref<128x128xf32, #tpu.memory_space<hbm>>) dst(%arg10 : memref<128x128xf32, #tpu.memory_space<vmem>>)
      tpu.yield
    }) : () -> ()
    %mul3A_1 = arith.constant 640 : i32
    %mul3A_2 = arith.muli %arg1, %mul3A_1 : i32
    %add3A_3 = arith.constant 0 : i32
    %add3A_4 = arith.addi %mul3A_2, %add3A_3 : i32
    "tpu.region"() ({
      %run_scoped3A = tpu.sem_alloc : memref<!tpu.dma_semaphore, #tpu.memory_space<semaphore_mem>>
      %dma_start3A = arith.constant 0 : i32
      %dma_start3A_47 = tpu.memref_slice %arg7[%add3A_4, %dma_start3A] : memref<10240x128xf32, #tpu.memory_space<vmem_shared>> -> memref<128x128xf32, #tpu.memory_space<vmem_shared>>
      %dma_start3A_48 = arith.constant 0 : i32
      %dma_start3A_49 = tpu.memref_slice %arg7[%add3A_4, %dma_start3A_48] : memref<10240x128xf32, #tpu.memory_space<vmem_shared>> -> memref<128x128xf32, #tpu.memory_space<vmem_shared>>
      tpu.enqueue_dma source(%arg10 : memref<128x128xf32, #tpu.memory_space<vmem>>) target(%dma_start3A_49 : memref<128x128xf32, #tpu.memory_space<vmem_shared>>) target_semaphore(%run_scoped3A : memref<!tpu.dma_semaphore, #tpu.memory_space<semaphore_mem>>)
      %dma_wait3A = arith.constant 0 : i32
      %dma_wait3A_50 = tpu.memref_slice %arg7[%add3A_4, %dma_wait3A] : memref<10240x128xf32, #tpu.memory_space<vmem_shared>> -> memref<128x128xf32, #tpu.memory_space<vmem_shared>>
      %dma_wait3A_51 = arith.constant 0 : i32
      %dma_wait3A_52 = tpu.memref_slice %arg7[%add3A_4, %dma_wait3A_51] : memref<10240x128xf32, #tpu.memory_space<vmem_shared>> -> memref<128x128xf32, #tpu.memory_space<vmem_shared>>
      tpu.wait_dma2 semaphore(%run_scoped3A : memref<!tpu.dma_semaphore, #tpu.memory_space<semaphore_mem>>) src(%arg10 : memref<128x128xf32, #tpu.memory_space<vmem>>) dst(%dma_wait3A_52 : memref<128x128xf32, #tpu.memory_space<vmem_shared>>)
      tpu.yield
    }) : () -> ()
    %mul3A_5 = arith.constant 640 : i32
    %mul3A_6 = arith.muli %arg1, %mul3A_5 : i32
    %add3A_7 = arith.constant 128 : i32
    %add3A_8 = arith.addi %mul3A_6, %add3A_7 : i32
    "tpu.region"() ({
      %run_scoped3A = tpu.sem_alloc : memref<!tpu.dma_semaphore, #tpu.memory_space<semaphore_mem>>
      %dma_start3A = arith.constant 0 : i32
      %dma_start3A_47 = tpu.memref_slice %arg7[%add3A_8, %dma_start3A] : memref<10240x128xf32, #tpu.memory_space<vmem_shared>> -> memref<128x128xf32, #tpu.memory_space<vmem_shared>>
      %dma_start3A_48 = arith.constant 0 : i32
      %dma_start3A_49 = tpu.memref_slice %arg7[%add3A_8, %dma_start3A_48] : memref<10240x128xf32, #tpu.memory_space<vmem_shared>> -> memref<128x128xf32, #tpu.memory_space<vmem_shared>>
      tpu.enqueue_dma source(%arg10 : memref<128x128xf32, #tpu.memory_space<vmem>>) target(%dma_start3A_49 : memref<128x128xf32, #tpu.memory_space<vmem_shared>>) target_semaphore(%run_scoped3A : memref<!tpu.dma_semaphore, #tpu.memory_space<semaphore_mem>>)
      %dma_wait3A = arith.constant 0 : i32
      %dma_wait3A_50 = tpu.memref_slice %arg7[%add3A_8, %dma_wait3A] : memref<10240x128xf32, #tpu.memory_space<vmem_shared>> -> memref<128x128xf32, #tpu.memory_space<vmem_shared>>
      %dma_wait3A_51 = arith.constant 0 : i32
      %dma_wait3A_52 = tpu.memref_slice %arg7[%add3A_8, %dma_wait3A_51] : memref<10240x128xf32, #tpu.memory_space<vmem_shared>> -> memref<128x128xf32, #tpu.memory_space<vmem_shared>>
      tpu.wait_dma2 semaphore(%run_scoped3A : memref<!tpu.dma_semaphore, #tpu.memory_space<semaphore_mem>>) src(%arg10 : memref<128x128xf32, #tpu.memory_space<vmem>>) dst(%dma_wait3A_52 : memref<128x128xf32, #tpu.memory_space<vmem_shared>>)
      tpu.yield
    }) : () -> ()
    %mul3A_9 = arith.constant 640 : i32
    %mul3A_10 = arith.muli %arg1, %mul3A_9 : i32
    %add3A_11 = arith.constant 256 : i32
    %add3A_12 = arith.addi %mul3A_10, %add3A_11 : i32
    "tpu.region"() ({
      %run_scoped3A = tpu.sem_alloc : memref<!tpu.dma_semaphore, #tpu.memory_space<semaphore_mem>>
      %dma_start3A = arith.constant 0 : i32
      %dma_start3A_47 = tpu.memref_slice %arg7[%add3A_12, %dma_start3A] : memref<10240x128xf32, #tpu.memory_space<vmem_shared>> -> memref<128x128xf32, #tpu.memory_space<vmem_shared>>
      %dma_start3A_48 = arith.constant 0 : i32
      %dma_start3A_49 = tpu.memref_slice %arg7[%add3A_12, %dma_start3A_48] : memref<10240x128xf32, #tpu.memory_space<vmem_shared>> -> memref<128x128xf32, #tpu.memory_space<vmem_shared>>
      tpu.enqueue_dma source(%arg10 : memref<128x128xf32, #tpu.memory_space<vmem>>) target(%dma_start3A_49 : memref<128x128xf32, #tpu.memory_space<vmem_shared>>) target_semaphore(%run_scoped3A : memref<!tpu.dma_semaphore, #tpu.memory_space<semaphore_mem>>)
      %dma_wait3A = arith.constant 0 : i32
      %dma_wait3A_50 = tpu.memref_slice %arg7[%add3A_12, %dma_wait3A] : memref<10240x128xf32, #tpu.memory_space<vmem_shared>> -> memref<128x128xf32, #tpu.memory_space<vmem_shared>>
      %dma_wait3A_51 = arith.constant 0 : i32
      %dma_wait3A_52 = tpu.memref_slice %arg7[%add3A_12, %dma_wait3A_51] : memref<10240x128xf32, #tpu.memory_space<vmem_shared>> -> memref<128x128xf32, #tpu.memory_space<vmem_shared>>
      tpu.wait_dma2 semaphore(%run_scoped3A : memref<!tpu.dma_semaphore, #tpu.memory_space<semaphore_mem>>) src(%arg10 : memref<128x128xf32, #tpu.memory_space<vmem>>) dst(%dma_wait3A_52 : memref<128x128xf32, #tpu.memory_space<vmem_shared>>)
      tpu.yield
    }) : () -> ()
    %mul3A_13 = arith.constant 640 : i32
    %mul3A_14 = arith.muli %arg1, %mul3A_13 : i32
    %add3A_15 = arith.constant 384 : i32
    %add3A_16 = arith.addi %mul3A_14, %add3A_15 : i32
    "tpu.region"() ({
      %run_scoped3A = tpu.sem_alloc : memref<!tpu.dma_semaphore, #tpu.memory_space<semaphore_mem>>
      %dma_start3A = arith.constant 0 : i32
      %dma_start3A_47 = tpu.memref_slice %arg7[%add3A_16, %dma_start3A] : memref<10240x128xf32, #tpu.memory_space<vmem_shared>> -> memref<128x128xf32, #tpu.memory_space<vmem_shared>>
      %dma_start3A_48 = arith.constant 0 : i32
      %dma_start3A_49 = tpu.memref_slice %arg7[%add3A_16, %dma_start3A_48] : memref<10240x128xf32, #tpu.memory_space<vmem_shared>> -> memref<128x128xf32, #tpu.memory_space<vmem_shared>>
      tpu.enqueue_dma source(%arg10 : memref<128x128xf32, #tpu.memory_space<vmem>>) target(%dma_start3A_49 : memref<128x128xf32, #tpu.memory_space<vmem_shared>>) target_semaphore(%run_scoped3A : memref<!tpu.dma_semaphore, #tpu.memory_space<semaphore_mem>>)
      %dma_wait3A = arith.constant 0 : i32
      %dma_wait3A_50 = tpu.memref_slice %arg7[%add3A_16, %dma_wait3A] : memref<10240x128xf32, #tpu.memory_space<vmem_shared>> -> memref<128x128xf32, #tpu.memory_space<vmem_shared>>
      %dma_wait3A_51 = arith.constant 0 : i32
      %dma_wait3A_52 = tpu.memref_slice %arg7[%add3A_16, %dma_wait3A_51] : memref<10240x128xf32, #tpu.memory_space<vmem_shared>> -> memref<128x128xf32, #tpu.memory_space<vmem_shared>>
      tpu.wait_dma2 semaphore(%run_scoped3A : memref<!tpu.dma_semaphore, #tpu.memory_space<semaphore_mem>>) src(%arg10 : memref<128x128xf32, #tpu.memory_space<vmem>>) dst(%dma_wait3A_52 : memref<128x128xf32, #tpu.memory_space<vmem_shared>>)
      tpu.yield
    }) : () -> ()
    %mul3A_17 = arith.constant 640 : i32
    %mul3A_18 = arith.muli %arg1, %mul3A_17 : i32
    %add3A_19 = arith.constant 512 : i32
    %add3A_20 = arith.addi %mul3A_18, %add3A_19 : i32
    "tpu.region"() ({
      %run_scoped3A = tpu.sem_alloc : memref<!tpu.dma_semaphore, #tpu.memory_space<semaphore_mem>>
      %dma_start3A = arith.constant 0 : i32
      %dma_start3A_47 = tpu.memref_slice %arg7[%add3A_20, %dma_start3A] : memref<10240x128xf32, #tpu.memory_space<vmem_shared>> -> memref<128x128xf32, #tpu.memory_space<vmem_shared>>
      %dma_start3A_48 = arith.constant 0 : i32
      %dma_start3A_49 = tpu.memref_slice %arg7[%add3A_20, %dma_start3A_48] : memref<10240x128xf32, #tpu.memory_space<vmem_shared>> -> memref<128x128xf32, #tpu.memory_space<vmem_shared>>
      tpu.enqueue_dma source(%arg10 : memref<128x128xf32, #tpu.memory_space<vmem>>) target(%dma_start3A_49 : memref<128x128xf32, #tpu.memory_space<vmem_shared>>) target_semaphore(%run_scoped3A : memref<!tpu.dma_semaphore, #tpu.memory_space<semaphore_mem>>)
      %dma_wait3A = arith.constant 0 : i32
      %dma_wait3A_50 = tpu.memref_slice %arg7[%add3A_20, %dma_wait3A] : memref<10240x128xf32, #tpu.memory_space<vmem_shared>> -> memref<128x128xf32, #tpu.memory_space<vmem_shared>>
      %dma_wait3A_51 = arith.constant 0 : i32
      %dma_wait3A_52 = tpu.memref_slice %arg7[%add3A_20, %dma_wait3A_51] : memref<10240x128xf32, #tpu.memory_space<vmem_shared>> -> memref<128x128xf32, #tpu.memory_space<vmem_shared>>
      tpu.wait_dma2 semaphore(%run_scoped3A : memref<!tpu.dma_semaphore, #tpu.memory_space<semaphore_mem>>) src(%arg10 : memref<128x128xf32, #tpu.memory_space<vmem>>) dst(%dma_wait3A_52 : memref<128x128xf32, #tpu.memory_space<vmem_shared>>)
      tpu.yield
    }) : () -> ()
    %barrier3A = arith.constant 0 : index
    tpu.barrier barrier_id(%barrier3A)
    %scan3A = arith.constant 0 : i32
    %scan3A_21 = arith.constant 0 : i32
    %scan3A_22 = arith.constant 79 : i32
    %scan3A_23 = arith.addi %scan3A_21, %scan3A_22 : i32
    %scan3A_24 = arith.constant 1 : i32
    scf.for %scan3A_47 = %scan3A_21 to %scan3A_23 step %scan3A_24  : i32 {
      %dma_start3A = arith.constant 0 : i32
      %dma_start3A_48 = tpu.memref_slice %arg8[%scan3A_47, %dma_start3A] : memref<79x128xi32, #tpu.memory_space<vmem>> -> memref<1x128xi32, #tpu.memory_space<vmem>>
      %dma_start3A_49 = tpu.memref_squeeze %dma_start3A_48 : memref<1x128xi32, #tpu.memory_space<vmem>> -> memref<128xi32, #tpu.memory_space<vmem>>
      %dma_start3A_50 = arith.constant 0 : i32
      %dma_start3A_51 = arith.constant 0 : i32
      %dma_start3A_52 = tpu.memref_slice %arg2[%dma_start3A_50, %dma_start3A_51] : memref<81920x128xf32, #tpu.memory_space<hbm>> -> memref<81920x128xf32, #tpu.memory_space<hbm>>
      tpu.enqueue_indirect_dma source(%dma_start3A_52 : memref<81920x128xf32, #tpu.memory_space<hbm>>) target(%arg10 : memref<128x128xf32, #tpu.memory_space<vmem>>) offsets(%dma_start3A_49 : memref<128xi32, #tpu.memory_space<vmem>>) semaphore(%arg11 : memref<!tpu.dma_semaphore, #tpu.memory_space<semaphore_mem>>)
      %dma_wait3A = arith.constant 0 : i32
      %dma_wait3A_53 = tpu.memref_slice %arg8[%scan3A_47, %dma_wait3A] : memref<79x128xi32, #tpu.memory_space<vmem>> -> memref<1x128xi32, #tpu.memory_space<vmem>>
      %dma_wait3A_54 = tpu.memref_squeeze %dma_wait3A_53 : memref<1x128xi32, #tpu.memory_space<vmem>> -> memref<128xi32, #tpu.memory_space<vmem>>
      %dma_wait3A_55 = arith.constant 0 : i32
      %dma_wait3A_56 = arith.constant 0 : i32
      %dma_wait3A_57 = tpu.memref_slice %arg2[%dma_wait3A_55, %dma_wait3A_56] : memref<81920x128xf32, #tpu.memory_space<hbm>> -> memref<81920x128xf32, #tpu.memory_space<hbm>>
      tpu.wait_indirect_dma semaphore(%arg11 : memref<!tpu.dma_semaphore, #tpu.memory_space<semaphore_mem>>) src(%dma_wait3A_57 : memref<81920x128xf32, #tpu.memory_space<hbm>>) dst(%arg10 : memref<128x128xf32, #tpu.memory_space<vmem>>)
      "tpu.region"() ({
        %run_scoped3A = tpu.sem_alloc : memref<!tpu.dma_semaphore, #tpu.memory_space<semaphore_mem>>
        %dma_start3A_58 = arith.constant 0 : i32
        %dma_start3A_59 = tpu.memref_slice %arg9[%scan3A_47, %dma_start3A_58] : memref<79x128xi32, #tpu.memory_space<vmem>> -> memref<1x128xi32, #tpu.memory_space<vmem>>
        %dma_start3A_60 = tpu.memref_squeeze %dma_start3A_59 : memref<1x128xi32, #tpu.memory_space<vmem>> -> memref<128xi32, #tpu.memory_space<vmem>>
        %dma_start3A_61 = arith.constant 0 : i32
        %dma_start3A_62 = arith.constant 0 : i32
        %dma_start3A_63 = tpu.memref_slice %arg7[%dma_start3A_61, %dma_start3A_62] : memref<10240x128xf32, #tpu.memory_space<vmem_shared>> -> memref<10240x128xf32, #tpu.memory_space<vmem_shared>>
        tpu.enqueue_indirect_dma source(%arg10 : memref<128x128xf32, #tpu.memory_space<vmem>>) target(%dma_start3A_63 : memref<10240x128xf32, #tpu.memory_space<vmem_shared>>) offsets(%dma_start3A_60 : memref<128xi32, #tpu.memory_space<vmem>>) semaphore(%run_scoped3A : memref<!tpu.dma_semaphore, #tpu.memory_space<semaphore_mem>>) {add = true}
        %dma_wait3A_64 = arith.constant 0 : i32
        %dma_wait3A_65 = tpu.memref_slice %arg9[%scan3A_47, %dma_wait3A_64] : memref<79x128xi32, #tpu.memory_space<vmem>> -> memref<1x128xi32, #tpu.memory_space<vmem>>
        %dma_wait3A_66 = tpu.memref_squeeze %dma_wait3A_65 : memref<1x128xi32, #tpu.memory_space<vmem>> -> memref<128xi32, #tpu.memory_space<vmem>>
        %dma_wait3A_67 = arith.constant 0 : i32
        %dma_wait3A_68 = arith.constant 0 : i32
        %dma_wait3A_69 = tpu.memref_slice %arg7[%dma_wait3A_67, %dma_wait3A_68] : memref<10240x128xf32, #tpu.memory_space<vmem_shared>> -> memref<10240x128xf32, #tpu.memory_space<vmem_shared>>
        tpu.wait_indirect_dma semaphore(%run_scoped3A : memref<!tpu.dma_semaphore, #tpu.memory_space<semaphore_mem>>) src(%arg10 : memref<128x128xf32, #tpu.memory_space<vmem>>) dst(%dma_wait3A_69 : memref<10240x128xf32, #tpu.memory_space<vmem_shared>>)
        tpu.yield
      }) : () -> ()
    }
    %scan3A_25 = arith.constant 79 : i32
    %barrier3A_26 = arith.constant 0 : index
    tpu.barrier barrier_id(%barrier3A_26)
    %mul3A_27 = arith.constant 640 : i32
    %mul3A_28 = arith.muli %arg1, %mul3A_27 : i32
    %add3A_29 = arith.constant 0 : i32
    %add3A_30 = arith.addi %mul3A_28, %add3A_29 : i32
    "tpu.region"() ({
      %run_scoped3A = tpu.sem_alloc : memref<!tpu.dma_semaphore, #tpu.memory_space<semaphore_mem>>
      %dma_start3A = arith.constant 0 : i32
      %dma_start3A_47 = tpu.memref_slice %arg7[%add3A_30, %dma_start3A] : memref<10240x128xf32, #tpu.memory_space<vmem_shared>> -> memref<128x128xf32, #tpu.memory_space<vmem_shared>>
      %dma_start3A_48 = arith.constant 0 : i32
      %dma_start3A_49 = tpu.memref_slice %arg7[%add3A_30, %dma_start3A_48] : memref<10240x128xf32, #tpu.memory_space<vmem_shared>> -> memref<128x128xf32, #tpu.memory_space<vmem_shared>>
      tpu.enqueue_dma source(%dma_start3A_49 : memref<128x128xf32, #tpu.memory_space<vmem_shared>>) target(%arg10 : memref<128x128xf32, #tpu.memory_space<vmem>>) target_semaphore(%run_scoped3A : memref<!tpu.dma_semaphore, #tpu.memory_space<semaphore_mem>>)
      %dma_wait3A = arith.constant 0 : i32
      %dma_wait3A_50 = tpu.memref_slice %arg7[%add3A_30, %dma_wait3A] : memref<10240x128xf32, #tpu.memory_space<vmem_shared>> -> memref<128x128xf32, #tpu.memory_space<vmem_shared>>
      %dma_wait3A_51 = arith.constant 0 : i32
      %dma_wait3A_52 = tpu.memref_slice %arg7[%add3A_30, %dma_wait3A_51] : memref<10240x128xf32, #tpu.memory_space<vmem_shared>> -> memref<128x128xf32, #tpu.memory_space<vmem_shared>>
      tpu.wait_dma2 semaphore(%run_scoped3A : memref<!tpu.dma_semaphore, #tpu.memory_space<semaphore_mem>>) src(%dma_wait3A_52 : memref<128x128xf32, #tpu.memory_space<vmem_shared>>) dst(%arg10 : memref<128x128xf32, #tpu.memory_space<vmem>>)
      tpu.yield
    }) : () -> ()
    "tpu.region"() ({
      %run_scoped3A = tpu.sem_alloc : memref<!tpu.dma_semaphore, #tpu.memory_space<semaphore_mem>>
      %dma_start3A = arith.constant 0 : i32
      %dma_start3A_47 = arith.constant 0 : i32
      %dma_start3A_48 = tpu.memref_slice %arg6[%arg0, %dma_start3A, %dma_start3A_47] : memref<2x10240x128xf32, #tpu.memory_space<hbm>> -> memref<1x10240x128xf32, #tpu.memory_space<hbm>>
      %dma_start3A_49 = tpu.memref_squeeze %dma_start3A_48 : memref<1x10240x128xf32, #tpu.memory_space<hbm>> -> memref<10240x128xf32, #tpu.memory_space<hbm>>
      %dma_start3A_50 = arith.constant 0 : i32
      %dma_start3A_51 = tpu.memref_slice %dma_start3A_49[%add3A_30, %dma_start3A_50] : memref<10240x128xf32, #tpu.memory_space<hbm>> -> memref<128x128xf32, #tpu.memory_space<hbm>>
      %dma_start3A_52 = arith.constant 0 : i32
      %dma_start3A_53 = arith.constant 0 : i32
      %dma_start3A_54 = tpu.memref_slice %arg6[%arg0, %dma_start3A_52, %dma_start3A_53] : memref<2x10240x128xf32, #tpu.memory_space<hbm>> -> memref<1x10240x128xf32, #tpu.memory_space<hbm>>
      %dma_start3A_55 = tpu.memref_squeeze %dma_start3A_54 : memref<1x10240x128xf32, #tpu.memory_space<hbm>> -> memref<10240x128xf32, #tpu.memory_space<hbm>>
      %dma_start3A_56 = arith.constant 0 : i32
      %dma_start3A_57 = tpu.memref_slice %dma_start3A_55[%add3A_30, %dma_start3A_56] : memref<10240x128xf32, #tpu.memory_space<hbm>> -> memref<128x128xf32, #tpu.memory_space<hbm>>
      tpu.enqueue_dma source(%arg10 : memref<128x128xf32, #tpu.memory_space<vmem>>) target(%dma_start3A_57 : memref<128x128xf32, #tpu.memory_space<hbm>>) target_semaphore(%run_scoped3A : memref<!tpu.dma_semaphore, #tpu.memory_space<semaphore_mem>>)
      %dma_wait3A = arith.constant 0 : i32
      %dma_wait3A_58 = arith.constant 0 : i32
      %dma_wait3A_59 = tpu.memref_slice %arg6[%arg0, %dma_wait3A, %dma_wait3A_58] : memref<2x10240x128xf32, #tpu.memory_space<hbm>> -> memref<1x10240x128xf32, #tpu.memory_space<hbm>>
      %dma_wait3A_60 = tpu.memref_squeeze %dma_wait3A_59 : memref<1x10240x128xf32, #tpu.memory_space<hbm>> -> memref<10240x128xf32, #tpu.memory_space<hbm>>
      %dma_wait3A_61 = arith.constant 0 : i32
      %dma_wait3A_62 = tpu.memref_slice %dma_wait3A_60[%add3A_30, %dma_wait3A_61] : memref<10240x128xf32, #tpu.memory_space<hbm>> -> memref<128x128xf32, #tpu.memory_space<hbm>>
      %dma_wait3A_63 = arith.constant 0 : i32
      %dma_wait3A_64 = arith.constant 0 : i32
      %dma_wait3A_65 = tpu.memref_slice %arg6[%arg0, %dma_wait3A_63, %dma_wait3A_64] : memref<2x10240x128xf32, #tpu.memory_space<hbm>> -> memref<1x10240x128xf32, #tpu.memory_space<hbm>>
      %dma_wait3A_66 = tpu.memref_squeeze %dma_wait3A_65 : memref<1x10240x128xf32, #tpu.memory_space<hbm>> -> memref<10240x128xf32, #tpu.memory_space<hbm>>
      %dma_wait3A_67 = arith.constant 0 : i32
      %dma_wait3A_68 = tpu.memref_slice %dma_wait3A_66[%add3A_30, %dma_wait3A_67] : memref<10240x128xf32, #tpu.memory_space<hbm>> -> memref<128x128xf32, #tpu.memory_space<hbm>>
      tpu.wait_dma2 semaphore(%run_scoped3A : memref<!tpu.dma_semaphore, #tpu.memory_space<semaphore_mem>>) src(%arg10 : memref<128x128xf32, #tpu.memory_space<vmem>>) dst(%dma_wait3A_68 : memref<128x128xf32, #tpu.memory_space<hbm>>)
      tpu.yield
    }) : () -> ()
    %mul3A_31 = arith.constant 640 : i32
    %mul3A_32 = arith.muli %arg1, %mul3A_31 : i32
    %add3A_33 = arith.constant 128 : i32
    %add3A_34 = arith.addi %mul3A_32, %add3A_33 : i32
    "tpu.region"() ({
      %run_scoped3A = tpu.sem_alloc : memref<!tpu.dma_semaphore, #tpu.memory_space<semaphore_mem>>
      %dma_start3A = arith.constant 0 : i32
      %dma_start3A_47 = tpu.memref_slice %arg7[%add3A_34, %dma_start3A] : memref<10240x128xf32, #tpu.memory_space<vmem_shared>> -> memref<128x128xf32, #tpu.memory_space<vmem_shared>>
      %dma_start3A_48 = arith.constant 0 : i32
      %dma_start3A_49 = tpu.memref_slice %arg7[%add3A_34, %dma_start3A_48] : memref<10240x128xf32, #tpu.memory_space<vmem_shared>> -> memref<128x128xf32, #tpu.memory_space<vmem_shared>>
      tpu.enqueue_dma source(%dma_start3A_49 : memref<128x128xf32, #tpu.memory_space<vmem_shared>>) target(%arg10 : memref<128x128xf32, #tpu.memory_space<vmem>>) target_semaphore(%run_scoped3A : memref<!tpu.dma_semaphore, #tpu.memory_space<semaphore_mem>>)
      %dma_wait3A = arith.constant 0 : i32
      %dma_wait3A_50 = tpu.memref_slice %arg7[%add3A_34, %dma_wait3A] : memref<10240x128xf32, #tpu.memory_space<vmem_shared>> -> memref<128x128xf32, #tpu.memory_space<vmem_shared>>
      %dma_wait3A_51 = arith.constant 0 : i32
      %dma_wait3A_52 = tpu.memref_slice %arg7[%add3A_34, %dma_wait3A_51] : memref<10240x128xf32, #tpu.memory_space<vmem_shared>> -> memref<128x128xf32, #tpu.memory_space<vmem_shared>>
      tpu.wait_dma2 semaphore(%run_scoped3A : memref<!tpu.dma_semaphore, #tpu.memory_space<semaphore_mem>>) src(%dma_wait3A_52 : memref<128x128xf32, #tpu.memory_space<vmem_shared>>) dst(%arg10 : memref<128x128xf32, #tpu.memory_space<vmem>>)
      tpu.yield
    }) : () -> ()
    "tpu.region"() ({
      %run_scoped3A = tpu.sem_alloc : memref<!tpu.dma_semaphore, #tpu.memory_space<semaphore_mem>>
      %dma_start3A = arith.constant 0 : i32
      %dma_start3A_47 = arith.constant 0 : i32
      %dma_start3A_48 = tpu.memref_slice %arg6[%arg0, %dma_start3A, %dma_start3A_47] : memref<2x10240x128xf32, #tpu.memory_space<hbm>> -> memref<1x10240x128xf32, #tpu.memory_space<hbm>>
      %dma_start3A_49 = tpu.memref_squeeze %dma_start3A_48 : memref<1x10240x128xf32, #tpu.memory_space<hbm>> -> memref<10240x128xf32, #tpu.memory_space<hbm>>
      %dma_start3A_50 = arith.constant 0 : i32
      %dma_start3A_51 = tpu.memref_slice %dma_start3A_49[%add3A_34, %dma_start3A_50] : memref<10240x128xf32, #tpu.memory_space<hbm>> -> memref<128x128xf32, #tpu.memory_space<hbm>>
      %dma_start3A_52 = arith.constant 0 : i32
      %dma_start3A_53 = arith.constant 0 : i32
      %dma_start3A_54 = tpu.memref_slice %arg6[%arg0, %dma_start3A_52, %dma_start3A_53] : memref<2x10240x128xf32, #tpu.memory_space<hbm>> -> memref<1x10240x128xf32, #tpu.memory_space<hbm>>
      %dma_start3A_55 = tpu.memref_squeeze %dma_start3A_54 : memref<1x10240x128xf32, #tpu.memory_space<hbm>> -> memref<10240x128xf32, #tpu.memory_space<hbm>>
      %dma_start3A_56 = arith.constant 0 : i32
      %dma_start3A_57 = tpu.memref_slice %dma_start3A_55[%add3A_34, %dma_start3A_56] : memref<10240x128xf32, #tpu.memory_space<hbm>> -> memref<128x128xf32, #tpu.memory_space<hbm>>
      tpu.enqueue_dma source(%arg10 : memref<128x128xf32, #tpu.memory_space<vmem>>) target(%dma_start3A_57 : memref<128x128xf32, #tpu.memory_space<hbm>>) target_semaphore(%run_scoped3A : memref<!tpu.dma_semaphore, #tpu.memory_space<semaphore_mem>>)
      %dma_wait3A = arith.constant 0 : i32
      %dma_wait3A_58 = arith.constant 0 : i32
      %dma_wait3A_59 = tpu.memref_slice %arg6[%arg0, %dma_wait3A, %dma_wait3A_58] : memref<2x10240x128xf32, #tpu.memory_space<hbm>> -> memref<1x10240x128xf32, #tpu.memory_space<hbm>>
      %dma_wait3A_60 = tpu.memref_squeeze %dma_wait3A_59 : memref<1x10240x128xf32, #tpu.memory_space<hbm>> -> memref<10240x128xf32, #tpu.memory_space<hbm>>
      %dma_wait3A_61 = arith.constant 0 : i32
      %dma_wait3A_62 = tpu.memref_slice %dma_wait3A_60[%add3A_34, %dma_wait3A_61] : memref<10240x128xf32, #tpu.memory_space<hbm>> -> memref<128x128xf32, #tpu.memory_space<hbm>>
      %dma_wait3A_63 = arith.constant 0 : i32
      %dma_wait3A_64 = arith.constant 0 : i32
      %dma_wait3A_65 = tpu.memref_slice %arg6[%arg0, %dma_wait3A_63, %dma_wait3A_64] : memref<2x10240x128xf32, #tpu.memory_space<hbm>> -> memref<1x10240x128xf32, #tpu.memory_space<hbm>>
      %dma_wait3A_66 = tpu.memref_squeeze %dma_wait3A_65 : memref<1x10240x128xf32, #tpu.memory_space<hbm>> -> memref<10240x128xf32, #tpu.memory_space<hbm>>
      %dma_wait3A_67 = arith.constant 0 : i32
      %dma_wait3A_68 = tpu.memref_slice %dma_wait3A_66[%add3A_34, %dma_wait3A_67] : memref<10240x128xf32, #tpu.memory_space<hbm>> -> memref<128x128xf32, #tpu.memory_space<hbm>>
      tpu.wait_dma2 semaphore(%run_scoped3A : memref<!tpu.dma_semaphore, #tpu.memory_space<semaphore_mem>>) src(%arg10 : memref<128x128xf32, #tpu.memory_space<vmem>>) dst(%dma_wait3A_68 : memref<128x128xf32, #tpu.memory_space<hbm>>)
      tpu.yield
    }) : () -> ()
    %mul3A_35 = arith.constant 640 : i32
    %mul3A_36 = arith.muli %arg1, %mul3A_35 : i32
    %add3A_37 = arith.constant 256 : i32
    %add3A_38 = arith.addi %mul3A_36, %add3A_37 : i32
    "tpu.region"() ({
      %run_scoped3A = tpu.sem_alloc : memref<!tpu.dma_semaphore, #tpu.memory_space<semaphore_mem>>
      %dma_start3A = arith.constant 0 : i32
      %dma_start3A_47 = tpu.memref_slice %arg7[%add3A_38, %dma_start3A] : memref<10240x128xf32, #tpu.memory_space<vmem_shared>> -> memref<128x128xf32, #tpu.memory_space<vmem_shared>>
      %dma_start3A_48 = arith.constant 0 : i32
      %dma_start3A_49 = tpu.memref_slice %arg7[%add3A_38, %dma_start3A_48] : memref<10240x128xf32, #tpu.memory_space<vmem_shared>> -> memref<128x128xf32, #tpu.memory_space<vmem_shared>>
      tpu.enqueue_dma source(%dma_start3A_49 : memref<128x128xf32, #tpu.memory_space<vmem_shared>>) target(%arg10 : memref<128x128xf32, #tpu.memory_space<vmem>>) target_semaphore(%run_scoped3A : memref<!tpu.dma_semaphore, #tpu.memory_space<semaphore_mem>>)
      %dma_wait3A = arith.constant 0 : i32
      %dma_wait3A_50 = tpu.memref_slice %arg7[%add3A_38, %dma_wait3A] : memref<10240x128xf32, #tpu.memory_space<vmem_shared>> -> memref<128x128xf32, #tpu.memory_space<vmem_shared>>
      %dma_wait3A_51 = arith.constant 0 : i32
      %dma_wait3A_52 = tpu.memref_slice %arg7[%add3A_38, %dma_wait3A_51] : memref<10240x128xf32, #tpu.memory_space<vmem_shared>> -> memref<128x128xf32, #tpu.memory_space<vmem_shared>>
      tpu.wait_dma2 semaphore(%run_scoped3A : memref<!tpu.dma_semaphore, #tpu.memory_space<semaphore_mem>>) src(%dma_wait3A_52 : memref<128x128xf32, #tpu.memory_space<vmem_shared>>) dst(%arg10 : memref<128x128xf32, #tpu.memory_space<vmem>>)
      tpu.yield
    }) : () -> ()
    "tpu.region"() ({
      %run_scoped3A = tpu.sem_alloc : memref<!tpu.dma_semaphore, #tpu.memory_space<semaphore_mem>>
      %dma_start3A = arith.constant 0 : i32
      %dma_start3A_47 = arith.constant 0 : i32
      %dma_start3A_48 = tpu.memref_slice %arg6[%arg0, %dma_start3A, %dma_start3A_47] : memref<2x10240x128xf32, #tpu.memory_space<hbm>> -> memref<1x10240x128xf32, #tpu.memory_space<hbm>>
      %dma_start3A_49 = tpu.memref_squeeze %dma_start3A_48 : memref<1x10240x128xf32, #tpu.memory_space<hbm>> -> memref<10240x128xf32, #tpu.memory_space<hbm>>
      %dma_start3A_50 = arith.constant 0 : i32
      %dma_start3A_51 = tpu.memref_slice %dma_start3A_49[%add3A_38, %dma_start3A_50] : memref<10240x128xf32, #tpu.memory_space<hbm>> -> memref<128x128xf32, #tpu.memory_space<hbm>>
      %dma_start3A_52 = arith.constant 0 : i32
      %dma_start3A_53 = arith.constant 0 : i32
      %dma_start3A_54 = tpu.memref_slice %arg6[%arg0, %dma_start3A_52, %dma_start3A_53] : memref<2x10240x128xf32, #tpu.memory_space<hbm>> -> memref<1x10240x128xf32, #tpu.memory_space<hbm>>
      %dma_start3A_55 = tpu.memref_squeeze %dma_start3A_54 : memref<1x10240x128xf32, #tpu.memory_space<hbm>> -> memref<10240x128xf32, #tpu.memory_space<hbm>>
      %dma_start3A_56 = arith.constant 0 : i32
      %dma_start3A_57 = tpu.memref_slice %dma_start3A_55[%add3A_38, %dma_start3A_56] : memref<10240x128xf32, #tpu.memory_space<hbm>> -> memref<128x128xf32, #tpu.memory_space<hbm>>
      tpu.enqueue_dma source(%arg10 : memref<128x128xf32, #tpu.memory_space<vmem>>) target(%dma_start3A_57 : memref<128x128xf32, #tpu.memory_space<hbm>>) target_semaphore(%run_scoped3A : memref<!tpu.dma_semaphore, #tpu.memory_space<semaphore_mem>>)
      %dma_wait3A = arith.constant 0 : i32
      %dma_wait3A_58 = arith.constant 0 : i32
      %dma_wait3A_59 = tpu.memref_slice %arg6[%arg0, %dma_wait3A, %dma_wait3A_58] : memref<2x10240x128xf32, #tpu.memory_space<hbm>> -> memref<1x10240x128xf32, #tpu.memory_space<hbm>>
      %dma_wait3A_60 = tpu.memref_squeeze %dma_wait3A_59 : memref<1x10240x128xf32, #tpu.memory_space<hbm>> -> memref<10240x128xf32, #tpu.memory_space<hbm>>
      %dma_wait3A_61 = arith.constant 0 : i32
      %dma_wait3A_62 = tpu.memref_slice %dma_wait3A_60[%add3A_38, %dma_wait3A_61] : memref<10240x128xf32, #tpu.memory_space<hbm>> -> memref<128x128xf32, #tpu.memory_space<hbm>>
      %dma_wait3A_63 = arith.constant 0 : i32
      %dma_wait3A_64 = arith.constant 0 : i32
      %dma_wait3A_65 = tpu.memref_slice %arg6[%arg0, %dma_wait3A_63, %dma_wait3A_64] : memref<2x10240x128xf32, #tpu.memory_space<hbm>> -> memref<1x10240x128xf32, #tpu.memory_space<hbm>>
      %dma_wait3A_66 = tpu.memref_squeeze %dma_wait3A_65 : memref<1x10240x128xf32, #tpu.memory_space<hbm>> -> memref<10240x128xf32, #tpu.memory_space<hbm>>
      %dma_wait3A_67 = arith.constant 0 : i32
      %dma_wait3A_68 = tpu.memref_slice %dma_wait3A_66[%add3A_38, %dma_wait3A_67] : memref<10240x128xf32, #tpu.memory_space<hbm>> -> memref<128x128xf32, #tpu.memory_space<hbm>>
      tpu.wait_dma2 semaphore(%run_scoped3A : memref<!tpu.dma_semaphore, #tpu.memory_space<semaphore_mem>>) src(%arg10 : memref<128x128xf32, #tpu.memory_space<vmem>>) dst(%dma_wait3A_68 : memref<128x128xf32, #tpu.memory_space<hbm>>)
      tpu.yield
    }) : () -> ()
    %mul3A_39 = arith.constant 640 : i32
    %mul3A_40 = arith.muli %arg1, %mul3A_39 : i32
    %add3A_41 = arith.constant 384 : i32
    %add3A_42 = arith.addi %mul3A_40, %add3A_41 : i32
    "tpu.region"() ({
      %run_scoped3A = tpu.sem_alloc : memref<!tpu.dma_semaphore, #tpu.memory_space<semaphore_mem>>
      %dma_start3A = arith.constant 0 : i32
      %dma_start3A_47 = tpu.memref_slice %arg7[%add3A_42, %dma_start3A] : memref<10240x128xf32, #tpu.memory_space<vmem_shared>> -> memref<128x128xf32, #tpu.memory_space<vmem_shared>>
      %dma_start3A_48 = arith.constant 0 : i32
      %dma_start3A_49 = tpu.memref_slice %arg7[%add3A_42, %dma_start3A_48] : memref<10240x128xf32, #tpu.memory_space<vmem_shared>> -> memref<128x128xf32, #tpu.memory_space<vmem_shared>>
      tpu.enqueue_dma source(%dma_start3A_49 : memref<128x128xf32, #tpu.memory_space<vmem_shared>>) target(%arg10 : memref<128x128xf32, #tpu.memory_space<vmem>>) target_semaphore(%run_scoped3A : memref<!tpu.dma_semaphore, #tpu.memory_space<semaphore_mem>>)
      %dma_wait3A = arith.constant 0 : i32
      %dma_wait3A_50 = tpu.memref_slice %arg7[%add3A_42, %dma_wait3A] : memref<10240x128xf32, #tpu.memory_space<vmem_shared>> -> memref<128x128xf32, #tpu.memory_space<vmem_shared>>
      %dma_wait3A_51 = arith.constant 0 : i32
      %dma_wait3A_52 = tpu.memref_slice %arg7[%add3A_42, %dma_wait3A_51] : memref<10240x128xf32, #tpu.memory_space<vmem_shared>> -> memref<128x128xf32, #tpu.memory_space<vmem_shared>>
      tpu.wait_dma2 semaphore(%run_scoped3A : memref<!tpu.dma_semaphore, #tpu.memory_space<semaphore_mem>>) src(%dma_wait3A_52 : memref<128x128xf32, #tpu.memory_space<vmem_shared>>) dst(%arg10 : memref<128x128xf32, #tpu.memory_space<vmem>>)
      tpu.yield
    }) : () -> ()
    "tpu.region"() ({
      %run_scoped3A = tpu.sem_alloc : memref<!tpu.dma_semaphore, #tpu.memory_space<semaphore_mem>>
      %dma_start3A = arith.constant 0 : i32
      %dma_start3A_47 = arith.constant 0 : i32
      %dma_start3A_48 = tpu.memref_slice %arg6[%arg0, %dma_start3A, %dma_start3A_47] : memref<2x10240x128xf32, #tpu.memory_space<hbm>> -> memref<1x10240x128xf32, #tpu.memory_space<hbm>>
      %dma_start3A_49 = tpu.memref_squeeze %dma_start3A_48 : memref<1x10240x128xf32, #tpu.memory_space<hbm>> -> memref<10240x128xf32, #tpu.memory_space<hbm>>
      %dma_start3A_50 = arith.constant 0 : i32
      %dma_start3A_51 = tpu.memref_slice %dma_start3A_49[%add3A_42, %dma_start3A_50] : memref<10240x128xf32, #tpu.memory_space<hbm>> -> memref<128x128xf32, #tpu.memory_space<hbm>>
      %dma_start3A_52 = arith.constant 0 : i32
      %dma_start3A_53 = arith.constant 0 : i32
      %dma_start3A_54 = tpu.memref_slice %arg6[%arg0, %dma_start3A_52, %dma_start3A_53] : memref<2x10240x128xf32, #tpu.memory_space<hbm>> -> memref<1x10240x128xf32, #tpu.memory_space<hbm>>
      %dma_start3A_55 = tpu.memref_squeeze %dma_start3A_54 : memref<1x10240x128xf32, #tpu.memory_space<hbm>> -> memref<10240x128xf32, #tpu.memory_space<hbm>>
      %dma_start3A_56 = arith.constant 0 : i32
      %dma_start3A_57 = tpu.memref_slice %dma_start3A_55[%add3A_42, %dma_start3A_56] : memref<10240x128xf32, #tpu.memory_space<hbm>> -> memref<128x128xf32, #tpu.memory_space<hbm>>
      tpu.enqueue_dma source(%arg10 : memref<128x128xf32, #tpu.memory_space<vmem>>) target(%dma_start3A_57 : memref<128x128xf32, #tpu.memory_space<hbm>>) target_semaphore(%run_scoped3A : memref<!tpu.dma_semaphore, #tpu.memory_space<semaphore_mem>>)
      %dma_wait3A = arith.constant 0 : i32
      %dma_wait3A_58 = arith.constant 0 : i32
      %dma_wait3A_59 = tpu.memref_slice %arg6[%arg0, %dma_wait3A, %dma_wait3A_58] : memref<2x10240x128xf32, #tpu.memory_space<hbm>> -> memref<1x10240x128xf32, #tpu.memory_space<hbm>>
      %dma_wait3A_60 = tpu.memref_squeeze %dma_wait3A_59 : memref<1x10240x128xf32, #tpu.memory_space<hbm>> -> memref<10240x128xf32, #tpu.memory_space<hbm>>
      %dma_wait3A_61 = arith.constant 0 : i32
      %dma_wait3A_62 = tpu.memref_slice %dma_wait3A_60[%add3A_42, %dma_wait3A_61] : memref<10240x128xf32, #tpu.memory_space<hbm>> -> memref<128x128xf32, #tpu.memory_space<hbm>>
      %dma_wait3A_63 = arith.constant 0 : i32
      %dma_wait3A_64 = arith.constant 0 : i32
      %dma_wait3A_65 = tpu.memref_slice %arg6[%arg0, %dma_wait3A_63, %dma_wait3A_64] : memref<2x10240x128xf32, #tpu.memory_space<hbm>> -> memref<1x10240x128xf32, #tpu.memory_space<hbm>>
      %dma_wait3A_66 = tpu.memref_squeeze %dma_wait3A_65 : memref<1x10240x128xf32, #tpu.memory_space<hbm>> -> memref<10240x128xf32, #tpu.memory_space<hbm>>
      %dma_wait3A_67 = arith.constant 0 : i32
      %dma_wait3A_68 = tpu.memref_slice %dma_wait3A_66[%add3A_42, %dma_wait3A_67] : memref<10240x128xf32, #tpu.memory_space<hbm>> -> memref<128x128xf32, #tpu.memory_space<hbm>>
      tpu.wait_dma2 semaphore(%run_scoped3A : memref<!tpu.dma_semaphore, #tpu.memory_space<semaphore_mem>>) src(%arg10 : memref<128x128xf32, #tpu.memory_space<vmem>>) dst(%dma_wait3A_68 : memref<128x128xf32, #tpu.memory_space<hbm>>)
      tpu.yield
    }) : () -> ()
    %mul3A_43 = arith.constant 640 : i32
    %mul3A_44 = arith.muli %arg1, %mul3A_43 : i32
    %add3A_45 = arith.constant 512 : i32
    %add3A_46 = arith.addi %mul3A_44, %add3A_45 : i32
    "tpu.region"() ({
      %run_scoped3A = tpu.sem_alloc : memref<!tpu.dma_semaphore, #tpu.memory_space<semaphore_mem>>
      %dma_start3A = arith.constant 0 : i32
      %dma_start3A_47 = tpu.memref_slice %arg7[%add3A_46, %dma_start3A] : memref<10240x128xf32, #tpu.memory_space<vmem_shared>> -> memref<128x128xf32, #tpu.memory_space<vmem_shared>>
      %dma_start3A_48 = arith.constant 0 : i32
      %dma_start3A_49 = tpu.memref_slice %arg7[%add3A_46, %dma_start3A_48] : memref<10240x128xf32, #tpu.memory_space<vmem_shared>> -> memref<128x128xf32, #tpu.memory_space<vmem_shared>>
      tpu.enqueue_dma source(%dma_start3A_49 : memref<128x128xf32, #tpu.memory_space<vmem_shared>>) target(%arg10 : memref<128x128xf32, #tpu.memory_space<vmem>>) target_semaphore(%run_scoped3A : memref<!tpu.dma_semaphore, #tpu.memory_space<semaphore_mem>>)
      %dma_wait3A = arith.constant 0 : i32
      %dma_wait3A_50 = tpu.memref_slice %arg7[%add3A_46, %dma_wait3A] : memref<10240x128xf32, #tpu.memory_space<vmem_shared>> -> memref<128x128xf32, #tpu.memory_space<vmem_shared>>
      %dma_wait3A_51 = arith.constant 0 : i32
      %dma_wait3A_52 = tpu.memref_slice %arg7[%add3A_46, %dma_wait3A_51] : memref<10240x128xf32, #tpu.memory_space<vmem_shared>> -> memref<128x128xf32, #tpu.memory_space<vmem_shared>>
      tpu.wait_dma2 semaphore(%run_scoped3A : memref<!tpu.dma_semaphore, #tpu.memory_space<semaphore_mem>>) src(%dma_wait3A_52 : memref<128x128xf32, #tpu.memory_space<vmem_shared>>) dst(%arg10 : memref<128x128xf32, #tpu.memory_space<vmem>>)
      tpu.yield
    }) : () -> ()
    "tpu.region"() ({
      %run_scoped3A = tpu.sem_alloc : memref<!tpu.dma_semaphore, #tpu.memory_space<semaphore_mem>>
      %dma_start3A = arith.constant 0 : i32
      %dma_start3A_47 = arith.constant 0 : i32
      %dma_start3A_48 = tpu.memref_slice %arg6[%arg0, %dma_start3A, %dma_start3A_47] : memref<2x10240x128xf32, #tpu.memory_space<hbm>> -> memref<1x10240x128xf32, #tpu.memory_space<hbm>>
      %dma_start3A_49 = tpu.memref_squeeze %dma_start3A_48 : memref<1x10240x128xf32, #tpu.memory_space<hbm>> -> memref<10240x128xf32, #tpu.memory_space<hbm>>
      %dma_start3A_50 = arith.constant 0 : i32
      %dma_start3A_51 = tpu.memref_slice %dma_start3A_49[%add3A_46, %dma_start3A_50] : memref<10240x128xf32, #tpu.memory_space<hbm>> -> memref<128x128xf32, #tpu.memory_space<hbm>>
      %dma_start3A_52 = arith.constant 0 : i32
      %dma_start3A_53 = arith.constant 0 : i32
      %dma_start3A_54 = tpu.memref_slice %arg6[%arg0, %dma_start3A_52, %dma_start3A_53] : memref<2x10240x128xf32, #tpu.memory_space<hbm>> -> memref<1x10240x128xf32, #tpu.memory_space<hbm>>
      %dma_start3A_55 = tpu.memref_squeeze %dma_start3A_54 : memref<1x10240x128xf32, #tpu.memory_space<hbm>> -> memref<10240x128xf32, #tpu.memory_space<hbm>>
      %dma_start3A_56 = arith.constant 0 : i32
      %dma_start3A_57 = tpu.memref_slice %dma_start3A_55[%add3A_46, %dma_start3A_56] : memref<10240x128xf32, #tpu.memory_space<hbm>> -> memref<128x128xf32, #tpu.memory_space<hbm>>
      tpu.enqueue_dma source(%arg10 : memref<128x128xf32, #tpu.memory_space<vmem>>) target(%dma_start3A_57 : memref<128x128xf32, #tpu.memory_space<hbm>>) target_semaphore(%run_scoped3A : memref<!tpu.dma_semaphore, #tpu.memory_space<semaphore_mem>>)
      %dma_wait3A = arith.constant 0 : i32
      %dma_wait3A_58 = arith.constant 0 : i32
      %dma_wait3A_59 = tpu.memref_slice %arg6[%arg0, %dma_wait3A, %dma_wait3A_58] : memref<2x10240x128xf32, #tpu.memory_space<hbm>> -> memref<1x10240x128xf32, #tpu.memory_space<hbm>>
      %dma_wait3A_60 = tpu.memref_squeeze %dma_wait3A_59 : memref<1x10240x128xf32, #tpu.memory_space<hbm>> -> memref<10240x128xf32, #tpu.memory_space<hbm>>
      %dma_wait3A_61 = arith.constant 0 : i32
      %dma_wait3A_62 = tpu.memref_slice %dma_wait3A_60[%add3A_46, %dma_wait3A_61] : memref<10240x128xf32, #tpu.memory_space<hbm>> -> memref<128x128xf32, #tpu.memory_space<hbm>>
      %dma_wait3A_63 = arith.constant 0 : i32
      %dma_wait3A_64 = arith.constant 0 : i32
      %dma_wait3A_65 = tpu.memref_slice %arg6[%arg0, %dma_wait3A_63, %dma_wait3A_64] : memref<2x10240x128xf32, #tpu.memory_space<hbm>> -> memref<1x10240x128xf32, #tpu.memory_space<hbm>>
      %dma_wait3A_66 = tpu.memref_squeeze %dma_wait3A_65 : memref<1x10240x128xf32, #tpu.memory_space<hbm>> -> memref<10240x128xf32, #tpu.memory_space<hbm>>
      %dma_wait3A_67 = arith.constant 0 : i32
      %dma_wait3A_68 = tpu.memref_slice %dma_wait3A_66[%add3A_46, %dma_wait3A_67] : memref<10240x128xf32, #tpu.memory_space<hbm>> -> memref<128x128xf32, #tpu.memory_space<hbm>>
      tpu.wait_dma2 semaphore(%run_scoped3A : memref<!tpu.dma_semaphore, #tpu.memory_space<semaphore_mem>>) src(%arg10 : memref<128x128xf32, #tpu.memory_space<vmem>>) dst(%dma_wait3A_68 : memref<128x128xf32, #tpu.memory_space<hbm>>)
      tpu.yield
    }) : () -> ()
    return
  }
}

#map = affine_map<(d0, d1) -> (0, 0)>
#map1 = affine_map<(d0, d1) -> (0, 0, 0)>
module attributes {stable_mosaic.version = 14 : i64} {
  func.func @_sc_agg_body(%arg0: i32, %arg1: i32, %arg2: memref<81920x128xf32, #tpu.memory_space<hbm>>, %arg3: memref<32x79x128xi32, #tpu.memory_space<hbm>>, %arg4: memref<32x79x128xi32, #tpu.memory_space<hbm>>, %arg5: memref<128x128xf32, #tpu.memory_space<hbm>>, %arg6: memref<2x10240x128xf32, #tpu.memory_space<hbm>>, %arg7: memref<10240x128xf32, #tpu.memory_space<vmem_shared>>, %arg8: memref<79x128xi32, #tpu.memory_space<vmem>>, %arg9: memref<79x128xi32, #tpu.memory_space<vmem>>, %arg10: memref<128x128xf32, #tpu.memory_space<vmem>>, %arg11: memref<!tpu.dma_semaphore, #tpu.memory_space<semaphore_mem>>) attributes {dimension_semantics = [#tpu.dimension_semantics<core_parallel>, #tpu.dimension_semantics<subcore_parallel>], iteration_bounds = array<i64: 2, 16>, scalar_prefetch = 0 : i64, scratch_operands = 5 : i64, tpu.core_type = #tpu.core_type<sc_vector_subcore>, window_params = [{transform_indices = #map}, {transform_indices = #map1}, {transform_indices = #map1}, {transform_indices = #map}, {transform_indices = #map1}]} {
    %mul3A = arith.constant 16 : i32
    %mul3A_0 = arith.muli %arg0, %mul3A : i32
    %add3A = arith.addi %mul3A_0, %arg1 : i32
    "tpu.region"() ({
      %run_scoped3A = tpu.sem_alloc : memref<!tpu.dma_semaphore, #tpu.memory_space<semaphore_mem>>
      %dma_start3A = arith.constant 0 : i32
      %dma_start3A_47 = arith.constant 0 : i32
      %dma_start3A_48 = tpu.memref_slice %arg3[%add3A, %dma_start3A, %dma_start3A_47] : memref<32x79x128xi32, #tpu.memory_space<hbm>> -> memref<1x79x128xi32, #tpu.memory_space<hbm>>
      %dma_start3A_49 = tpu.memref_squeeze %dma_start3A_48 : memref<1x79x128xi32, #tpu.memory_space<hbm>> -> memref<79x128xi32, #tpu.memory_space<hbm>>
      %dma_start3A_50 = arith.constant 0 : i32
      %dma_start3A_51 = arith.constant 0 : i32
      %dma_start3A_52 = tpu.memref_slice %arg3[%add3A, %dma_start3A_50, %dma_start3A_51] : memref<32x79x128xi32, #tpu.memory_space<hbm>> -> memref<1x79x128xi32, #tpu.memory_space<hbm>>
      %dma_start3A_53 = tpu.memref_squeeze %dma_start3A_52 : memref<1x79x128xi32, #tpu.memory_space<hbm>> -> memref<79x128xi32, #tpu.memory_space<hbm>>
      tpu.enqueue_dma source(%dma_start3A_53 : memref<79x128xi32, #tpu.memory_space<hbm>>) target(%arg8 : memref<79x128xi32, #tpu.memory_space<vmem>>) target_semaphore(%run_scoped3A : memref<!tpu.dma_semaphore, #tpu.memory_space<semaphore_mem>>)
      %dma_wait3A = arith.constant 0 : i32
      %dma_wait3A_54 = arith.constant 0 : i32
      %dma_wait3A_55 = tpu.memref_slice %arg3[%add3A, %dma_wait3A, %dma_wait3A_54] : memref<32x79x128xi32, #tpu.memory_space<hbm>> -> memref<1x79x128xi32, #tpu.memory_space<hbm>>
      %dma_wait3A_56 = tpu.memref_squeeze %dma_wait3A_55 : memref<1x79x128xi32, #tpu.memory_space<hbm>> -> memref<79x128xi32, #tpu.memory_space<hbm>>
      %dma_wait3A_57 = arith.constant 0 : i32
      %dma_wait3A_58 = arith.constant 0 : i32
      %dma_wait3A_59 = tpu.memref_slice %arg3[%add3A, %dma_wait3A_57, %dma_wait3A_58] : memref<32x79x128xi32, #tpu.memory_space<hbm>> -> memref<1x79x128xi32, #tpu.memory_space<hbm>>
      %dma_wait3A_60 = tpu.memref_squeeze %dma_wait3A_59 : memref<1x79x128xi32, #tpu.memory_space<hbm>> -> memref<79x128xi32, #tpu.memory_space<hbm>>
      tpu.wait_dma2 semaphore(%run_scoped3A : memref<!tpu.dma_semaphore, #tpu.memory_space<semaphore_mem>>) src(%dma_wait3A_60 : memref<79x128xi32, #tpu.memory_space<hbm>>) dst(%arg8 : memref<79x128xi32, #tpu.memory_space<vmem>>)
      tpu.yield
    }) : () -> ()
    "tpu.region"() ({
      %run_scoped3A = tpu.sem_alloc : memref<!tpu.dma_semaphore, #tpu.memory_space<semaphore_mem>>
      %dma_start3A = arith.constant 0 : i32
      %dma_start3A_47 = arith.constant 0 : i32
      %dma_start3A_48 = tpu.memref_slice %arg4[%add3A, %dma_start3A, %dma_start3A_47] : memref<32x79x128xi32, #tpu.memory_space<hbm>> -> memref<1x79x128xi32, #tpu.memory_space<hbm>>
      %dma_start3A_49 = tpu.memref_squeeze %dma_start3A_48 : memref<1x79x128xi32, #tpu.memory_space<hbm>> -> memref<79x128xi32, #tpu.memory_space<hbm>>
      %dma_start3A_50 = arith.constant 0 : i32
      %dma_start3A_51 = arith.constant 0 : i32
      %dma_start3A_52 = tpu.memref_slice %arg4[%add3A, %dma_start3A_50, %dma_start3A_51] : memref<32x79x128xi32, #tpu.memory_space<hbm>> -> memref<1x79x128xi32, #tpu.memory_space<hbm>>
      %dma_start3A_53 = tpu.memref_squeeze %dma_start3A_52 : memref<1x79x128xi32, #tpu.memory_space<hbm>> -> memref<79x128xi32, #tpu.memory_space<hbm>>
      tpu.enqueue_dma source(%dma_start3A_53 : memref<79x128xi32, #tpu.memory_space<hbm>>) target(%arg9 : memref<79x128xi32, #tpu.memory_space<vmem>>) target_semaphore(%run_scoped3A : memref<!tpu.dma_semaphore, #tpu.memory_space<semaphore_mem>>)
      %dma_wait3A = arith.constant 0 : i32
      %dma_wait3A_54 = arith.constant 0 : i32
      %dma_wait3A_55 = tpu.memref_slice %arg4[%add3A, %dma_wait3A, %dma_wait3A_54] : memref<32x79x128xi32, #tpu.memory_space<hbm>> -> memref<1x79x128xi32, #tpu.memory_space<hbm>>
      %dma_wait3A_56 = tpu.memref_squeeze %dma_wait3A_55 : memref<1x79x128xi32, #tpu.memory_space<hbm>> -> memref<79x128xi32, #tpu.memory_space<hbm>>
      %dma_wait3A_57 = arith.constant 0 : i32
      %dma_wait3A_58 = arith.constant 0 : i32
      %dma_wait3A_59 = tpu.memref_slice %arg4[%add3A, %dma_wait3A_57, %dma_wait3A_58] : memref<32x79x128xi32, #tpu.memory_space<hbm>> -> memref<1x79x128xi32, #tpu.memory_space<hbm>>
      %dma_wait3A_60 = tpu.memref_squeeze %dma_wait3A_59 : memref<1x79x128xi32, #tpu.memory_space<hbm>> -> memref<79x128xi32, #tpu.memory_space<hbm>>
      tpu.wait_dma2 semaphore(%run_scoped3A : memref<!tpu.dma_semaphore, #tpu.memory_space<semaphore_mem>>) src(%dma_wait3A_60 : memref<79x128xi32, #tpu.memory_space<hbm>>) dst(%arg9 : memref<79x128xi32, #tpu.memory_space<vmem>>)
      tpu.yield
    }) : () -> ()
    "tpu.region"() ({
      %run_scoped3A = tpu.sem_alloc : memref<!tpu.dma_semaphore, #tpu.memory_space<semaphore_mem>>
      tpu.enqueue_dma source(%arg5 : memref<128x128xf32, #tpu.memory_space<hbm>>) target(%arg10 : memref<128x128xf32, #tpu.memory_space<vmem>>) target_semaphore(%run_scoped3A : memref<!tpu.dma_semaphore, #tpu.memory_space<semaphore_mem>>)
      tpu.wait_dma2 semaphore(%run_scoped3A : memref<!tpu.dma_semaphore, #tpu.memory_space<semaphore_mem>>) src(%arg5 : memref<128x128xf32, #tpu.memory_space<hbm>>) dst(%arg10 : memref<128x128xf32, #tpu.memory_space<vmem>>)
      tpu.yield
    }) : () -> ()
    %mul3A_1 = arith.constant 640 : i32
    %mul3A_2 = arith.muli %arg1, %mul3A_1 : i32
    %add3A_3 = arith.constant 0 : i32
    %add3A_4 = arith.addi %mul3A_2, %add3A_3 : i32
    "tpu.region"() ({
      %run_scoped3A = tpu.sem_alloc : memref<!tpu.dma_semaphore, #tpu.memory_space<semaphore_mem>>
      %dma_start3A = arith.constant 0 : i32
      %dma_start3A_47 = tpu.memref_slice %arg7[%add3A_4, %dma_start3A] : memref<10240x128xf32, #tpu.memory_space<vmem_shared>> -> memref<128x128xf32, #tpu.memory_space<vmem_shared>>
      %dma_start3A_48 = arith.constant 0 : i32
      %dma_start3A_49 = tpu.memref_slice %arg7[%add3A_4, %dma_start3A_48] : memref<10240x128xf32, #tpu.memory_space<vmem_shared>> -> memref<128x128xf32, #tpu.memory_space<vmem_shared>>
      tpu.enqueue_dma source(%arg10 : memref<128x128xf32, #tpu.memory_space<vmem>>) target(%dma_start3A_49 : memref<128x128xf32, #tpu.memory_space<vmem_shared>>) target_semaphore(%run_scoped3A : memref<!tpu.dma_semaphore, #tpu.memory_space<semaphore_mem>>)
      %dma_wait3A = arith.constant 0 : i32
      %dma_wait3A_50 = tpu.memref_slice %arg7[%add3A_4, %dma_wait3A] : memref<10240x128xf32, #tpu.memory_space<vmem_shared>> -> memref<128x128xf32, #tpu.memory_space<vmem_shared>>
      %dma_wait3A_51 = arith.constant 0 : i32
      %dma_wait3A_52 = tpu.memref_slice %arg7[%add3A_4, %dma_wait3A_51] : memref<10240x128xf32, #tpu.memory_space<vmem_shared>> -> memref<128x128xf32, #tpu.memory_space<vmem_shared>>
      tpu.wait_dma2 semaphore(%run_scoped3A : memref<!tpu.dma_semaphore, #tpu.memory_space<semaphore_mem>>) src(%arg10 : memref<128x128xf32, #tpu.memory_space<vmem>>) dst(%dma_wait3A_52 : memref<128x128xf32, #tpu.memory_space<vmem_shared>>)
      tpu.yield
    }) : () -> ()
    %mul3A_5 = arith.constant 640 : i32
    %mul3A_6 = arith.muli %arg1, %mul3A_5 : i32
    %add3A_7 = arith.constant 128 : i32
    %add3A_8 = arith.addi %mul3A_6, %add3A_7 : i32
    "tpu.region"() ({
      %run_scoped3A = tpu.sem_alloc : memref<!tpu.dma_semaphore, #tpu.memory_space<semaphore_mem>>
      %dma_start3A = arith.constant 0 : i32
      %dma_start3A_47 = tpu.memref_slice %arg7[%add3A_8, %dma_start3A] : memref<10240x128xf32, #tpu.memory_space<vmem_shared>> -> memref<128x128xf32, #tpu.memory_space<vmem_shared>>
      %dma_start3A_48 = arith.constant 0 : i32
      %dma_start3A_49 = tpu.memref_slice %arg7[%add3A_8, %dma_start3A_48] : memref<10240x128xf32, #tpu.memory_space<vmem_shared>> -> memref<128x128xf32, #tpu.memory_space<vmem_shared>>
      tpu.enqueue_dma source(%arg10 : memref<128x128xf32, #tpu.memory_space<vmem>>) target(%dma_start3A_49 : memref<128x128xf32, #tpu.memory_space<vmem_shared>>) target_semaphore(%run_scoped3A : memref<!tpu.dma_semaphore, #tpu.memory_space<semaphore_mem>>)
      %dma_wait3A = arith.constant 0 : i32
      %dma_wait3A_50 = tpu.memref_slice %arg7[%add3A_8, %dma_wait3A] : memref<10240x128xf32, #tpu.memory_space<vmem_shared>> -> memref<128x128xf32, #tpu.memory_space<vmem_shared>>
      %dma_wait3A_51 = arith.constant 0 : i32
      %dma_wait3A_52 = tpu.memref_slice %arg7[%add3A_8, %dma_wait3A_51] : memref<10240x128xf32, #tpu.memory_space<vmem_shared>> -> memref<128x128xf32, #tpu.memory_space<vmem_shared>>
      tpu.wait_dma2 semaphore(%run_scoped3A : memref<!tpu.dma_semaphore, #tpu.memory_space<semaphore_mem>>) src(%arg10 : memref<128x128xf32, #tpu.memory_space<vmem>>) dst(%dma_wait3A_52 : memref<128x128xf32, #tpu.memory_space<vmem_shared>>)
      tpu.yield
    }) : () -> ()
    %mul3A_9 = arith.constant 640 : i32
    %mul3A_10 = arith.muli %arg1, %mul3A_9 : i32
    %add3A_11 = arith.constant 256 : i32
    %add3A_12 = arith.addi %mul3A_10, %add3A_11 : i32
    "tpu.region"() ({
      %run_scoped3A = tpu.sem_alloc : memref<!tpu.dma_semaphore, #tpu.memory_space<semaphore_mem>>
      %dma_start3A = arith.constant 0 : i32
      %dma_start3A_47 = tpu.memref_slice %arg7[%add3A_12, %dma_start3A] : memref<10240x128xf32, #tpu.memory_space<vmem_shared>> -> memref<128x128xf32, #tpu.memory_space<vmem_shared>>
      %dma_start3A_48 = arith.constant 0 : i32
      %dma_start3A_49 = tpu.memref_slice %arg7[%add3A_12, %dma_start3A_48] : memref<10240x128xf32, #tpu.memory_space<vmem_shared>> -> memref<128x128xf32, #tpu.memory_space<vmem_shared>>
      tpu.enqueue_dma source(%arg10 : memref<128x128xf32, #tpu.memory_space<vmem>>) target(%dma_start3A_49 : memref<128x128xf32, #tpu.memory_space<vmem_shared>>) target_semaphore(%run_scoped3A : memref<!tpu.dma_semaphore, #tpu.memory_space<semaphore_mem>>)
      %dma_wait3A = arith.constant 0 : i32
      %dma_wait3A_50 = tpu.memref_slice %arg7[%add3A_12, %dma_wait3A] : memref<10240x128xf32, #tpu.memory_space<vmem_shared>> -> memref<128x128xf32, #tpu.memory_space<vmem_shared>>
      %dma_wait3A_51 = arith.constant 0 : i32
      %dma_wait3A_52 = tpu.memref_slice %arg7[%add3A_12, %dma_wait3A_51] : memref<10240x128xf32, #tpu.memory_space<vmem_shared>> -> memref<128x128xf32, #tpu.memory_space<vmem_shared>>
      tpu.wait_dma2 semaphore(%run_scoped3A : memref<!tpu.dma_semaphore, #tpu.memory_space<semaphore_mem>>) src(%arg10 : memref<128x128xf32, #tpu.memory_space<vmem>>) dst(%dma_wait3A_52 : memref<128x128xf32, #tpu.memory_space<vmem_shared>>)
      tpu.yield
    }) : () -> ()
    %mul3A_13 = arith.constant 640 : i32
    %mul3A_14 = arith.muli %arg1, %mul3A_13 : i32
    %add3A_15 = arith.constant 384 : i32
    %add3A_16 = arith.addi %mul3A_14, %add3A_15 : i32
    "tpu.region"() ({
      %run_scoped3A = tpu.sem_alloc : memref<!tpu.dma_semaphore, #tpu.memory_space<semaphore_mem>>
      %dma_start3A = arith.constant 0 : i32
      %dma_start3A_47 = tpu.memref_slice %arg7[%add3A_16, %dma_start3A] : memref<10240x128xf32, #tpu.memory_space<vmem_shared>> -> memref<128x128xf32, #tpu.memory_space<vmem_shared>>
      %dma_start3A_48 = arith.constant 0 : i32
      %dma_start3A_49 = tpu.memref_slice %arg7[%add3A_16, %dma_start3A_48] : memref<10240x128xf32, #tpu.memory_space<vmem_shared>> -> memref<128x128xf32, #tpu.memory_space<vmem_shared>>
      tpu.enqueue_dma source(%arg10 : memref<128x128xf32, #tpu.memory_space<vmem>>) target(%dma_start3A_49 : memref<128x128xf32, #tpu.memory_space<vmem_shared>>) target_semaphore(%run_scoped3A : memref<!tpu.dma_semaphore, #tpu.memory_space<semaphore_mem>>)
      %dma_wait3A = arith.constant 0 : i32
      %dma_wait3A_50 = tpu.memref_slice %arg7[%add3A_16, %dma_wait3A] : memref<10240x128xf32, #tpu.memory_space<vmem_shared>> -> memref<128x128xf32, #tpu.memory_space<vmem_shared>>
      %dma_wait3A_51 = arith.constant 0 : i32
      %dma_wait3A_52 = tpu.memref_slice %arg7[%add3A_16, %dma_wait3A_51] : memref<10240x128xf32, #tpu.memory_space<vmem_shared>> -> memref<128x128xf32, #tpu.memory_space<vmem_shared>>
      tpu.wait_dma2 semaphore(%run_scoped3A : memref<!tpu.dma_semaphore, #tpu.memory_space<semaphore_mem>>) src(%arg10 : memref<128x128xf32, #tpu.memory_space<vmem>>) dst(%dma_wait3A_52 : memref<128x128xf32, #tpu.memory_space<vmem_shared>>)
      tpu.yield
    }) : () -> ()
    %mul3A_17 = arith.constant 640 : i32
    %mul3A_18 = arith.muli %arg1, %mul3A_17 : i32
    %add3A_19 = arith.constant 512 : i32
    %add3A_20 = arith.addi %mul3A_18, %add3A_19 : i32
    "tpu.region"() ({
      %run_scoped3A = tpu.sem_alloc : memref<!tpu.dma_semaphore, #tpu.memory_space<semaphore_mem>>
      %dma_start3A = arith.constant 0 : i32
      %dma_start3A_47 = tpu.memref_slice %arg7[%add3A_20, %dma_start3A] : memref<10240x128xf32, #tpu.memory_space<vmem_shared>> -> memref<128x128xf32, #tpu.memory_space<vmem_shared>>
      %dma_start3A_48 = arith.constant 0 : i32
      %dma_start3A_49 = tpu.memref_slice %arg7[%add3A_20, %dma_start3A_48] : memref<10240x128xf32, #tpu.memory_space<vmem_shared>> -> memref<128x128xf32, #tpu.memory_space<vmem_shared>>
      tpu.enqueue_dma source(%arg10 : memref<128x128xf32, #tpu.memory_space<vmem>>) target(%dma_start3A_49 : memref<128x128xf32, #tpu.memory_space<vmem_shared>>) target_semaphore(%run_scoped3A : memref<!tpu.dma_semaphore, #tpu.memory_space<semaphore_mem>>)
      %dma_wait3A = arith.constant 0 : i32
      %dma_wait3A_50 = tpu.memref_slice %arg7[%add3A_20, %dma_wait3A] : memref<10240x128xf32, #tpu.memory_space<vmem_shared>> -> memref<128x128xf32, #tpu.memory_space<vmem_shared>>
      %dma_wait3A_51 = arith.constant 0 : i32
      %dma_wait3A_52 = tpu.memref_slice %arg7[%add3A_20, %dma_wait3A_51] : memref<10240x128xf32, #tpu.memory_space<vmem_shared>> -> memref<128x128xf32, #tpu.memory_space<vmem_shared>>
      tpu.wait_dma2 semaphore(%run_scoped3A : memref<!tpu.dma_semaphore, #tpu.memory_space<semaphore_mem>>) src(%arg10 : memref<128x128xf32, #tpu.memory_space<vmem>>) dst(%dma_wait3A_52 : memref<128x128xf32, #tpu.memory_space<vmem_shared>>)
      tpu.yield
    }) : () -> ()
    %barrier3A = arith.constant 0 : index
    tpu.barrier barrier_id(%barrier3A)
    %scan3A = arith.constant 0 : i32
    %scan3A_21 = arith.constant 0 : i32
    %scan3A_22 = arith.constant 79 : i32
    %scan3A_23 = arith.addi %scan3A_21, %scan3A_22 : i32
    %scan3A_24 = arith.constant 1 : i32
    scf.for %scan3A_47 = %scan3A_21 to %scan3A_23 step %scan3A_24  : i32 {
      %dma_start3A = arith.constant 0 : i32
      %dma_start3A_48 = tpu.memref_slice %arg8[%scan3A_47, %dma_start3A] : memref<79x128xi32, #tpu.memory_space<vmem>> -> memref<1x128xi32, #tpu.memory_space<vmem>>
      %dma_start3A_49 = tpu.memref_squeeze %dma_start3A_48 : memref<1x128xi32, #tpu.memory_space<vmem>> -> memref<128xi32, #tpu.memory_space<vmem>>
      %dma_start3A_50 = arith.constant 0 : i32
      %dma_start3A_51 = arith.constant 0 : i32
      %dma_start3A_52 = tpu.memref_slice %arg2[%dma_start3A_50, %dma_start3A_51] : memref<81920x128xf32, #tpu.memory_space<hbm>> -> memref<81920x128xf32, #tpu.memory_space<hbm>>
      tpu.enqueue_indirect_dma source(%dma_start3A_52 : memref<81920x128xf32, #tpu.memory_space<hbm>>) target(%arg10 : memref<128x128xf32, #tpu.memory_space<vmem>>) offsets(%dma_start3A_49 : memref<128xi32, #tpu.memory_space<vmem>>) semaphore(%arg11 : memref<!tpu.dma_semaphore, #tpu.memory_space<semaphore_mem>>)
      %dma_wait3A = arith.constant 0 : i32
      %dma_wait3A_53 = tpu.memref_slice %arg8[%scan3A_47, %dma_wait3A] : memref<79x128xi32, #tpu.memory_space<vmem>> -> memref<1x128xi32, #tpu.memory_space<vmem>>
      %dma_wait3A_54 = tpu.memref_squeeze %dma_wait3A_53 : memref<1x128xi32, #tpu.memory_space<vmem>> -> memref<128xi32, #tpu.memory_space<vmem>>
      %dma_wait3A_55 = arith.constant 0 : i32
      %dma_wait3A_56 = arith.constant 0 : i32
      %dma_wait3A_57 = tpu.memref_slice %arg2[%dma_wait3A_55, %dma_wait3A_56] : memref<81920x128xf32, #tpu.memory_space<hbm>> -> memref<81920x128xf32, #tpu.memory_space<hbm>>
      tpu.wait_indirect_dma semaphore(%arg11 : memref<!tpu.dma_semaphore, #tpu.memory_space<semaphore_mem>>) src(%dma_wait3A_57 : memref<81920x128xf32, #tpu.memory_space<hbm>>) dst(%arg10 : memref<128x128xf32, #tpu.memory_space<vmem>>)
      "tpu.region"() ({
        %run_scoped3A = tpu.sem_alloc : memref<!tpu.dma_semaphore, #tpu.memory_space<semaphore_mem>>
        %dma_start3A_58 = arith.constant 0 : i32
        %dma_start3A_59 = tpu.memref_slice %arg9[%scan3A_47, %dma_start3A_58] : memref<79x128xi32, #tpu.memory_space<vmem>> -> memref<1x128xi32, #tpu.memory_space<vmem>>
        %dma_start3A_60 = tpu.memref_squeeze %dma_start3A_59 : memref<1x128xi32, #tpu.memory_space<vmem>> -> memref<128xi32, #tpu.memory_space<vmem>>
        %dma_start3A_61 = arith.constant 0 : i32
        %dma_start3A_62 = arith.constant 0 : i32
        %dma_start3A_63 = tpu.memref_slice %arg7[%dma_start3A_61, %dma_start3A_62] : memref<10240x128xf32, #tpu.memory_space<vmem_shared>> -> memref<10240x128xf32, #tpu.memory_space<vmem_shared>>
        tpu.enqueue_indirect_dma source(%arg10 : memref<128x128xf32, #tpu.memory_space<vmem>>) target(%dma_start3A_63 : memref<10240x128xf32, #tpu.memory_space<vmem_shared>>) offsets(%dma_start3A_60 : memref<128xi32, #tpu.memory_space<vmem>>) semaphore(%run_scoped3A : memref<!tpu.dma_semaphore, #tpu.memory_space<semaphore_mem>>) {add = true}
        %dma_wait3A_64 = arith.constant 0 : i32
        %dma_wait3A_65 = tpu.memref_slice %arg9[%scan3A_47, %dma_wait3A_64] : memref<79x128xi32, #tpu.memory_space<vmem>> -> memref<1x128xi32, #tpu.memory_space<vmem>>
        %dma_wait3A_66 = tpu.memref_squeeze %dma_wait3A_65 : memref<1x128xi32, #tpu.memory_space<vmem>> -> memref<128xi32, #tpu.memory_space<vmem>>
        %dma_wait3A_67 = arith.constant 0 : i32
        %dma_wait3A_68 = arith.constant 0 : i32
        %dma_wait3A_69 = tpu.memref_slice %arg7[%dma_wait3A_67, %dma_wait3A_68] : memref<10240x128xf32, #tpu.memory_space<vmem_shared>> -> memref<10240x128xf32, #tpu.memory_space<vmem_shared>>
        tpu.wait_indirect_dma semaphore(%run_scoped3A : memref<!tpu.dma_semaphore, #tpu.memory_space<semaphore_mem>>) src(%arg10 : memref<128x128xf32, #tpu.memory_space<vmem>>) dst(%dma_wait3A_69 : memref<10240x128xf32, #tpu.memory_space<vmem_shared>>)
        tpu.yield
      }) : () -> ()
    }
    %scan3A_25 = arith.constant 79 : i32
    %barrier3A_26 = arith.constant 0 : index
    tpu.barrier barrier_id(%barrier3A_26)
    %mul3A_27 = arith.constant 640 : i32
    %mul3A_28 = arith.muli %arg1, %mul3A_27 : i32
    %add3A_29 = arith.constant 0 : i32
    %add3A_30 = arith.addi %mul3A_28, %add3A_29 : i32
    "tpu.region"() ({
      %run_scoped3A = tpu.sem_alloc : memref<!tpu.dma_semaphore, #tpu.memory_space<semaphore_mem>>
      %dma_start3A = arith.constant 0 : i32
      %dma_start3A_47 = tpu.memref_slice %arg7[%add3A_30, %dma_start3A] : memref<10240x128xf32, #tpu.memory_space<vmem_shared>> -> memref<128x128xf32, #tpu.memory_space<vmem_shared>>
      %dma_start3A_48 = arith.constant 0 : i32
      %dma_start3A_49 = tpu.memref_slice %arg7[%add3A_30, %dma_start3A_48] : memref<10240x128xf32, #tpu.memory_space<vmem_shared>> -> memref<128x128xf32, #tpu.memory_space<vmem_shared>>
      tpu.enqueue_dma source(%dma_start3A_49 : memref<128x128xf32, #tpu.memory_space<vmem_shared>>) target(%arg10 : memref<128x128xf32, #tpu.memory_space<vmem>>) target_semaphore(%run_scoped3A : memref<!tpu.dma_semaphore, #tpu.memory_space<semaphore_mem>>)
      %dma_wait3A = arith.constant 0 : i32
      %dma_wait3A_50 = tpu.memref_slice %arg7[%add3A_30, %dma_wait3A] : memref<10240x128xf32, #tpu.memory_space<vmem_shared>> -> memref<128x128xf32, #tpu.memory_space<vmem_shared>>
      %dma_wait3A_51 = arith.constant 0 : i32
      %dma_wait3A_52 = tpu.memref_slice %arg7[%add3A_30, %dma_wait3A_51] : memref<10240x128xf32, #tpu.memory_space<vmem_shared>> -> memref<128x128xf32, #tpu.memory_space<vmem_shared>>
      tpu.wait_dma2 semaphore(%run_scoped3A : memref<!tpu.dma_semaphore, #tpu.memory_space<semaphore_mem>>) src(%dma_wait3A_52 : memref<128x128xf32, #tpu.memory_space<vmem_shared>>) dst(%arg10 : memref<128x128xf32, #tpu.memory_space<vmem>>)
      tpu.yield
    }) : () -> ()
    "tpu.region"() ({
      %run_scoped3A = tpu.sem_alloc : memref<!tpu.dma_semaphore, #tpu.memory_space<semaphore_mem>>
      %dma_start3A = arith.constant 0 : i32
      %dma_start3A_47 = arith.constant 0 : i32
      %dma_start3A_48 = tpu.memref_slice %arg6[%arg0, %dma_start3A, %dma_start3A_47] : memref<2x10240x128xf32, #tpu.memory_space<hbm>> -> memref<1x10240x128xf32, #tpu.memory_space<hbm>>
      %dma_start3A_49 = tpu.memref_squeeze %dma_start3A_48 : memref<1x10240x128xf32, #tpu.memory_space<hbm>> -> memref<10240x128xf32, #tpu.memory_space<hbm>>
      %dma_start3A_50 = arith.constant 0 : i32
      %dma_start3A_51 = tpu.memref_slice %dma_start3A_49[%add3A_30, %dma_start3A_50] : memref<10240x128xf32, #tpu.memory_space<hbm>> -> memref<128x128xf32, #tpu.memory_space<hbm>>
      %dma_start3A_52 = arith.constant 0 : i32
      %dma_start3A_53 = arith.constant 0 : i32
      %dma_start3A_54 = tpu.memref_slice %arg6[%arg0, %dma_start3A_52, %dma_start3A_53] : memref<2x10240x128xf32, #tpu.memory_space<hbm>> -> memref<1x10240x128xf32, #tpu.memory_space<hbm>>
      %dma_start3A_55 = tpu.memref_squeeze %dma_start3A_54 : memref<1x10240x128xf32, #tpu.memory_space<hbm>> -> memref<10240x128xf32, #tpu.memory_space<hbm>>
      %dma_start3A_56 = arith.constant 0 : i32
      %dma_start3A_57 = tpu.memref_slice %dma_start3A_55[%add3A_30, %dma_start3A_56] : memref<10240x128xf32, #tpu.memory_space<hbm>> -> memref<128x128xf32, #tpu.memory_space<hbm>>
      tpu.enqueue_dma source(%arg10 : memref<128x128xf32, #tpu.memory_space<vmem>>) target(%dma_start3A_57 : memref<128x128xf32, #tpu.memory_space<hbm>>) target_semaphore(%run_scoped3A : memref<!tpu.dma_semaphore, #tpu.memory_space<semaphore_mem>>)
      %dma_wait3A = arith.constant 0 : i32
      %dma_wait3A_58 = arith.constant 0 : i32
      %dma_wait3A_59 = tpu.memref_slice %arg6[%arg0, %dma_wait3A, %dma_wait3A_58] : memref<2x10240x128xf32, #tpu.memory_space<hbm>> -> memref<1x10240x128xf32, #tpu.memory_space<hbm>>
      %dma_wait3A_60 = tpu.memref_squeeze %dma_wait3A_59 : memref<1x10240x128xf32, #tpu.memory_space<hbm>> -> memref<10240x128xf32, #tpu.memory_space<hbm>>
      %dma_wait3A_61 = arith.constant 0 : i32
      %dma_wait3A_62 = tpu.memref_slice %dma_wait3A_60[%add3A_30, %dma_wait3A_61] : memref<10240x128xf32, #tpu.memory_space<hbm>> -> memref<128x128xf32, #tpu.memory_space<hbm>>
      %dma_wait3A_63 = arith.constant 0 : i32
      %dma_wait3A_64 = arith.constant 0 : i32
      %dma_wait3A_65 = tpu.memref_slice %arg6[%arg0, %dma_wait3A_63, %dma_wait3A_64] : memref<2x10240x128xf32, #tpu.memory_space<hbm>> -> memref<1x10240x128xf32, #tpu.memory_space<hbm>>
      %dma_wait3A_66 = tpu.memref_squeeze %dma_wait3A_65 : memref<1x10240x128xf32, #tpu.memory_space<hbm>> -> memref<10240x128xf32, #tpu.memory_space<hbm>>
      %dma_wait3A_67 = arith.constant 0 : i32
      %dma_wait3A_68 = tpu.memref_slice %dma_wait3A_66[%add3A_30, %dma_wait3A_67] : memref<10240x128xf32, #tpu.memory_space<hbm>> -> memref<128x128xf32, #tpu.memory_space<hbm>>
      tpu.wait_dma2 semaphore(%run_scoped3A : memref<!tpu.dma_semaphore, #tpu.memory_space<semaphore_mem>>) src(%arg10 : memref<128x128xf32, #tpu.memory_space<vmem>>) dst(%dma_wait3A_68 : memref<128x128xf32, #tpu.memory_space<hbm>>)
      tpu.yield
    }) : () -> ()
    %mul3A_31 = arith.constant 640 : i32
    %mul3A_32 = arith.muli %arg1, %mul3A_31 : i32
    %add3A_33 = arith.constant 128 : i32
    %add3A_34 = arith.addi %mul3A_32, %add3A_33 : i32
    "tpu.region"() ({
      %run_scoped3A = tpu.sem_alloc : memref<!tpu.dma_semaphore, #tpu.memory_space<semaphore_mem>>
      %dma_start3A = arith.constant 0 : i32
      %dma_start3A_47 = tpu.memref_slice %arg7[%add3A_34, %dma_start3A] : memref<10240x128xf32, #tpu.memory_space<vmem_shared>> -> memref<128x128xf32, #tpu.memory_space<vmem_shared>>
      %dma_start3A_48 = arith.constant 0 : i32
      %dma_start3A_49 = tpu.memref_slice %arg7[%add3A_34, %dma_start3A_48] : memref<10240x128xf32, #tpu.memory_space<vmem_shared>> -> memref<128x128xf32, #tpu.memory_space<vmem_shared>>
      tpu.enqueue_dma source(%dma_start3A_49 : memref<128x128xf32, #tpu.memory_space<vmem_shared>>) target(%arg10 : memref<128x128xf32, #tpu.memory_space<vmem>>) target_semaphore(%run_scoped3A : memref<!tpu.dma_semaphore, #tpu.memory_space<semaphore_mem>>)
      %dma_wait3A = arith.constant 0 : i32
      %dma_wait3A_50 = tpu.memref_slice %arg7[%add3A_34, %dma_wait3A] : memref<10240x128xf32, #tpu.memory_space<vmem_shared>> -> memref<128x128xf32, #tpu.memory_space<vmem_shared>>
      %dma_wait3A_51 = arith.constant 0 : i32
      %dma_wait3A_52 = tpu.memref_slice %arg7[%add3A_34, %dma_wait3A_51] : memref<10240x128xf32, #tpu.memory_space<vmem_shared>> -> memref<128x128xf32, #tpu.memory_space<vmem_shared>>
      tpu.wait_dma2 semaphore(%run_scoped3A : memref<!tpu.dma_semaphore, #tpu.memory_space<semaphore_mem>>) src(%dma_wait3A_52 : memref<128x128xf32, #tpu.memory_space<vmem_shared>>) dst(%arg10 : memref<128x128xf32, #tpu.memory_space<vmem>>)
      tpu.yield
    }) : () -> ()
    "tpu.region"() ({
      %run_scoped3A = tpu.sem_alloc : memref<!tpu.dma_semaphore, #tpu.memory_space<semaphore_mem>>
      %dma_start3A = arith.constant 0 : i32
      %dma_start3A_47 = arith.constant 0 : i32
      %dma_start3A_48 = tpu.memref_slice %arg6[%arg0, %dma_start3A, %dma_start3A_47] : memref<2x10240x128xf32, #tpu.memory_space<hbm>> -> memref<1x10240x128xf32, #tpu.memory_space<hbm>>
      %dma_start3A_49 = tpu.memref_squeeze %dma_start3A_48 : memref<1x10240x128xf32, #tpu.memory_space<hbm>> -> memref<10240x128xf32, #tpu.memory_space<hbm>>
      %dma_start3A_50 = arith.constant 0 : i32
      %dma_start3A_51 = tpu.memref_slice %dma_start3A_49[%add3A_34, %dma_start3A_50] : memref<10240x128xf32, #tpu.memory_space<hbm>> -> memref<128x128xf32, #tpu.memory_space<hbm>>
      %dma_start3A_52 = arith.constant 0 : i32
      %dma_start3A_53 = arith.constant 0 : i32
      %dma_start3A_54 = tpu.memref_slice %arg6[%arg0, %dma_start3A_52, %dma_start3A_53] : memref<2x10240x128xf32, #tpu.memory_space<hbm>> -> memref<1x10240x128xf32, #tpu.memory_space<hbm>>
      %dma_start3A_55 = tpu.memref_squeeze %dma_start3A_54 : memref<1x10240x128xf32, #tpu.memory_space<hbm>> -> memref<10240x128xf32, #tpu.memory_space<hbm>>
      %dma_start3A_56 = arith.constant 0 : i32
      %dma_start3A_57 = tpu.memref_slice %dma_start3A_55[%add3A_34, %dma_start3A_56] : memref<10240x128xf32, #tpu.memory_space<hbm>> -> memref<128x128xf32, #tpu.memory_space<hbm>>
      tpu.enqueue_dma source(%arg10 : memref<128x128xf32, #tpu.memory_space<vmem>>) target(%dma_start3A_57 : memref<128x128xf32, #tpu.memory_space<hbm>>) target_semaphore(%run_scoped3A : memref<!tpu.dma_semaphore, #tpu.memory_space<semaphore_mem>>)
      %dma_wait3A = arith.constant 0 : i32
      %dma_wait3A_58 = arith.constant 0 : i32
      %dma_wait3A_59 = tpu.memref_slice %arg6[%arg0, %dma_wait3A, %dma_wait3A_58] : memref<2x10240x128xf32, #tpu.memory_space<hbm>> -> memref<1x10240x128xf32, #tpu.memory_space<hbm>>
      %dma_wait3A_60 = tpu.memref_squeeze %dma_wait3A_59 : memref<1x10240x128xf32, #tpu.memory_space<hbm>> -> memref<10240x128xf32, #tpu.memory_space<hbm>>
      %dma_wait3A_61 = arith.constant 0 : i32
      %dma_wait3A_62 = tpu.memref_slice %dma_wait3A_60[%add3A_34, %dma_wait3A_61] : memref<10240x128xf32, #tpu.memory_space<hbm>> -> memref<128x128xf32, #tpu.memory_space<hbm>>
      %dma_wait3A_63 = arith.constant 0 : i32
      %dma_wait3A_64 = arith.constant 0 : i32
      %dma_wait3A_65 = tpu.memref_slice %arg6[%arg0, %dma_wait3A_63, %dma_wait3A_64] : memref<2x10240x128xf32, #tpu.memory_space<hbm>> -> memref<1x10240x128xf32, #tpu.memory_space<hbm>>
      %dma_wait3A_66 = tpu.memref_squeeze %dma_wait3A_65 : memref<1x10240x128xf32, #tpu.memory_space<hbm>> -> memref<10240x128xf32, #tpu.memory_space<hbm>>
      %dma_wait3A_67 = arith.constant 0 : i32
      %dma_wait3A_68 = tpu.memref_slice %dma_wait3A_66[%add3A_34, %dma_wait3A_67] : memref<10240x128xf32, #tpu.memory_space<hbm>> -> memref<128x128xf32, #tpu.memory_space<hbm>>
      tpu.wait_dma2 semaphore(%run_scoped3A : memref<!tpu.dma_semaphore, #tpu.memory_space<semaphore_mem>>) src(%arg10 : memref<128x128xf32, #tpu.memory_space<vmem>>) dst(%dma_wait3A_68 : memref<128x128xf32, #tpu.memory_space<hbm>>)
      tpu.yield
    }) : () -> ()
    %mul3A_35 = arith.constant 640 : i32
    %mul3A_36 = arith.muli %arg1, %mul3A_35 : i32
    %add3A_37 = arith.constant 256 : i32
    %add3A_38 = arith.addi %mul3A_36, %add3A_37 : i32
    "tpu.region"() ({
      %run_scoped3A = tpu.sem_alloc : memref<!tpu.dma_semaphore, #tpu.memory_space<semaphore_mem>>
      %dma_start3A = arith.constant 0 : i32
      %dma_start3A_47 = tpu.memref_slice %arg7[%add3A_38, %dma_start3A] : memref<10240x128xf32, #tpu.memory_space<vmem_shared>> -> memref<128x128xf32, #tpu.memory_space<vmem_shared>>
      %dma_start3A_48 = arith.constant 0 : i32
      %dma_start3A_49 = tpu.memref_slice %arg7[%add3A_38, %dma_start3A_48] : memref<10240x128xf32, #tpu.memory_space<vmem_shared>> -> memref<128x128xf32, #tpu.memory_space<vmem_shared>>
      tpu.enqueue_dma source(%dma_start3A_49 : memref<128x128xf32, #tpu.memory_space<vmem_shared>>) target(%arg10 : memref<128x128xf32, #tpu.memory_space<vmem>>) target_semaphore(%run_scoped3A : memref<!tpu.dma_semaphore, #tpu.memory_space<semaphore_mem>>)
      %dma_wait3A = arith.constant 0 : i32
      %dma_wait3A_50 = tpu.memref_slice %arg7[%add3A_38, %dma_wait3A] : memref<10240x128xf32, #tpu.memory_space<vmem_shared>> -> memref<128x128xf32, #tpu.memory_space<vmem_shared>>
      %dma_wait3A_51 = arith.constant 0 : i32
      %dma_wait3A_52 = tpu.memref_slice %arg7[%add3A_38, %dma_wait3A_51] : memref<10240x128xf32, #tpu.memory_space<vmem_shared>> -> memref<128x128xf32, #tpu.memory_space<vmem_shared>>
      tpu.wait_dma2 semaphore(%run_scoped3A : memref<!tpu.dma_semaphore, #tpu.memory_space<semaphore_mem>>) src(%dma_wait3A_52 : memref<128x128xf32, #tpu.memory_space<vmem_shared>>) dst(%arg10 : memref<128x128xf32, #tpu.memory_space<vmem>>)
      tpu.yield
    }) : () -> ()
    "tpu.region"() ({
      %run_scoped3A = tpu.sem_alloc : memref<!tpu.dma_semaphore, #tpu.memory_space<semaphore_mem>>
      %dma_start3A = arith.constant 0 : i32
      %dma_start3A_47 = arith.constant 0 : i32
      %dma_start3A_48 = tpu.memref_slice %arg6[%arg0, %dma_start3A, %dma_start3A_47] : memref<2x10240x128xf32, #tpu.memory_space<hbm>> -> memref<1x10240x128xf32, #tpu.memory_space<hbm>>
      %dma_start3A_49 = tpu.memref_squeeze %dma_start3A_48 : memref<1x10240x128xf32, #tpu.memory_space<hbm>> -> memref<10240x128xf32, #tpu.memory_space<hbm>>
      %dma_start3A_50 = arith.constant 0 : i32
      %dma_start3A_51 = tpu.memref_slice %dma_start3A_49[%add3A_38, %dma_start3A_50] : memref<10240x128xf32, #tpu.memory_space<hbm>> -> memref<128x128xf32, #tpu.memory_space<hbm>>
      %dma_start3A_52 = arith.constant 0 : i32
      %dma_start3A_53 = arith.constant 0 : i32
      %dma_start3A_54 = tpu.memref_slice %arg6[%arg0, %dma_start3A_52, %dma_start3A_53] : memref<2x10240x128xf32, #tpu.memory_space<hbm>> -> memref<1x10240x128xf32, #tpu.memory_space<hbm>>
      %dma_start3A_55 = tpu.memref_squeeze %dma_start3A_54 : memref<1x10240x128xf32, #tpu.memory_space<hbm>> -> memref<10240x128xf32, #tpu.memory_space<hbm>>
      %dma_start3A_56 = arith.constant 0 : i32
      %dma_start3A_57 = tpu.memref_slice %dma_start3A_55[%add3A_38, %dma_start3A_56] : memref<10240x128xf32, #tpu.memory_space<hbm>> -> memref<128x128xf32, #tpu.memory_space<hbm>>
      tpu.enqueue_dma source(%arg10 : memref<128x128xf32, #tpu.memory_space<vmem>>) target(%dma_start3A_57 : memref<128x128xf32, #tpu.memory_space<hbm>>) target_semaphore(%run_scoped3A : memref<!tpu.dma_semaphore, #tpu.memory_space<semaphore_mem>>)
      %dma_wait3A = arith.constant 0 : i32
      %dma_wait3A_58 = arith.constant 0 : i32
      %dma_wait3A_59 = tpu.memref_slice %arg6[%arg0, %dma_wait3A, %dma_wait3A_58] : memref<2x10240x128xf32, #tpu.memory_space<hbm>> -> memref<1x10240x128xf32, #tpu.memory_space<hbm>>
      %dma_wait3A_60 = tpu.memref_squeeze %dma_wait3A_59 : memref<1x10240x128xf32, #tpu.memory_space<hbm>> -> memref<10240x128xf32, #tpu.memory_space<hbm>>
      %dma_wait3A_61 = arith.constant 0 : i32
      %dma_wait3A_62 = tpu.memref_slice %dma_wait3A_60[%add3A_38, %dma_wait3A_61] : memref<10240x128xf32, #tpu.memory_space<hbm>> -> memref<128x128xf32, #tpu.memory_space<hbm>>
      %dma_wait3A_63 = arith.constant 0 : i32
      %dma_wait3A_64 = arith.constant 0 : i32
      %dma_wait3A_65 = tpu.memref_slice %arg6[%arg0, %dma_wait3A_63, %dma_wait3A_64] : memref<2x10240x128xf32, #tpu.memory_space<hbm>> -> memref<1x10240x128xf32, #tpu.memory_space<hbm>>
      %dma_wait3A_66 = tpu.memref_squeeze %dma_wait3A_65 : memref<1x10240x128xf32, #tpu.memory_space<hbm>> -> memref<10240x128xf32, #tpu.memory_space<hbm>>
      %dma_wait3A_67 = arith.constant 0 : i32
      %dma_wait3A_68 = tpu.memref_slice %dma_wait3A_66[%add3A_38, %dma_wait3A_67] : memref<10240x128xf32, #tpu.memory_space<hbm>> -> memref<128x128xf32, #tpu.memory_space<hbm>>
      tpu.wait_dma2 semaphore(%run_scoped3A : memref<!tpu.dma_semaphore, #tpu.memory_space<semaphore_mem>>) src(%arg10 : memref<128x128xf32, #tpu.memory_space<vmem>>) dst(%dma_wait3A_68 : memref<128x128xf32, #tpu.memory_space<hbm>>)
      tpu.yield
    }) : () -> ()
    %mul3A_39 = arith.constant 640 : i32
    %mul3A_40 = arith.muli %arg1, %mul3A_39 : i32
    %add3A_41 = arith.constant 384 : i32
    %add3A_42 = arith.addi %mul3A_40, %add3A_41 : i32
    "tpu.region"() ({
      %run_scoped3A = tpu.sem_alloc : memref<!tpu.dma_semaphore, #tpu.memory_space<semaphore_mem>>
      %dma_start3A = arith.constant 0 : i32
      %dma_start3A_47 = tpu.memref_slice %arg7[%add3A_42, %dma_start3A] : memref<10240x128xf32, #tpu.memory_space<vmem_shared>> -> memref<128x128xf32, #tpu.memory_space<vmem_shared>>
      %dma_start3A_48 = arith.constant 0 : i32
      %dma_start3A_49 = tpu.memref_slice %arg7[%add3A_42, %dma_start3A_48] : memref<10240x128xf32, #tpu.memory_space<vmem_shared>> -> memref<128x128xf32, #tpu.memory_space<vmem_shared>>
      tpu.enqueue_dma source(%dma_start3A_49 : memref<128x128xf32, #tpu.memory_space<vmem_shared>>) target(%arg10 : memref<128x128xf32, #tpu.memory_space<vmem>>) target_semaphore(%run_scoped3A : memref<!tpu.dma_semaphore, #tpu.memory_space<semaphore_mem>>)
      %dma_wait3A = arith.constant 0 : i32
      %dma_wait3A_50 = tpu.memref_slice %arg7[%add3A_42, %dma_wait3A] : memref<10240x128xf32, #tpu.memory_space<vmem_shared>> -> memref<128x128xf32, #tpu.memory_space<vmem_shared>>
      %dma_wait3A_51 = arith.constant 0 : i32
      %dma_wait3A_52 = tpu.memref_slice %arg7[%add3A_42, %dma_wait3A_51] : memref<10240x128xf32, #tpu.memory_space<vmem_shared>> -> memref<128x128xf32, #tpu.memory_space<vmem_shared>>
      tpu.wait_dma2 semaphore(%run_scoped3A : memref<!tpu.dma_semaphore, #tpu.memory_space<semaphore_mem>>) src(%dma_wait3A_52 : memref<128x128xf32, #tpu.memory_space<vmem_shared>>) dst(%arg10 : memref<128x128xf32, #tpu.memory_space<vmem>>)
      tpu.yield
    }) : () -> ()
    "tpu.region"() ({
      %run_scoped3A = tpu.sem_alloc : memref<!tpu.dma_semaphore, #tpu.memory_space<semaphore_mem>>
      %dma_start3A = arith.constant 0 : i32
      %dma_start3A_47 = arith.constant 0 : i32
      %dma_start3A_48 = tpu.memref_slice %arg6[%arg0, %dma_start3A, %dma_start3A_47] : memref<2x10240x128xf32, #tpu.memory_space<hbm>> -> memref<1x10240x128xf32, #tpu.memory_space<hbm>>
      %dma_start3A_49 = tpu.memref_squeeze %dma_start3A_48 : memref<1x10240x128xf32, #tpu.memory_space<hbm>> -> memref<10240x128xf32, #tpu.memory_space<hbm>>
      %dma_start3A_50 = arith.constant 0 : i32
      %dma_start3A_51 = tpu.memref_slice %dma_start3A_49[%add3A_42, %dma_start3A_50] : memref<10240x128xf32, #tpu.memory_space<hbm>> -> memref<128x128xf32, #tpu.memory_space<hbm>>
      %dma_start3A_52 = arith.constant 0 : i32
      %dma_start3A_53 = arith.constant 0 : i32
      %dma_start3A_54 = tpu.memref_slice %arg6[%arg0, %dma_start3A_52, %dma_start3A_53] : memref<2x10240x128xf32, #tpu.memory_space<hbm>> -> memref<1x10240x128xf32, #tpu.memory_space<hbm>>
      %dma_start3A_55 = tpu.memref_squeeze %dma_start3A_54 : memref<1x10240x128xf32, #tpu.memory_space<hbm>> -> memref<10240x128xf32, #tpu.memory_space<hbm>>
      %dma_start3A_56 = arith.constant 0 : i32
      %dma_start3A_57 = tpu.memref_slice %dma_start3A_55[%add3A_42, %dma_start3A_56] : memref<10240x128xf32, #tpu.memory_space<hbm>> -> memref<128x128xf32, #tpu.memory_space<hbm>>
      tpu.enqueue_dma source(%arg10 : memref<128x128xf32, #tpu.memory_space<vmem>>) target(%dma_start3A_57 : memref<128x128xf32, #tpu.memory_space<hbm>>) target_semaphore(%run_scoped3A : memref<!tpu.dma_semaphore, #tpu.memory_space<semaphore_mem>>)
      %dma_wait3A = arith.constant 0 : i32
      %dma_wait3A_58 = arith.constant 0 : i32
      %dma_wait3A_59 = tpu.memref_slice %arg6[%arg0, %dma_wait3A, %dma_wait3A_58] : memref<2x10240x128xf32, #tpu.memory_space<hbm>> -> memref<1x10240x128xf32, #tpu.memory_space<hbm>>
      %dma_wait3A_60 = tpu.memref_squeeze %dma_wait3A_59 : memref<1x10240x128xf32, #tpu.memory_space<hbm>> -> memref<10240x128xf32, #tpu.memory_space<hbm>>
      %dma_wait3A_61 = arith.constant 0 : i32
      %dma_wait3A_62 = tpu.memref_slice %dma_wait3A_60[%add3A_42, %dma_wait3A_61] : memref<10240x128xf32, #tpu.memory_space<hbm>> -> memref<128x128xf32, #tpu.memory_space<hbm>>
      %dma_wait3A_63 = arith.constant 0 : i32
      %dma_wait3A_64 = arith.constant 0 : i32
      %dma_wait3A_65 = tpu.memref_slice %arg6[%arg0, %dma_wait3A_63, %dma_wait3A_64] : memref<2x10240x128xf32, #tpu.memory_space<hbm>> -> memref<1x10240x128xf32, #tpu.memory_space<hbm>>
      %dma_wait3A_66 = tpu.memref_squeeze %dma_wait3A_65 : memref<1x10240x128xf32, #tpu.memory_space<hbm>> -> memref<10240x128xf32, #tpu.memory_space<hbm>>
      %dma_wait3A_67 = arith.constant 0 : i32
      %dma_wait3A_68 = tpu.memref_slice %dma_wait3A_66[%add3A_42, %dma_wait3A_67] : memref<10240x128xf32, #tpu.memory_space<hbm>> -> memref<128x128xf32, #tpu.memory_space<hbm>>
      tpu.wait_dma2 semaphore(%run_scoped3A : memref<!tpu.dma_semaphore, #tpu.memory_space<semaphore_mem>>) src(%arg10 : memref<128x128xf32, #tpu.memory_space<vmem>>) dst(%dma_wait3A_68 : memref<128x128xf32, #tpu.memory_space<hbm>>)
      tpu.yield
    }) : () -> ()
    %mul3A_43 = arith.constant 640 : i32
    %mul3A_44 = arith.muli %arg1, %mul3A_43 : i32
    %add3A_45 = arith.constant 512 : i32
    %add3A_46 = arith.addi %mul3A_44, %add3A_45 : i32
    "tpu.region"() ({
      %run_scoped3A = tpu.sem_alloc : memref<!tpu.dma_semaphore, #tpu.memory_space<semaphore_mem>>
      %dma_start3A = arith.constant 0 : i32
      %dma_start3A_47 = tpu.memref_slice %arg7[%add3A_46, %dma_start3A] : memref<10240x128xf32, #tpu.memory_space<vmem_shared>> -> memref<128x128xf32, #tpu.memory_space<vmem_shared>>
      %dma_start3A_48 = arith.constant 0 : i32
      %dma_start3A_49 = tpu.memref_slice %arg7[%add3A_46, %dma_start3A_48] : memref<10240x128xf32, #tpu.memory_space<vmem_shared>> -> memref<128x128xf32, #tpu.memory_space<vmem_shared>>
      tpu.enqueue_dma source(%dma_start3A_49 : memref<128x128xf32, #tpu.memory_space<vmem_shared>>) target(%arg10 : memref<128x128xf32, #tpu.memory_space<vmem>>) target_semaphore(%run_scoped3A : memref<!tpu.dma_semaphore, #tpu.memory_space<semaphore_mem>>)
      %dma_wait3A = arith.constant 0 : i32
      %dma_wait3A_50 = tpu.memref_slice %arg7[%add3A_46, %dma_wait3A] : memref<10240x128xf32, #tpu.memory_space<vmem_shared>> -> memref<128x128xf32, #tpu.memory_space<vmem_shared>>
      %dma_wait3A_51 = arith.constant 0 : i32
      %dma_wait3A_52 = tpu.memref_slice %arg7[%add3A_46, %dma_wait3A_51] : memref<10240x128xf32, #tpu.memory_space<vmem_shared>> -> memref<128x128xf32, #tpu.memory_space<vmem_shared>>
      tpu.wait_dma2 semaphore(%run_scoped3A : memref<!tpu.dma_semaphore, #tpu.memory_space<semaphore_mem>>) src(%dma_wait3A_52 : memref<128x128xf32, #tpu.memory_space<vmem_shared>>) dst(%arg10 : memref<128x128xf32, #tpu.memory_space<vmem>>)
      tpu.yield
    }) : () -> ()
    "tpu.region"() ({
      %run_scoped3A = tpu.sem_alloc : memref<!tpu.dma_semaphore, #tpu.memory_space<semaphore_mem>>
      %dma_start3A = arith.constant 0 : i32
      %dma_start3A_47 = arith.constant 0 : i32
      %dma_start3A_48 = tpu.memref_slice %arg6[%arg0, %dma_start3A, %dma_start3A_47] : memref<2x10240x128xf32, #tpu.memory_space<hbm>> -> memref<1x10240x128xf32, #tpu.memory_space<hbm>>
      %dma_start3A_49 = tpu.memref_squeeze %dma_start3A_48 : memref<1x10240x128xf32, #tpu.memory_space<hbm>> -> memref<10240x128xf32, #tpu.memory_space<hbm>>
      %dma_start3A_50 = arith.constant 0 : i32
      %dma_start3A_51 = tpu.memref_slice %dma_start3A_49[%add3A_46, %dma_start3A_50] : memref<10240x128xf32, #tpu.memory_space<hbm>> -> memref<128x128xf32, #tpu.memory_space<hbm>>
      %dma_start3A_52 = arith.constant 0 : i32
      %dma_start3A_53 = arith.constant 0 : i32
      %dma_start3A_54 = tpu.memref_slice %arg6[%arg0, %dma_start3A_52, %dma_start3A_53] : memref<2x10240x128xf32, #tpu.memory_space<hbm>> -> memref<1x10240x128xf32, #tpu.memory_space<hbm>>
      %dma_start3A_55 = tpu.memref_squeeze %dma_start3A_54 : memref<1x10240x128xf32, #tpu.memory_space<hbm>> -> memref<10240x128xf32, #tpu.memory_space<hbm>>
      %dma_start3A_56 = arith.constant 0 : i32
      %dma_start3A_57 = tpu.memref_slice %dma_start3A_55[%add3A_46, %dma_start3A_56] : memref<10240x128xf32, #tpu.memory_space<hbm>> -> memref<128x128xf32, #tpu.memory_space<hbm>>
      tpu.enqueue_dma source(%arg10 : memref<128x128xf32, #tpu.memory_space<vmem>>) target(%dma_start3A_57 : memref<128x128xf32, #tpu.memory_space<hbm>>) target_semaphore(%run_scoped3A : memref<!tpu.dma_semaphore, #tpu.memory_space<semaphore_mem>>)
      %dma_wait3A = arith.constant 0 : i32
      %dma_wait3A_58 = arith.constant 0 : i32
      %dma_wait3A_59 = tpu.memref_slice %arg6[%arg0, %dma_wait3A, %dma_wait3A_58] : memref<2x10240x128xf32, #tpu.memory_space<hbm>> -> memref<1x10240x128xf32, #tpu.memory_space<hbm>>
      %dma_wait3A_60 = tpu.memref_squeeze %dma_wait3A_59 : memref<1x10240x128xf32, #tpu.memory_space<hbm>> -> memref<10240x128xf32, #tpu.memory_space<hbm>>
      %dma_wait3A_61 = arith.constant 0 : i32
      %dma_wait3A_62 = tpu.memref_slice %dma_wait3A_60[%add3A_46, %dma_wait3A_61] : memref<10240x128xf32, #tpu.memory_space<hbm>> -> memref<128x128xf32, #tpu.memory_space<hbm>>
      %dma_wait3A_63 = arith.constant 0 : i32
      %dma_wait3A_64 = arith.constant 0 : i32
      %dma_wait3A_65 = tpu.memref_slice %arg6[%arg0, %dma_wait3A_63, %dma_wait3A_64] : memref<2x10240x128xf32, #tpu.memory_space<hbm>> -> memref<1x10240x128xf32, #tpu.memory_space<hbm>>
      %dma_wait3A_66 = tpu.memref_squeeze %dma_wait3A_65 : memref<1x10240x128xf32, #tpu.memory_space<hbm>> -> memref<10240x128xf32, #tpu.memory_space<hbm>>
      %dma_wait3A_67 = arith.constant 0 : i32
      %dma_wait3A_68 = tpu.memref_slice %dma_wait3A_66[%add3A_46, %dma_wait3A_67] : memref<10240x128xf32, #tpu.memory_space<hbm>> -> memref<128x128xf32, #tpu.memory_space<hbm>>
      tpu.wait_dma2 semaphore(%run_scoped3A : memref<!tpu.dma_semaphore, #tpu.memory_space<semaphore_mem>>) src(%arg10 : memref<128x128xf32, #tpu.memory_space<vmem>>) dst(%dma_wait3A_68 : memref<128x128xf32, #tpu.memory_space<hbm>>)
      tpu.yield
    }) : () -> ()
    return
  }
}

#map = affine_map<(d0, d1) -> (0, 0)>
#map1 = affine_map<(d0, d1) -> (0, 0, 0)>
module attributes {stable_mosaic.version = 14 : i64} {
  func.func @_sc_agg_body(%arg0: i32, %arg1: i32, %arg2: memref<81920x128xf32, #tpu.memory_space<hbm>>, %arg3: memref<32x79x128xi32, #tpu.memory_space<hbm>>, %arg4: memref<32x79x128xi32, #tpu.memory_space<hbm>>, %arg5: memref<128x128xf32, #tpu.memory_space<hbm>>, %arg6: memref<2x10240x128xf32, #tpu.memory_space<hbm>>, %arg7: memref<10240x128xf32, #tpu.memory_space<vmem_shared>>, %arg8: memref<79x128xi32, #tpu.memory_space<vmem>>, %arg9: memref<79x128xi32, #tpu.memory_space<vmem>>, %arg10: memref<128x128xf32, #tpu.memory_space<vmem>>, %arg11: memref<!tpu.dma_semaphore, #tpu.memory_space<semaphore_mem>>) attributes {dimension_semantics = [#tpu.dimension_semantics<core_parallel>, #tpu.dimension_semantics<subcore_parallel>], iteration_bounds = array<i64: 2, 16>, scalar_prefetch = 0 : i64, scratch_operands = 5 : i64, tpu.core_type = #tpu.core_type<sc_vector_subcore>, window_params = [{transform_indices = #map}, {transform_indices = #map1}, {transform_indices = #map1}, {transform_indices = #map}, {transform_indices = #map1}]} {
    %mul3A = arith.constant 16 : i32
    %mul3A_0 = arith.muli %arg0, %mul3A : i32
    %add3A = arith.addi %mul3A_0, %arg1 : i32
    "tpu.region"() ({
      %run_scoped3A = tpu.sem_alloc : memref<!tpu.dma_semaphore, #tpu.memory_space<semaphore_mem>>
      %dma_start3A = arith.constant 0 : i32
      %dma_start3A_47 = arith.constant 0 : i32
      %dma_start3A_48 = tpu.memref_slice %arg3[%add3A, %dma_start3A, %dma_start3A_47] : memref<32x79x128xi32, #tpu.memory_space<hbm>> -> memref<1x79x128xi32, #tpu.memory_space<hbm>>
      %dma_start3A_49 = tpu.memref_squeeze %dma_start3A_48 : memref<1x79x128xi32, #tpu.memory_space<hbm>> -> memref<79x128xi32, #tpu.memory_space<hbm>>
      %dma_start3A_50 = arith.constant 0 : i32
      %dma_start3A_51 = arith.constant 0 : i32
      %dma_start3A_52 = tpu.memref_slice %arg3[%add3A, %dma_start3A_50, %dma_start3A_51] : memref<32x79x128xi32, #tpu.memory_space<hbm>> -> memref<1x79x128xi32, #tpu.memory_space<hbm>>
      %dma_start3A_53 = tpu.memref_squeeze %dma_start3A_52 : memref<1x79x128xi32, #tpu.memory_space<hbm>> -> memref<79x128xi32, #tpu.memory_space<hbm>>
      tpu.enqueue_dma source(%dma_start3A_53 : memref<79x128xi32, #tpu.memory_space<hbm>>) target(%arg8 : memref<79x128xi32, #tpu.memory_space<vmem>>) target_semaphore(%run_scoped3A : memref<!tpu.dma_semaphore, #tpu.memory_space<semaphore_mem>>)
      %dma_wait3A = arith.constant 0 : i32
      %dma_wait3A_54 = arith.constant 0 : i32
      %dma_wait3A_55 = tpu.memref_slice %arg3[%add3A, %dma_wait3A, %dma_wait3A_54] : memref<32x79x128xi32, #tpu.memory_space<hbm>> -> memref<1x79x128xi32, #tpu.memory_space<hbm>>
      %dma_wait3A_56 = tpu.memref_squeeze %dma_wait3A_55 : memref<1x79x128xi32, #tpu.memory_space<hbm>> -> memref<79x128xi32, #tpu.memory_space<hbm>>
      %dma_wait3A_57 = arith.constant 0 : i32
      %dma_wait3A_58 = arith.constant 0 : i32
      %dma_wait3A_59 = tpu.memref_slice %arg3[%add3A, %dma_wait3A_57, %dma_wait3A_58] : memref<32x79x128xi32, #tpu.memory_space<hbm>> -> memref<1x79x128xi32, #tpu.memory_space<hbm>>
      %dma_wait3A_60 = tpu.memref_squeeze %dma_wait3A_59 : memref<1x79x128xi32, #tpu.memory_space<hbm>> -> memref<79x128xi32, #tpu.memory_space<hbm>>
      tpu.wait_dma2 semaphore(%run_scoped3A : memref<!tpu.dma_semaphore, #tpu.memory_space<semaphore_mem>>) src(%dma_wait3A_60 : memref<79x128xi32, #tpu.memory_space<hbm>>) dst(%arg8 : memref<79x128xi32, #tpu.memory_space<vmem>>)
      tpu.yield
    }) : () -> ()
    "tpu.region"() ({
      %run_scoped3A = tpu.sem_alloc : memref<!tpu.dma_semaphore, #tpu.memory_space<semaphore_mem>>
      %dma_start3A = arith.constant 0 : i32
      %dma_start3A_47 = arith.constant 0 : i32
      %dma_start3A_48 = tpu.memref_slice %arg4[%add3A, %dma_start3A, %dma_start3A_47] : memref<32x79x128xi32, #tpu.memory_space<hbm>> -> memref<1x79x128xi32, #tpu.memory_space<hbm>>
      %dma_start3A_49 = tpu.memref_squeeze %dma_start3A_48 : memref<1x79x128xi32, #tpu.memory_space<hbm>> -> memref<79x128xi32, #tpu.memory_space<hbm>>
      %dma_start3A_50 = arith.constant 0 : i32
      %dma_start3A_51 = arith.constant 0 : i32
      %dma_start3A_52 = tpu.memref_slice %arg4[%add3A, %dma_start3A_50, %dma_start3A_51] : memref<32x79x128xi32, #tpu.memory_space<hbm>> -> memref<1x79x128xi32, #tpu.memory_space<hbm>>
      %dma_start3A_53 = tpu.memref_squeeze %dma_start3A_52 : memref<1x79x128xi32, #tpu.memory_space<hbm>> -> memref<79x128xi32, #tpu.memory_space<hbm>>
      tpu.enqueue_dma source(%dma_start3A_53 : memref<79x128xi32, #tpu.memory_space<hbm>>) target(%arg9 : memref<79x128xi32, #tpu.memory_space<vmem>>) target_semaphore(%run_scoped3A : memref<!tpu.dma_semaphore, #tpu.memory_space<semaphore_mem>>)
      %dma_wait3A = arith.constant 0 : i32
      %dma_wait3A_54 = arith.constant 0 : i32
      %dma_wait3A_55 = tpu.memref_slice %arg4[%add3A, %dma_wait3A, %dma_wait3A_54] : memref<32x79x128xi32, #tpu.memory_space<hbm>> -> memref<1x79x128xi32, #tpu.memory_space<hbm>>
      %dma_wait3A_56 = tpu.memref_squeeze %dma_wait3A_55 : memref<1x79x128xi32, #tpu.memory_space<hbm>> -> memref<79x128xi32, #tpu.memory_space<hbm>>
      %dma_wait3A_57 = arith.constant 0 : i32
      %dma_wait3A_58 = arith.constant 0 : i32
      %dma_wait3A_59 = tpu.memref_slice %arg4[%add3A, %dma_wait3A_57, %dma_wait3A_58] : memref<32x79x128xi32, #tpu.memory_space<hbm>> -> memref<1x79x128xi32, #tpu.memory_space<hbm>>
      %dma_wait3A_60 = tpu.memref_squeeze %dma_wait3A_59 : memref<1x79x128xi32, #tpu.memory_space<hbm>> -> memref<79x128xi32, #tpu.memory_space<hbm>>
      tpu.wait_dma2 semaphore(%run_scoped3A : memref<!tpu.dma_semaphore, #tpu.memory_space<semaphore_mem>>) src(%dma_wait3A_60 : memref<79x128xi32, #tpu.memory_space<hbm>>) dst(%arg9 : memref<79x128xi32, #tpu.memory_space<vmem>>)
      tpu.yield
    }) : () -> ()
    "tpu.region"() ({
      %run_scoped3A = tpu.sem_alloc : memref<!tpu.dma_semaphore, #tpu.memory_space<semaphore_mem>>
      tpu.enqueue_dma source(%arg5 : memref<128x128xf32, #tpu.memory_space<hbm>>) target(%arg10 : memref<128x128xf32, #tpu.memory_space<vmem>>) target_semaphore(%run_scoped3A : memref<!tpu.dma_semaphore, #tpu.memory_space<semaphore_mem>>)
      tpu.wait_dma2 semaphore(%run_scoped3A : memref<!tpu.dma_semaphore, #tpu.memory_space<semaphore_mem>>) src(%arg5 : memref<128x128xf32, #tpu.memory_space<hbm>>) dst(%arg10 : memref<128x128xf32, #tpu.memory_space<vmem>>)
      tpu.yield
    }) : () -> ()
    %mul3A_1 = arith.constant 640 : i32
    %mul3A_2 = arith.muli %arg1, %mul3A_1 : i32
    %add3A_3 = arith.constant 0 : i32
    %add3A_4 = arith.addi %mul3A_2, %add3A_3 : i32
    "tpu.region"() ({
      %run_scoped3A = tpu.sem_alloc : memref<!tpu.dma_semaphore, #tpu.memory_space<semaphore_mem>>
      %dma_start3A = arith.constant 0 : i32
      %dma_start3A_47 = tpu.memref_slice %arg7[%add3A_4, %dma_start3A] : memref<10240x128xf32, #tpu.memory_space<vmem_shared>> -> memref<128x128xf32, #tpu.memory_space<vmem_shared>>
      %dma_start3A_48 = arith.constant 0 : i32
      %dma_start3A_49 = tpu.memref_slice %arg7[%add3A_4, %dma_start3A_48] : memref<10240x128xf32, #tpu.memory_space<vmem_shared>> -> memref<128x128xf32, #tpu.memory_space<vmem_shared>>
      tpu.enqueue_dma source(%arg10 : memref<128x128xf32, #tpu.memory_space<vmem>>) target(%dma_start3A_49 : memref<128x128xf32, #tpu.memory_space<vmem_shared>>) target_semaphore(%run_scoped3A : memref<!tpu.dma_semaphore, #tpu.memory_space<semaphore_mem>>)
      %dma_wait3A = arith.constant 0 : i32
      %dma_wait3A_50 = tpu.memref_slice %arg7[%add3A_4, %dma_wait3A] : memref<10240x128xf32, #tpu.memory_space<vmem_shared>> -> memref<128x128xf32, #tpu.memory_space<vmem_shared>>
      %dma_wait3A_51 = arith.constant 0 : i32
      %dma_wait3A_52 = tpu.memref_slice %arg7[%add3A_4, %dma_wait3A_51] : memref<10240x128xf32, #tpu.memory_space<vmem_shared>> -> memref<128x128xf32, #tpu.memory_space<vmem_shared>>
      tpu.wait_dma2 semaphore(%run_scoped3A : memref<!tpu.dma_semaphore, #tpu.memory_space<semaphore_mem>>) src(%arg10 : memref<128x128xf32, #tpu.memory_space<vmem>>) dst(%dma_wait3A_52 : memref<128x128xf32, #tpu.memory_space<vmem_shared>>)
      tpu.yield
    }) : () -> ()
    %mul3A_5 = arith.constant 640 : i32
    %mul3A_6 = arith.muli %arg1, %mul3A_5 : i32
    %add3A_7 = arith.constant 128 : i32
    %add3A_8 = arith.addi %mul3A_6, %add3A_7 : i32
    "tpu.region"() ({
      %run_scoped3A = tpu.sem_alloc : memref<!tpu.dma_semaphore, #tpu.memory_space<semaphore_mem>>
      %dma_start3A = arith.constant 0 : i32
      %dma_start3A_47 = tpu.memref_slice %arg7[%add3A_8, %dma_start3A] : memref<10240x128xf32, #tpu.memory_space<vmem_shared>> -> memref<128x128xf32, #tpu.memory_space<vmem_shared>>
      %dma_start3A_48 = arith.constant 0 : i32
      %dma_start3A_49 = tpu.memref_slice %arg7[%add3A_8, %dma_start3A_48] : memref<10240x128xf32, #tpu.memory_space<vmem_shared>> -> memref<128x128xf32, #tpu.memory_space<vmem_shared>>
      tpu.enqueue_dma source(%arg10 : memref<128x128xf32, #tpu.memory_space<vmem>>) target(%dma_start3A_49 : memref<128x128xf32, #tpu.memory_space<vmem_shared>>) target_semaphore(%run_scoped3A : memref<!tpu.dma_semaphore, #tpu.memory_space<semaphore_mem>>)
      %dma_wait3A = arith.constant 0 : i32
      %dma_wait3A_50 = tpu.memref_slice %arg7[%add3A_8, %dma_wait3A] : memref<10240x128xf32, #tpu.memory_space<vmem_shared>> -> memref<128x128xf32, #tpu.memory_space<vmem_shared>>
      %dma_wait3A_51 = arith.constant 0 : i32
      %dma_wait3A_52 = tpu.memref_slice %arg7[%add3A_8, %dma_wait3A_51] : memref<10240x128xf32, #tpu.memory_space<vmem_shared>> -> memref<128x128xf32, #tpu.memory_space<vmem_shared>>
      tpu.wait_dma2 semaphore(%run_scoped3A : memref<!tpu.dma_semaphore, #tpu.memory_space<semaphore_mem>>) src(%arg10 : memref<128x128xf32, #tpu.memory_space<vmem>>) dst(%dma_wait3A_52 : memref<128x128xf32, #tpu.memory_space<vmem_shared>>)
      tpu.yield
    }) : () -> ()
    %mul3A_9 = arith.constant 640 : i32
    %mul3A_10 = arith.muli %arg1, %mul3A_9 : i32
    %add3A_11 = arith.constant 256 : i32
    %add3A_12 = arith.addi %mul3A_10, %add3A_11 : i32
    "tpu.region"() ({
      %run_scoped3A = tpu.sem_alloc : memref<!tpu.dma_semaphore, #tpu.memory_space<semaphore_mem>>
      %dma_start3A = arith.constant 0 : i32
      %dma_start3A_47 = tpu.memref_slice %arg7[%add3A_12, %dma_start3A] : memref<10240x128xf32, #tpu.memory_space<vmem_shared>> -> memref<128x128xf32, #tpu.memory_space<vmem_shared>>
      %dma_start3A_48 = arith.constant 0 : i32
      %dma_start3A_49 = tpu.memref_slice %arg7[%add3A_12, %dma_start3A_48] : memref<10240x128xf32, #tpu.memory_space<vmem_shared>> -> memref<128x128xf32, #tpu.memory_space<vmem_shared>>
      tpu.enqueue_dma source(%arg10 : memref<128x128xf32, #tpu.memory_space<vmem>>) target(%dma_start3A_49 : memref<128x128xf32, #tpu.memory_space<vmem_shared>>) target_semaphore(%run_scoped3A : memref<!tpu.dma_semaphore, #tpu.memory_space<semaphore_mem>>)
      %dma_wait3A = arith.constant 0 : i32
      %dma_wait3A_50 = tpu.memref_slice %arg7[%add3A_12, %dma_wait3A] : memref<10240x128xf32, #tpu.memory_space<vmem_shared>> -> memref<128x128xf32, #tpu.memory_space<vmem_shared>>
      %dma_wait3A_51 = arith.constant 0 : i32
      %dma_wait3A_52 = tpu.memref_slice %arg7[%add3A_12, %dma_wait3A_51] : memref<10240x128xf32, #tpu.memory_space<vmem_shared>> -> memref<128x128xf32, #tpu.memory_space<vmem_shared>>
      tpu.wait_dma2 semaphore(%run_scoped3A : memref<!tpu.dma_semaphore, #tpu.memory_space<semaphore_mem>>) src(%arg10 : memref<128x128xf32, #tpu.memory_space<vmem>>) dst(%dma_wait3A_52 : memref<128x128xf32, #tpu.memory_space<vmem_shared>>)
      tpu.yield
    }) : () -> ()
    %mul3A_13 = arith.constant 640 : i32
    %mul3A_14 = arith.muli %arg1, %mul3A_13 : i32
    %add3A_15 = arith.constant 384 : i32
    %add3A_16 = arith.addi %mul3A_14, %add3A_15 : i32
    "tpu.region"() ({
      %run_scoped3A = tpu.sem_alloc : memref<!tpu.dma_semaphore, #tpu.memory_space<semaphore_mem>>
      %dma_start3A = arith.constant 0 : i32
      %dma_start3A_47 = tpu.memref_slice %arg7[%add3A_16, %dma_start3A] : memref<10240x128xf32, #tpu.memory_space<vmem_shared>> -> memref<128x128xf32, #tpu.memory_space<vmem_shared>>
      %dma_start3A_48 = arith.constant 0 : i32
      %dma_start3A_49 = tpu.memref_slice %arg7[%add3A_16, %dma_start3A_48] : memref<10240x128xf32, #tpu.memory_space<vmem_shared>> -> memref<128x128xf32, #tpu.memory_space<vmem_shared>>
      tpu.enqueue_dma source(%arg10 : memref<128x128xf32, #tpu.memory_space<vmem>>) target(%dma_start3A_49 : memref<128x128xf32, #tpu.memory_space<vmem_shared>>) target_semaphore(%run_scoped3A : memref<!tpu.dma_semaphore, #tpu.memory_space<semaphore_mem>>)
      %dma_wait3A = arith.constant 0 : i32
      %dma_wait3A_50 = tpu.memref_slice %arg7[%add3A_16, %dma_wait3A] : memref<10240x128xf32, #tpu.memory_space<vmem_shared>> -> memref<128x128xf32, #tpu.memory_space<vmem_shared>>
      %dma_wait3A_51 = arith.constant 0 : i32
      %dma_wait3A_52 = tpu.memref_slice %arg7[%add3A_16, %dma_wait3A_51] : memref<10240x128xf32, #tpu.memory_space<vmem_shared>> -> memref<128x128xf32, #tpu.memory_space<vmem_shared>>
      tpu.wait_dma2 semaphore(%run_scoped3A : memref<!tpu.dma_semaphore, #tpu.memory_space<semaphore_mem>>) src(%arg10 : memref<128x128xf32, #tpu.memory_space<vmem>>) dst(%dma_wait3A_52 : memref<128x128xf32, #tpu.memory_space<vmem_shared>>)
      tpu.yield
    }) : () -> ()
    %mul3A_17 = arith.constant 640 : i32
    %mul3A_18 = arith.muli %arg1, %mul3A_17 : i32
    %add3A_19 = arith.constant 512 : i32
    %add3A_20 = arith.addi %mul3A_18, %add3A_19 : i32
    "tpu.region"() ({
      %run_scoped3A = tpu.sem_alloc : memref<!tpu.dma_semaphore, #tpu.memory_space<semaphore_mem>>
      %dma_start3A = arith.constant 0 : i32
      %dma_start3A_47 = tpu.memref_slice %arg7[%add3A_20, %dma_start3A] : memref<10240x128xf32, #tpu.memory_space<vmem_shared>> -> memref<128x128xf32, #tpu.memory_space<vmem_shared>>
      %dma_start3A_48 = arith.constant 0 : i32
      %dma_start3A_49 = tpu.memref_slice %arg7[%add3A_20, %dma_start3A_48] : memref<10240x128xf32, #tpu.memory_space<vmem_shared>> -> memref<128x128xf32, #tpu.memory_space<vmem_shared>>
      tpu.enqueue_dma source(%arg10 : memref<128x128xf32, #tpu.memory_space<vmem>>) target(%dma_start3A_49 : memref<128x128xf32, #tpu.memory_space<vmem_shared>>) target_semaphore(%run_scoped3A : memref<!tpu.dma_semaphore, #tpu.memory_space<semaphore_mem>>)
      %dma_wait3A = arith.constant 0 : i32
      %dma_wait3A_50 = tpu.memref_slice %arg7[%add3A_20, %dma_wait3A] : memref<10240x128xf32, #tpu.memory_space<vmem_shared>> -> memref<128x128xf32, #tpu.memory_space<vmem_shared>>
      %dma_wait3A_51 = arith.constant 0 : i32
      %dma_wait3A_52 = tpu.memref_slice %arg7[%add3A_20, %dma_wait3A_51] : memref<10240x128xf32, #tpu.memory_space<vmem_shared>> -> memref<128x128xf32, #tpu.memory_space<vmem_shared>>
      tpu.wait_dma2 semaphore(%run_scoped3A : memref<!tpu.dma_semaphore, #tpu.memory_space<semaphore_mem>>) src(%arg10 : memref<128x128xf32, #tpu.memory_space<vmem>>) dst(%dma_wait3A_52 : memref<128x128xf32, #tpu.memory_space<vmem_shared>>)
      tpu.yield
    }) : () -> ()
    %barrier3A = arith.constant 0 : index
    tpu.barrier barrier_id(%barrier3A)
    %scan3A = arith.constant 0 : i32
    %scan3A_21 = arith.constant 0 : i32
    %scan3A_22 = arith.constant 79 : i32
    %scan3A_23 = arith.addi %scan3A_21, %scan3A_22 : i32
    %scan3A_24 = arith.constant 1 : i32
    scf.for %scan3A_47 = %scan3A_21 to %scan3A_23 step %scan3A_24  : i32 {
      %dma_start3A = arith.constant 0 : i32
      %dma_start3A_48 = tpu.memref_slice %arg8[%scan3A_47, %dma_start3A] : memref<79x128xi32, #tpu.memory_space<vmem>> -> memref<1x128xi32, #tpu.memory_space<vmem>>
      %dma_start3A_49 = tpu.memref_squeeze %dma_start3A_48 : memref<1x128xi32, #tpu.memory_space<vmem>> -> memref<128xi32, #tpu.memory_space<vmem>>
      %dma_start3A_50 = arith.constant 0 : i32
      %dma_start3A_51 = arith.constant 0 : i32
      %dma_start3A_52 = tpu.memref_slice %arg2[%dma_start3A_50, %dma_start3A_51] : memref<81920x128xf32, #tpu.memory_space<hbm>> -> memref<81920x128xf32, #tpu.memory_space<hbm>>
      tpu.enqueue_indirect_dma source(%dma_start3A_52 : memref<81920x128xf32, #tpu.memory_space<hbm>>) target(%arg10 : memref<128x128xf32, #tpu.memory_space<vmem>>) offsets(%dma_start3A_49 : memref<128xi32, #tpu.memory_space<vmem>>) semaphore(%arg11 : memref<!tpu.dma_semaphore, #tpu.memory_space<semaphore_mem>>)
      %dma_wait3A = arith.constant 0 : i32
      %dma_wait3A_53 = tpu.memref_slice %arg8[%scan3A_47, %dma_wait3A] : memref<79x128xi32, #tpu.memory_space<vmem>> -> memref<1x128xi32, #tpu.memory_space<vmem>>
      %dma_wait3A_54 = tpu.memref_squeeze %dma_wait3A_53 : memref<1x128xi32, #tpu.memory_space<vmem>> -> memref<128xi32, #tpu.memory_space<vmem>>
      %dma_wait3A_55 = arith.constant 0 : i32
      %dma_wait3A_56 = arith.constant 0 : i32
      %dma_wait3A_57 = tpu.memref_slice %arg2[%dma_wait3A_55, %dma_wait3A_56] : memref<81920x128xf32, #tpu.memory_space<hbm>> -> memref<81920x128xf32, #tpu.memory_space<hbm>>
      tpu.wait_indirect_dma semaphore(%arg11 : memref<!tpu.dma_semaphore, #tpu.memory_space<semaphore_mem>>) src(%dma_wait3A_57 : memref<81920x128xf32, #tpu.memory_space<hbm>>) dst(%arg10 : memref<128x128xf32, #tpu.memory_space<vmem>>)
      "tpu.region"() ({
        %run_scoped3A = tpu.sem_alloc : memref<!tpu.dma_semaphore, #tpu.memory_space<semaphore_mem>>
        %dma_start3A_58 = arith.constant 0 : i32
        %dma_start3A_59 = tpu.memref_slice %arg9[%scan3A_47, %dma_start3A_58] : memref<79x128xi32, #tpu.memory_space<vmem>> -> memref<1x128xi32, #tpu.memory_space<vmem>>
        %dma_start3A_60 = tpu.memref_squeeze %dma_start3A_59 : memref<1x128xi32, #tpu.memory_space<vmem>> -> memref<128xi32, #tpu.memory_space<vmem>>
        %dma_start3A_61 = arith.constant 0 : i32
        %dma_start3A_62 = arith.constant 0 : i32
        %dma_start3A_63 = tpu.memref_slice %arg7[%dma_start3A_61, %dma_start3A_62] : memref<10240x128xf32, #tpu.memory_space<vmem_shared>> -> memref<10240x128xf32, #tpu.memory_space<vmem_shared>>
        tpu.enqueue_indirect_dma source(%arg10 : memref<128x128xf32, #tpu.memory_space<vmem>>) target(%dma_start3A_63 : memref<10240x128xf32, #tpu.memory_space<vmem_shared>>) offsets(%dma_start3A_60 : memref<128xi32, #tpu.memory_space<vmem>>) semaphore(%run_scoped3A : memref<!tpu.dma_semaphore, #tpu.memory_space<semaphore_mem>>) {add = true}
        %dma_wait3A_64 = arith.constant 0 : i32
        %dma_wait3A_65 = tpu.memref_slice %arg9[%scan3A_47, %dma_wait3A_64] : memref<79x128xi32, #tpu.memory_space<vmem>> -> memref<1x128xi32, #tpu.memory_space<vmem>>
        %dma_wait3A_66 = tpu.memref_squeeze %dma_wait3A_65 : memref<1x128xi32, #tpu.memory_space<vmem>> -> memref<128xi32, #tpu.memory_space<vmem>>
        %dma_wait3A_67 = arith.constant 0 : i32
        %dma_wait3A_68 = arith.constant 0 : i32
        %dma_wait3A_69 = tpu.memref_slice %arg7[%dma_wait3A_67, %dma_wait3A_68] : memref<10240x128xf32, #tpu.memory_space<vmem_shared>> -> memref<10240x128xf32, #tpu.memory_space<vmem_shared>>
        tpu.wait_indirect_dma semaphore(%run_scoped3A : memref<!tpu.dma_semaphore, #tpu.memory_space<semaphore_mem>>) src(%arg10 : memref<128x128xf32, #tpu.memory_space<vmem>>) dst(%dma_wait3A_69 : memref<10240x128xf32, #tpu.memory_space<vmem_shared>>)
        tpu.yield
      }) : () -> ()
    }
    %scan3A_25 = arith.constant 79 : i32
    %barrier3A_26 = arith.constant 0 : index
    tpu.barrier barrier_id(%barrier3A_26)
    %mul3A_27 = arith.constant 640 : i32
    %mul3A_28 = arith.muli %arg1, %mul3A_27 : i32
    %add3A_29 = arith.constant 0 : i32
    %add3A_30 = arith.addi %mul3A_28, %add3A_29 : i32
    "tpu.region"() ({
      %run_scoped3A = tpu.sem_alloc : memref<!tpu.dma_semaphore, #tpu.memory_space<semaphore_mem>>
      %dma_start3A = arith.constant 0 : i32
      %dma_start3A_47 = tpu.memref_slice %arg7[%add3A_30, %dma_start3A] : memref<10240x128xf32, #tpu.memory_space<vmem_shared>> -> memref<128x128xf32, #tpu.memory_space<vmem_shared>>
      %dma_start3A_48 = arith.constant 0 : i32
      %dma_start3A_49 = tpu.memref_slice %arg7[%add3A_30, %dma_start3A_48] : memref<10240x128xf32, #tpu.memory_space<vmem_shared>> -> memref<128x128xf32, #tpu.memory_space<vmem_shared>>
      tpu.enqueue_dma source(%dma_start3A_49 : memref<128x128xf32, #tpu.memory_space<vmem_shared>>) target(%arg10 : memref<128x128xf32, #tpu.memory_space<vmem>>) target_semaphore(%run_scoped3A : memref<!tpu.dma_semaphore, #tpu.memory_space<semaphore_mem>>)
      %dma_wait3A = arith.constant 0 : i32
      %dma_wait3A_50 = tpu.memref_slice %arg7[%add3A_30, %dma_wait3A] : memref<10240x128xf32, #tpu.memory_space<vmem_shared>> -> memref<128x128xf32, #tpu.memory_space<vmem_shared>>
      %dma_wait3A_51 = arith.constant 0 : i32
      %dma_wait3A_52 = tpu.memref_slice %arg7[%add3A_30, %dma_wait3A_51] : memref<10240x128xf32, #tpu.memory_space<vmem_shared>> -> memref<128x128xf32, #tpu.memory_space<vmem_shared>>
      tpu.wait_dma2 semaphore(%run_scoped3A : memref<!tpu.dma_semaphore, #tpu.memory_space<semaphore_mem>>) src(%dma_wait3A_52 : memref<128x128xf32, #tpu.memory_space<vmem_shared>>) dst(%arg10 : memref<128x128xf32, #tpu.memory_space<vmem>>)
      tpu.yield
    }) : () -> ()
    "tpu.region"() ({
      %run_scoped3A = tpu.sem_alloc : memref<!tpu.dma_semaphore, #tpu.memory_space<semaphore_mem>>
      %dma_start3A = arith.constant 0 : i32
      %dma_start3A_47 = arith.constant 0 : i32
      %dma_start3A_48 = tpu.memref_slice %arg6[%arg0, %dma_start3A, %dma_start3A_47] : memref<2x10240x128xf32, #tpu.memory_space<hbm>> -> memref<1x10240x128xf32, #tpu.memory_space<hbm>>
      %dma_start3A_49 = tpu.memref_squeeze %dma_start3A_48 : memref<1x10240x128xf32, #tpu.memory_space<hbm>> -> memref<10240x128xf32, #tpu.memory_space<hbm>>
      %dma_start3A_50 = arith.constant 0 : i32
      %dma_start3A_51 = tpu.memref_slice %dma_start3A_49[%add3A_30, %dma_start3A_50] : memref<10240x128xf32, #tpu.memory_space<hbm>> -> memref<128x128xf32, #tpu.memory_space<hbm>>
      %dma_start3A_52 = arith.constant 0 : i32
      %dma_start3A_53 = arith.constant 0 : i32
      %dma_start3A_54 = tpu.memref_slice %arg6[%arg0, %dma_start3A_52, %dma_start3A_53] : memref<2x10240x128xf32, #tpu.memory_space<hbm>> -> memref<1x10240x128xf32, #tpu.memory_space<hbm>>
      %dma_start3A_55 = tpu.memref_squeeze %dma_start3A_54 : memref<1x10240x128xf32, #tpu.memory_space<hbm>> -> memref<10240x128xf32, #tpu.memory_space<hbm>>
      %dma_start3A_56 = arith.constant 0 : i32
      %dma_start3A_57 = tpu.memref_slice %dma_start3A_55[%add3A_30, %dma_start3A_56] : memref<10240x128xf32, #tpu.memory_space<hbm>> -> memref<128x128xf32, #tpu.memory_space<hbm>>
      tpu.enqueue_dma source(%arg10 : memref<128x128xf32, #tpu.memory_space<vmem>>) target(%dma_start3A_57 : memref<128x128xf32, #tpu.memory_space<hbm>>) target_semaphore(%run_scoped3A : memref<!tpu.dma_semaphore, #tpu.memory_space<semaphore_mem>>)
      %dma_wait3A = arith.constant 0 : i32
      %dma_wait3A_58 = arith.constant 0 : i32
      %dma_wait3A_59 = tpu.memref_slice %arg6[%arg0, %dma_wait3A, %dma_wait3A_58] : memref<2x10240x128xf32, #tpu.memory_space<hbm>> -> memref<1x10240x128xf32, #tpu.memory_space<hbm>>
      %dma_wait3A_60 = tpu.memref_squeeze %dma_wait3A_59 : memref<1x10240x128xf32, #tpu.memory_space<hbm>> -> memref<10240x128xf32, #tpu.memory_space<hbm>>
      %dma_wait3A_61 = arith.constant 0 : i32
      %dma_wait3A_62 = tpu.memref_slice %dma_wait3A_60[%add3A_30, %dma_wait3A_61] : memref<10240x128xf32, #tpu.memory_space<hbm>> -> memref<128x128xf32, #tpu.memory_space<hbm>>
      %dma_wait3A_63 = arith.constant 0 : i32
      %dma_wait3A_64 = arith.constant 0 : i32
      %dma_wait3A_65 = tpu.memref_slice %arg6[%arg0, %dma_wait3A_63, %dma_wait3A_64] : memref<2x10240x128xf32, #tpu.memory_space<hbm>> -> memref<1x10240x128xf32, #tpu.memory_space<hbm>>
      %dma_wait3A_66 = tpu.memref_squeeze %dma_wait3A_65 : memref<1x10240x128xf32, #tpu.memory_space<hbm>> -> memref<10240x128xf32, #tpu.memory_space<hbm>>
      %dma_wait3A_67 = arith.constant 0 : i32
      %dma_wait3A_68 = tpu.memref_slice %dma_wait3A_66[%add3A_30, %dma_wait3A_67] : memref<10240x128xf32, #tpu.memory_space<hbm>> -> memref<128x128xf32, #tpu.memory_space<hbm>>
      tpu.wait_dma2 semaphore(%run_scoped3A : memref<!tpu.dma_semaphore, #tpu.memory_space<semaphore_mem>>) src(%arg10 : memref<128x128xf32, #tpu.memory_space<vmem>>) dst(%dma_wait3A_68 : memref<128x128xf32, #tpu.memory_space<hbm>>)
      tpu.yield
    }) : () -> ()
    %mul3A_31 = arith.constant 640 : i32
    %mul3A_32 = arith.muli %arg1, %mul3A_31 : i32
    %add3A_33 = arith.constant 128 : i32
    %add3A_34 = arith.addi %mul3A_32, %add3A_33 : i32
    "tpu.region"() ({
      %run_scoped3A = tpu.sem_alloc : memref<!tpu.dma_semaphore, #tpu.memory_space<semaphore_mem>>
      %dma_start3A = arith.constant 0 : i32
      %dma_start3A_47 = tpu.memref_slice %arg7[%add3A_34, %dma_start3A] : memref<10240x128xf32, #tpu.memory_space<vmem_shared>> -> memref<128x128xf32, #tpu.memory_space<vmem_shared>>
      %dma_start3A_48 = arith.constant 0 : i32
      %dma_start3A_49 = tpu.memref_slice %arg7[%add3A_34, %dma_start3A_48] : memref<10240x128xf32, #tpu.memory_space<vmem_shared>> -> memref<128x128xf32, #tpu.memory_space<vmem_shared>>
      tpu.enqueue_dma source(%dma_start3A_49 : memref<128x128xf32, #tpu.memory_space<vmem_shared>>) target(%arg10 : memref<128x128xf32, #tpu.memory_space<vmem>>) target_semaphore(%run_scoped3A : memref<!tpu.dma_semaphore, #tpu.memory_space<semaphore_mem>>)
      %dma_wait3A = arith.constant 0 : i32
      %dma_wait3A_50 = tpu.memref_slice %arg7[%add3A_34, %dma_wait3A] : memref<10240x128xf32, #tpu.memory_space<vmem_shared>> -> memref<128x128xf32, #tpu.memory_space<vmem_shared>>
      %dma_wait3A_51 = arith.constant 0 : i32
      %dma_wait3A_52 = tpu.memref_slice %arg7[%add3A_34, %dma_wait3A_51] : memref<10240x128xf32, #tpu.memory_space<vmem_shared>> -> memref<128x128xf32, #tpu.memory_space<vmem_shared>>
      tpu.wait_dma2 semaphore(%run_scoped3A : memref<!tpu.dma_semaphore, #tpu.memory_space<semaphore_mem>>) src(%dma_wait3A_52 : memref<128x128xf32, #tpu.memory_space<vmem_shared>>) dst(%arg10 : memref<128x128xf32, #tpu.memory_space<vmem>>)
      tpu.yield
    }) : () -> ()
    "tpu.region"() ({
      %run_scoped3A = tpu.sem_alloc : memref<!tpu.dma_semaphore, #tpu.memory_space<semaphore_mem>>
      %dma_start3A = arith.constant 0 : i32
      %dma_start3A_47 = arith.constant 0 : i32
      %dma_start3A_48 = tpu.memref_slice %arg6[%arg0, %dma_start3A, %dma_start3A_47] : memref<2x10240x128xf32, #tpu.memory_space<hbm>> -> memref<1x10240x128xf32, #tpu.memory_space<hbm>>
      %dma_start3A_49 = tpu.memref_squeeze %dma_start3A_48 : memref<1x10240x128xf32, #tpu.memory_space<hbm>> -> memref<10240x128xf32, #tpu.memory_space<hbm>>
      %dma_start3A_50 = arith.constant 0 : i32
      %dma_start3A_51 = tpu.memref_slice %dma_start3A_49[%add3A_34, %dma_start3A_50] : memref<10240x128xf32, #tpu.memory_space<hbm>> -> memref<128x128xf32, #tpu.memory_space<hbm>>
      %dma_start3A_52 = arith.constant 0 : i32
      %dma_start3A_53 = arith.constant 0 : i32
      %dma_start3A_54 = tpu.memref_slice %arg6[%arg0, %dma_start3A_52, %dma_start3A_53] : memref<2x10240x128xf32, #tpu.memory_space<hbm>> -> memref<1x10240x128xf32, #tpu.memory_space<hbm>>
      %dma_start3A_55 = tpu.memref_squeeze %dma_start3A_54 : memref<1x10240x128xf32, #tpu.memory_space<hbm>> -> memref<10240x128xf32, #tpu.memory_space<hbm>>
      %dma_start3A_56 = arith.constant 0 : i32
      %dma_start3A_57 = tpu.memref_slice %dma_start3A_55[%add3A_34, %dma_start3A_56] : memref<10240x128xf32, #tpu.memory_space<hbm>> -> memref<128x128xf32, #tpu.memory_space<hbm>>
      tpu.enqueue_dma source(%arg10 : memref<128x128xf32, #tpu.memory_space<vmem>>) target(%dma_start3A_57 : memref<128x128xf32, #tpu.memory_space<hbm>>) target_semaphore(%run_scoped3A : memref<!tpu.dma_semaphore, #tpu.memory_space<semaphore_mem>>)
      %dma_wait3A = arith.constant 0 : i32
      %dma_wait3A_58 = arith.constant 0 : i32
      %dma_wait3A_59 = tpu.memref_slice %arg6[%arg0, %dma_wait3A, %dma_wait3A_58] : memref<2x10240x128xf32, #tpu.memory_space<hbm>> -> memref<1x10240x128xf32, #tpu.memory_space<hbm>>
      %dma_wait3A_60 = tpu.memref_squeeze %dma_wait3A_59 : memref<1x10240x128xf32, #tpu.memory_space<hbm>> -> memref<10240x128xf32, #tpu.memory_space<hbm>>
      %dma_wait3A_61 = arith.constant 0 : i32
      %dma_wait3A_62 = tpu.memref_slice %dma_wait3A_60[%add3A_34, %dma_wait3A_61] : memref<10240x128xf32, #tpu.memory_space<hbm>> -> memref<128x128xf32, #tpu.memory_space<hbm>>
      %dma_wait3A_63 = arith.constant 0 : i32
      %dma_wait3A_64 = arith.constant 0 : i32
      %dma_wait3A_65 = tpu.memref_slice %arg6[%arg0, %dma_wait3A_63, %dma_wait3A_64] : memref<2x10240x128xf32, #tpu.memory_space<hbm>> -> memref<1x10240x128xf32, #tpu.memory_space<hbm>>
      %dma_wait3A_66 = tpu.memref_squeeze %dma_wait3A_65 : memref<1x10240x128xf32, #tpu.memory_space<hbm>> -> memref<10240x128xf32, #tpu.memory_space<hbm>>
      %dma_wait3A_67 = arith.constant 0 : i32
      %dma_wait3A_68 = tpu.memref_slice %dma_wait3A_66[%add3A_34, %dma_wait3A_67] : memref<10240x128xf32, #tpu.memory_space<hbm>> -> memref<128x128xf32, #tpu.memory_space<hbm>>
      tpu.wait_dma2 semaphore(%run_scoped3A : memref<!tpu.dma_semaphore, #tpu.memory_space<semaphore_mem>>) src(%arg10 : memref<128x128xf32, #tpu.memory_space<vmem>>) dst(%dma_wait3A_68 : memref<128x128xf32, #tpu.memory_space<hbm>>)
      tpu.yield
    }) : () -> ()
    %mul3A_35 = arith.constant 640 : i32
    %mul3A_36 = arith.muli %arg1, %mul3A_35 : i32
    %add3A_37 = arith.constant 256 : i32
    %add3A_38 = arith.addi %mul3A_36, %add3A_37 : i32
    "tpu.region"() ({
      %run_scoped3A = tpu.sem_alloc : memref<!tpu.dma_semaphore, #tpu.memory_space<semaphore_mem>>
      %dma_start3A = arith.constant 0 : i32
      %dma_start3A_47 = tpu.memref_slice %arg7[%add3A_38, %dma_start3A] : memref<10240x128xf32, #tpu.memory_space<vmem_shared>> -> memref<128x128xf32, #tpu.memory_space<vmem_shared>>
      %dma_start3A_48 = arith.constant 0 : i32
      %dma_start3A_49 = tpu.memref_slice %arg7[%add3A_38, %dma_start3A_48] : memref<10240x128xf32, #tpu.memory_space<vmem_shared>> -> memref<128x128xf32, #tpu.memory_space<vmem_shared>>
      tpu.enqueue_dma source(%dma_start3A_49 : memref<128x128xf32, #tpu.memory_space<vmem_shared>>) target(%arg10 : memref<128x128xf32, #tpu.memory_space<vmem>>) target_semaphore(%run_scoped3A : memref<!tpu.dma_semaphore, #tpu.memory_space<semaphore_mem>>)
      %dma_wait3A = arith.constant 0 : i32
      %dma_wait3A_50 = tpu.memref_slice %arg7[%add3A_38, %dma_wait3A] : memref<10240x128xf32, #tpu.memory_space<vmem_shared>> -> memref<128x128xf32, #tpu.memory_space<vmem_shared>>
      %dma_wait3A_51 = arith.constant 0 : i32
      %dma_wait3A_52 = tpu.memref_slice %arg7[%add3A_38, %dma_wait3A_51] : memref<10240x128xf32, #tpu.memory_space<vmem_shared>> -> memref<128x128xf32, #tpu.memory_space<vmem_shared>>
      tpu.wait_dma2 semaphore(%run_scoped3A : memref<!tpu.dma_semaphore, #tpu.memory_space<semaphore_mem>>) src(%dma_wait3A_52 : memref<128x128xf32, #tpu.memory_space<vmem_shared>>) dst(%arg10 : memref<128x128xf32, #tpu.memory_space<vmem>>)
      tpu.yield
    }) : () -> ()
    "tpu.region"() ({
      %run_scoped3A = tpu.sem_alloc : memref<!tpu.dma_semaphore, #tpu.memory_space<semaphore_mem>>
      %dma_start3A = arith.constant 0 : i32
      %dma_start3A_47 = arith.constant 0 : i32
      %dma_start3A_48 = tpu.memref_slice %arg6[%arg0, %dma_start3A, %dma_start3A_47] : memref<2x10240x128xf32, #tpu.memory_space<hbm>> -> memref<1x10240x128xf32, #tpu.memory_space<hbm>>
      %dma_start3A_49 = tpu.memref_squeeze %dma_start3A_48 : memref<1x10240x128xf32, #tpu.memory_space<hbm>> -> memref<10240x128xf32, #tpu.memory_space<hbm>>
      %dma_start3A_50 = arith.constant 0 : i32
      %dma_start3A_51 = tpu.memref_slice %dma_start3A_49[%add3A_38, %dma_start3A_50] : memref<10240x128xf32, #tpu.memory_space<hbm>> -> memref<128x128xf32, #tpu.memory_space<hbm>>
      %dma_start3A_52 = arith.constant 0 : i32
      %dma_start3A_53 = arith.constant 0 : i32
      %dma_start3A_54 = tpu.memref_slice %arg6[%arg0, %dma_start3A_52, %dma_start3A_53] : memref<2x10240x128xf32, #tpu.memory_space<hbm>> -> memref<1x10240x128xf32, #tpu.memory_space<hbm>>
      %dma_start3A_55 = tpu.memref_squeeze %dma_start3A_54 : memref<1x10240x128xf32, #tpu.memory_space<hbm>> -> memref<10240x128xf32, #tpu.memory_space<hbm>>
      %dma_start3A_56 = arith.constant 0 : i32
      %dma_start3A_57 = tpu.memref_slice %dma_start3A_55[%add3A_38, %dma_start3A_56] : memref<10240x128xf32, #tpu.memory_space<hbm>> -> memref<128x128xf32, #tpu.memory_space<hbm>>
      tpu.enqueue_dma source(%arg10 : memref<128x128xf32, #tpu.memory_space<vmem>>) target(%dma_start3A_57 : memref<128x128xf32, #tpu.memory_space<hbm>>) target_semaphore(%run_scoped3A : memref<!tpu.dma_semaphore, #tpu.memory_space<semaphore_mem>>)
      %dma_wait3A = arith.constant 0 : i32
      %dma_wait3A_58 = arith.constant 0 : i32
      %dma_wait3A_59 = tpu.memref_slice %arg6[%arg0, %dma_wait3A, %dma_wait3A_58] : memref<2x10240x128xf32, #tpu.memory_space<hbm>> -> memref<1x10240x128xf32, #tpu.memory_space<hbm>>
      %dma_wait3A_60 = tpu.memref_squeeze %dma_wait3A_59 : memref<1x10240x128xf32, #tpu.memory_space<hbm>> -> memref<10240x128xf32, #tpu.memory_space<hbm>>
      %dma_wait3A_61 = arith.constant 0 : i32
      %dma_wait3A_62 = tpu.memref_slice %dma_wait3A_60[%add3A_38, %dma_wait3A_61] : memref<10240x128xf32, #tpu.memory_space<hbm>> -> memref<128x128xf32, #tpu.memory_space<hbm>>
      %dma_wait3A_63 = arith.constant 0 : i32
      %dma_wait3A_64 = arith.constant 0 : i32
      %dma_wait3A_65 = tpu.memref_slice %arg6[%arg0, %dma_wait3A_63, %dma_wait3A_64] : memref<2x10240x128xf32, #tpu.memory_space<hbm>> -> memref<1x10240x128xf32, #tpu.memory_space<hbm>>
      %dma_wait3A_66 = tpu.memref_squeeze %dma_wait3A_65 : memref<1x10240x128xf32, #tpu.memory_space<hbm>> -> memref<10240x128xf32, #tpu.memory_space<hbm>>
      %dma_wait3A_67 = arith.constant 0 : i32
      %dma_wait3A_68 = tpu.memref_slice %dma_wait3A_66[%add3A_38, %dma_wait3A_67] : memref<10240x128xf32, #tpu.memory_space<hbm>> -> memref<128x128xf32, #tpu.memory_space<hbm>>
      tpu.wait_dma2 semaphore(%run_scoped3A : memref<!tpu.dma_semaphore, #tpu.memory_space<semaphore_mem>>) src(%arg10 : memref<128x128xf32, #tpu.memory_space<vmem>>) dst(%dma_wait3A_68 : memref<128x128xf32, #tpu.memory_space<hbm>>)
      tpu.yield
    }) : () -> ()
    %mul3A_39 = arith.constant 640 : i32
    %mul3A_40 = arith.muli %arg1, %mul3A_39 : i32
    %add3A_41 = arith.constant 384 : i32
    %add3A_42 = arith.addi %mul3A_40, %add3A_41 : i32
    "tpu.region"() ({
      %run_scoped3A = tpu.sem_alloc : memref<!tpu.dma_semaphore, #tpu.memory_space<semaphore_mem>>
      %dma_start3A = arith.constant 0 : i32
      %dma_start3A_47 = tpu.memref_slice %arg7[%add3A_42, %dma_start3A] : memref<10240x128xf32, #tpu.memory_space<vmem_shared>> -> memref<128x128xf32, #tpu.memory_space<vmem_shared>>
      %dma_start3A_48 = arith.constant 0 : i32
      %dma_start3A_49 = tpu.memref_slice %arg7[%add3A_42, %dma_start3A_48] : memref<10240x128xf32, #tpu.memory_space<vmem_shared>> -> memref<128x128xf32, #tpu.memory_space<vmem_shared>>
      tpu.enqueue_dma source(%dma_start3A_49 : memref<128x128xf32, #tpu.memory_space<vmem_shared>>) target(%arg10 : memref<128x128xf32, #tpu.memory_space<vmem>>) target_semaphore(%run_scoped3A : memref<!tpu.dma_semaphore, #tpu.memory_space<semaphore_mem>>)
      %dma_wait3A = arith.constant 0 : i32
      %dma_wait3A_50 = tpu.memref_slice %arg7[%add3A_42, %dma_wait3A] : memref<10240x128xf32, #tpu.memory_space<vmem_shared>> -> memref<128x128xf32, #tpu.memory_space<vmem_shared>>
      %dma_wait3A_51 = arith.constant 0 : i32
      %dma_wait3A_52 = tpu.memref_slice %arg7[%add3A_42, %dma_wait3A_51] : memref<10240x128xf32, #tpu.memory_space<vmem_shared>> -> memref<128x128xf32, #tpu.memory_space<vmem_shared>>
      tpu.wait_dma2 semaphore(%run_scoped3A : memref<!tpu.dma_semaphore, #tpu.memory_space<semaphore_mem>>) src(%dma_wait3A_52 : memref<128x128xf32, #tpu.memory_space<vmem_shared>>) dst(%arg10 : memref<128x128xf32, #tpu.memory_space<vmem>>)
      tpu.yield
    }) : () -> ()
    "tpu.region"() ({
      %run_scoped3A = tpu.sem_alloc : memref<!tpu.dma_semaphore, #tpu.memory_space<semaphore_mem>>
      %dma_start3A = arith.constant 0 : i32
      %dma_start3A_47 = arith.constant 0 : i32
      %dma_start3A_48 = tpu.memref_slice %arg6[%arg0, %dma_start3A, %dma_start3A_47] : memref<2x10240x128xf32, #tpu.memory_space<hbm>> -> memref<1x10240x128xf32, #tpu.memory_space<hbm>>
      %dma_start3A_49 = tpu.memref_squeeze %dma_start3A_48 : memref<1x10240x128xf32, #tpu.memory_space<hbm>> -> memref<10240x128xf32, #tpu.memory_space<hbm>>
      %dma_start3A_50 = arith.constant 0 : i32
      %dma_start3A_51 = tpu.memref_slice %dma_start3A_49[%add3A_42, %dma_start3A_50] : memref<10240x128xf32, #tpu.memory_space<hbm>> -> memref<128x128xf32, #tpu.memory_space<hbm>>
      %dma_start3A_52 = arith.constant 0 : i32
      %dma_start3A_53 = arith.constant 0 : i32
      %dma_start3A_54 = tpu.memref_slice %arg6[%arg0, %dma_start3A_52, %dma_start3A_53] : memref<2x10240x128xf32, #tpu.memory_space<hbm>> -> memref<1x10240x128xf32, #tpu.memory_space<hbm>>
      %dma_start3A_55 = tpu.memref_squeeze %dma_start3A_54 : memref<1x10240x128xf32, #tpu.memory_space<hbm>> -> memref<10240x128xf32, #tpu.memory_space<hbm>>
      %dma_start3A_56 = arith.constant 0 : i32
      %dma_start3A_57 = tpu.memref_slice %dma_start3A_55[%add3A_42, %dma_start3A_56] : memref<10240x128xf32, #tpu.memory_space<hbm>> -> memref<128x128xf32, #tpu.memory_space<hbm>>
      tpu.enqueue_dma source(%arg10 : memref<128x128xf32, #tpu.memory_space<vmem>>) target(%dma_start3A_57 : memref<128x128xf32, #tpu.memory_space<hbm>>) target_semaphore(%run_scoped3A : memref<!tpu.dma_semaphore, #tpu.memory_space<semaphore_mem>>)
      %dma_wait3A = arith.constant 0 : i32
      %dma_wait3A_58 = arith.constant 0 : i32
      %dma_wait3A_59 = tpu.memref_slice %arg6[%arg0, %dma_wait3A, %dma_wait3A_58] : memref<2x10240x128xf32, #tpu.memory_space<hbm>> -> memref<1x10240x128xf32, #tpu.memory_space<hbm>>
      %dma_wait3A_60 = tpu.memref_squeeze %dma_wait3A_59 : memref<1x10240x128xf32, #tpu.memory_space<hbm>> -> memref<10240x128xf32, #tpu.memory_space<hbm>>
      %dma_wait3A_61 = arith.constant 0 : i32
      %dma_wait3A_62 = tpu.memref_slice %dma_wait3A_60[%add3A_42, %dma_wait3A_61] : memref<10240x128xf32, #tpu.memory_space<hbm>> -> memref<128x128xf32, #tpu.memory_space<hbm>>
      %dma_wait3A_63 = arith.constant 0 : i32
      %dma_wait3A_64 = arith.constant 0 : i32
      %dma_wait3A_65 = tpu.memref_slice %arg6[%arg0, %dma_wait3A_63, %dma_wait3A_64] : memref<2x10240x128xf32, #tpu.memory_space<hbm>> -> memref<1x10240x128xf32, #tpu.memory_space<hbm>>
      %dma_wait3A_66 = tpu.memref_squeeze %dma_wait3A_65 : memref<1x10240x128xf32, #tpu.memory_space<hbm>> -> memref<10240x128xf32, #tpu.memory_space<hbm>>
      %dma_wait3A_67 = arith.constant 0 : i32
      %dma_wait3A_68 = tpu.memref_slice %dma_wait3A_66[%add3A_42, %dma_wait3A_67] : memref<10240x128xf32, #tpu.memory_space<hbm>> -> memref<128x128xf32, #tpu.memory_space<hbm>>
      tpu.wait_dma2 semaphore(%run_scoped3A : memref<!tpu.dma_semaphore, #tpu.memory_space<semaphore_mem>>) src(%arg10 : memref<128x128xf32, #tpu.memory_space<vmem>>) dst(%dma_wait3A_68 : memref<128x128xf32, #tpu.memory_space<hbm>>)
      tpu.yield
    }) : () -> ()
    %mul3A_43 = arith.constant 640 : i32
    %mul3A_44 = arith.muli %arg1, %mul3A_43 : i32
    %add3A_45 = arith.constant 512 : i32
    %add3A_46 = arith.addi %mul3A_44, %add3A_45 : i32
    "tpu.region"() ({
      %run_scoped3A = tpu.sem_alloc : memref<!tpu.dma_semaphore, #tpu.memory_space<semaphore_mem>>
      %dma_start3A = arith.constant 0 : i32
      %dma_start3A_47 = tpu.memref_slice %arg7[%add3A_46, %dma_start3A] : memref<10240x128xf32, #tpu.memory_space<vmem_shared>> -> memref<128x128xf32, #tpu.memory_space<vmem_shared>>
      %dma_start3A_48 = arith.constant 0 : i32
      %dma_start3A_49 = tpu.memref_slice %arg7[%add3A_46, %dma_start3A_48] : memref<10240x128xf32, #tpu.memory_space<vmem_shared>> -> memref<128x128xf32, #tpu.memory_space<vmem_shared>>
      tpu.enqueue_dma source(%dma_start3A_49 : memref<128x128xf32, #tpu.memory_space<vmem_shared>>) target(%arg10 : memref<128x128xf32, #tpu.memory_space<vmem>>) target_semaphore(%run_scoped3A : memref<!tpu.dma_semaphore, #tpu.memory_space<semaphore_mem>>)
      %dma_wait3A = arith.constant 0 : i32
      %dma_wait3A_50 = tpu.memref_slice %arg7[%add3A_46, %dma_wait3A] : memref<10240x128xf32, #tpu.memory_space<vmem_shared>> -> memref<128x128xf32, #tpu.memory_space<vmem_shared>>
      %dma_wait3A_51 = arith.constant 0 : i32
      %dma_wait3A_52 = tpu.memref_slice %arg7[%add3A_46, %dma_wait3A_51] : memref<10240x128xf32, #tpu.memory_space<vmem_shared>> -> memref<128x128xf32, #tpu.memory_space<vmem_shared>>
      tpu.wait_dma2 semaphore(%run_scoped3A : memref<!tpu.dma_semaphore, #tpu.memory_space<semaphore_mem>>) src(%dma_wait3A_52 : memref<128x128xf32, #tpu.memory_space<vmem_shared>>) dst(%arg10 : memref<128x128xf32, #tpu.memory_space<vmem>>)
      tpu.yield
    }) : () -> ()
    "tpu.region"() ({
      %run_scoped3A = tpu.sem_alloc : memref<!tpu.dma_semaphore, #tpu.memory_space<semaphore_mem>>
      %dma_start3A = arith.constant 0 : i32
      %dma_start3A_47 = arith.constant 0 : i32
      %dma_start3A_48 = tpu.memref_slice %arg6[%arg0, %dma_start3A, %dma_start3A_47] : memref<2x10240x128xf32, #tpu.memory_space<hbm>> -> memref<1x10240x128xf32, #tpu.memory_space<hbm>>
      %dma_start3A_49 = tpu.memref_squeeze %dma_start3A_48 : memref<1x10240x128xf32, #tpu.memory_space<hbm>> -> memref<10240x128xf32, #tpu.memory_space<hbm>>
      %dma_start3A_50 = arith.constant 0 : i32
      %dma_start3A_51 = tpu.memref_slice %dma_start3A_49[%add3A_46, %dma_start3A_50] : memref<10240x128xf32, #tpu.memory_space<hbm>> -> memref<128x128xf32, #tpu.memory_space<hbm>>
      %dma_start3A_52 = arith.constant 0 : i32
      %dma_start3A_53 = arith.constant 0 : i32
      %dma_start3A_54 = tpu.memref_slice %arg6[%arg0, %dma_start3A_52, %dma_start3A_53] : memref<2x10240x128xf32, #tpu.memory_space<hbm>> -> memref<1x10240x128xf32, #tpu.memory_space<hbm>>
      %dma_start3A_55 = tpu.memref_squeeze %dma_start3A_54 : memref<1x10240x128xf32, #tpu.memory_space<hbm>> -> memref<10240x128xf32, #tpu.memory_space<hbm>>
      %dma_start3A_56 = arith.constant 0 : i32
      %dma_start3A_57 = tpu.memref_slice %dma_start3A_55[%add3A_46, %dma_start3A_56] : memref<10240x128xf32, #tpu.memory_space<hbm>> -> memref<128x128xf32, #tpu.memory_space<hbm>>
      tpu.enqueue_dma source(%arg10 : memref<128x128xf32, #tpu.memory_space<vmem>>) target(%dma_start3A_57 : memref<128x128xf32, #tpu.memory_space<hbm>>) target_semaphore(%run_scoped3A : memref<!tpu.dma_semaphore, #tpu.memory_space<semaphore_mem>>)
      %dma_wait3A = arith.constant 0 : i32
      %dma_wait3A_58 = arith.constant 0 : i32
      %dma_wait3A_59 = tpu.memref_slice %arg6[%arg0, %dma_wait3A, %dma_wait3A_58] : memref<2x10240x128xf32, #tpu.memory_space<hbm>> -> memref<1x10240x128xf32, #tpu.memory_space<hbm>>
      %dma_wait3A_60 = tpu.memref_squeeze %dma_wait3A_59 : memref<1x10240x128xf32, #tpu.memory_space<hbm>> -> memref<10240x128xf32, #tpu.memory_space<hbm>>
      %dma_wait3A_61 = arith.constant 0 : i32
      %dma_wait3A_62 = tpu.memref_slice %dma_wait3A_60[%add3A_46, %dma_wait3A_61] : memref<10240x128xf32, #tpu.memory_space<hbm>> -> memref<128x128xf32, #tpu.memory_space<hbm>>
      %dma_wait3A_63 = arith.constant 0 : i32
      %dma_wait3A_64 = arith.constant 0 : i32
      %dma_wait3A_65 = tpu.memref_slice %arg6[%arg0, %dma_wait3A_63, %dma_wait3A_64] : memref<2x10240x128xf32, #tpu.memory_space<hbm>> -> memref<1x10240x128xf32, #tpu.memory_space<hbm>>
      %dma_wait3A_66 = tpu.memref_squeeze %dma_wait3A_65 : memref<1x10240x128xf32, #tpu.memory_space<hbm>> -> memref<10240x128xf32, #tpu.memory_space<hbm>>
      %dma_wait3A_67 = arith.constant 0 : i32
      %dma_wait3A_68 = tpu.memref_slice %dma_wait3A_66[%add3A_46, %dma_wait3A_67] : memref<10240x128xf32, #tpu.memory_space<hbm>> -> memref<128x128xf32, #tpu.memory_space<hbm>>
      tpu.wait_dma2 semaphore(%run_scoped3A : memref<!tpu.dma_semaphore, #tpu.memory_space<semaphore_mem>>) src(%arg10 : memref<128x128xf32, #tpu.memory_space<vmem>>) dst(%dma_wait3A_68 : memref<128x128xf32, #tpu.memory_space<hbm>>)
      tpu.yield
    }) : () -> ()
    return
  }
}

module attributes {stable_mosaic.version = 14 : i64} {
  func.func @_tc_first_body(%arg0: i32, %arg1: memref<1x1x512xi32, #tpu.memory_space<vmem>>, %arg2: memref<16x128xf32, #tpu.memory_space<vmem>>, %arg3: memref<128x1024xf32, #tpu.memory_space<vmem>>, %arg4: memref<128x128xf32, #tpu.memory_space<vmem>>, %arg5: memref<1x128xf32, #tpu.memory_space<vmem>>, %arg6: memref<512x1024xf32, #tpu.memory_space<vmem>>, %arg7: memref<512x128xf32, #tpu.memory_space<vmem>>) attributes {dimension_semantics = [#tpu.dimension_semantics<arbitrary>], iteration_bounds = array<i64: 20>, scalar_prefetch = 0 : i64, scratch_operands = 0 : i64, tpu.core_type = #tpu.core_type<tc>, window_params = [{transform_indices = @transform_0, window_bounds = array<i64: 1, 1, 512>}, {pipeline_mode = #tpu.pipeline_mode<synchronous>, transform_indices = @transform_1, window_bounds = array<i64: 16, 128>}, {pipeline_mode = #tpu.pipeline_mode<synchronous>, transform_indices = @transform_2, window_bounds = array<i64: 128, 1024>}, {pipeline_mode = #tpu.pipeline_mode<synchronous>, transform_indices = @transform_3, window_bounds = array<i64: 128, 128>}, {pipeline_mode = #tpu.pipeline_mode<synchronous>, transform_indices = @transform_4, window_bounds = array<i64: 1, 128>}, {transform_indices = @transform_5, window_bounds = array<i64: 512, 1024>}, {transform_indices = @transform_6, window_bounds = array<i64: 512, 128>}]} {
    %get3A = arith.constant 0 : index
    %get3A_0 = arith.constant 0 : index
    %get3A_1 = arith.constant 0 : index
    %get3A_2 = vector.load %arg1[%get3A, %get3A_0, %get3A_1] : memref<1x1x512xi32, #tpu.memory_space<vmem>>, vector<1x1x512xi32>
    %get3A_3 = vector.shape_cast %get3A_2 : vector<1x1x512xi32> to vector<1x512xi32>
    %broadcast_in_dim3A = vector.shape_cast %get3A_3 : vector<1x512xi32> to vector<1x512xi32>
    %broadcast_in_dim3A_4 = vector.broadcast %broadcast_in_dim3A : vector<1x512xi32> to vector<16x512xi32>
    %iota3A = tpu.iota {dimensions = array<i32: 0>} : vector<16x512xi32>
    %eq3A = arith.cmpi eq, %broadcast_in_dim3A_4, %iota3A : vector<16x512xi32>
    %convert_element_type3A = arith.extui %eq3A : vector<16x512xi1> to vector<16x512xi32>
    %convert_element_type3A_5 = arith.sitofp %convert_element_type3A : vector<16x512xi32> to vector<16x512xf32>
    %get3A_6 = arith.constant 0 : index
    %get3A_7 = arith.constant 0 : index
    %get3A_8 = vector.load %arg2[%get3A_6, %get3A_7] : memref<16x128xf32, #tpu.memory_space<vmem>>, vector<16x128xf32>
    %dot_general3A = arith.constant dense<0.000000e+00> : vector<512x128xf32>
    %dot_general3A_9 = tpu.matmul %convert_element_type3A_5, %get3A_8, %dot_general3A {dimension_numbers = #tpu.dot_dimension_numbers<[0], [0], [1], [1], [0, 1, 1, 1], [], []>, transpose_lhs_hint = false} : vector<16x512xf32>, vector<16x128xf32>, vector<512x128xf32> -> vector<512x128xf32>
    %get3A_10 = arith.constant 0 : index
    %get3A_11 = arith.constant 0 : index
    %get3A_12 = vector.load %arg3[%get3A_10, %get3A_11] : memref<128x1024xf32, #tpu.memory_space<vmem>>, vector<128x1024xf32>
    %dot_general3A_13 = arith.constant dense<0.000000e+00> : vector<512x1024xf32>
    %dot_general3A_14 = tpu.matmul %dot_general3A_9, %get3A_12, %dot_general3A_13 {dimension_numbers = #tpu.dot_dimension_numbers<[1], [0], [0], [1], [0, 0, 1, 1], [], []>, transpose_lhs_hint = false} : vector<512x128xf32>, vector<128x1024xf32>, vector<512x1024xf32> -> vector<512x1024xf32>
    %swap3A = arith.constant 0 : index
    %swap3A_15 = arith.constant 0 : index
    %swap3A_16 = vector.load %arg6[%swap3A, %swap3A_15] : memref<512x1024xf32, #tpu.memory_space<vmem>>, vector<512x1024xf32>
    tpu.vector_store %arg6[%swap3A, %swap3A_15], %dot_general3A_14 {strides = array<i32>} : memref<512x1024xf32, #tpu.memory_space<vmem>>, vector<512x1024xf32>,
    %get3A_17 = arith.constant 0 : index
    %get3A_18 = arith.constant 0 : index
    %get3A_19 = vector.load %arg4[%get3A_17, %get3A_18] : memref<128x128xf32, #tpu.memory_space<vmem>>, vector<128x128xf32>
    %dot_general3A_20 = arith.constant dense<0.000000e+00> : vector<512x128xf32>
    %dot_general3A_21 = tpu.matmul %dot_general3A_9, %get3A_19, %dot_general3A_20 {dimension_numbers = #tpu.dot_dimension_numbers<[1], [0], [0], [1], [0, 0, 1, 1], [], []>, transpose_lhs_hint = false} : vector<512x128xf32>, vector<128x128xf32>, vector<512x128xf32> -> vector<512x128xf32>
    %get3A_22 = arith.constant 0 : index
    %get3A_23 = arith.constant 0 : index
    %get3A_24 = vector.load %arg5[%get3A_22, %get3A_23] : memref<1x128xf32, #tpu.memory_space<vmem>>, vector<1x128xf32>
    %add3A = vector.broadcast %get3A_24 : vector<1x128xf32> to vector<512x128xf32>
    %add3A_25 = arith.addf %dot_general3A_21, %add3A : vector<512x128xf32>
    %swap3A_26 = arith.constant 0 : index
    %swap3A_27 = arith.constant 0 : index
    %swap3A_28 = vector.load %arg7[%swap3A_26, %swap3A_27] : memref<512x128xf32, #tpu.memory_space<vmem>>, vector<512x128xf32>
    tpu.vector_store %arg7[%swap3A_26, %swap3A_27], %add3A_25 {strides = array<i32>} : memref<512x128xf32, #tpu.memory_space<vmem>>, vector<512x128xf32>,
    return
  }
  func.func @transform_0(%arg0: i32) -> (i32, i32, i32) {
    %c0_i32 = arith.constant 0 : i32
    %c0_i32_0 = arith.constant 0 : i32
    %c0_i32_1 = arith.constant 0 : i32
    return %arg0, %c0_i32, %c0_i32_0 : i32, i32, i32
  }
  func.func @transform_1(%arg0: i32) -> (i32, i32) {
    %c0_i32 = arith.constant 0 : i32
    %c0_i32_0 = arith.constant 0 : i32
    %c0_i32_1 = arith.constant 0 : i32
    return %c0_i32, %c0_i32_0 : i32, i32
  }
  func.func @transform_2(%arg0: i32) -> (i32, i32) {
    %c0_i32 = arith.constant 0 : i32
    %c0_i32_0 = arith.constant 0 : i32
    %c0_i32_1 = arith.constant 0 : i32
    return %c0_i32, %c0_i32_0 : i32, i32
  }
  func.func @transform_3(%arg0: i32) -> (i32, i32) {
    %c0_i32 = arith.constant 0 : i32
    %c0_i32_0 = arith.constant 0 : i32
    %c0_i32_1 = arith.constant 0 : i32
    return %c0_i32, %c0_i32_0 : i32, i32
  }
  func.func @transform_4(%arg0: i32) -> (i32, i32) {
    %c0_i32 = arith.constant 0 : i32
    %c0_i32_0 = arith.constant 0 : i32
    %c0_i32_1 = arith.constant 0 : i32
    return %c0_i32, %c0_i32_0 : i32, i32
  }
  func.func @transform_5(%arg0: i32) -> (i32, i32) {
    %c0_i32 = arith.constant 0 : i32
    %c0_i32_0 = arith.constant 0 : i32
    return %arg0, %c0_i32 : i32, i32
  }
  func.func @transform_6(%arg0: i32) -> (i32, i32) {
    %c0_i32 = arith.constant 0 : i32
    %c0_i32_0 = arith.constant 0 : i32
    return %arg0, %c0_i32 : i32, i32
  }
}

module attributes {stable_mosaic.version = 14 : i64} {
  func.func @_tc_mid_body(%arg0: i32, %arg1: memref<512x128xf32, #tpu.memory_space<vmem>>, %arg2: memref<512x128xf32, #tpu.memory_space<vmem>>, %arg3: memref<512x128xf32, #tpu.memory_space<vmem>>, %arg4: memref<128x1024xf32, #tpu.memory_space<vmem>>, %arg5: memref<128x128xf32, #tpu.memory_space<vmem>>, %arg6: memref<1x128xf32, #tpu.memory_space<vmem>>, %arg7: memref<512x1024xf32, #tpu.memory_space<vmem>>, %arg8: memref<512x128xf32, #tpu.memory_space<vmem>>) attributes {dimension_semantics = [#tpu.dimension_semantics<arbitrary>], iteration_bounds = array<i64: 20>, scalar_prefetch = 0 : i64, scratch_operands = 0 : i64, tpu.core_type = #tpu.core_type<tc>, window_params = [{transform_indices = @transform_0, window_bounds = array<i64: 512, 128>}, {transform_indices = @transform_1, window_bounds = array<i64: 512, 128>}, {transform_indices = @transform_2, window_bounds = array<i64: 512, 128>}, {pipeline_mode = #tpu.pipeline_mode<synchronous>, transform_indices = @transform_3, window_bounds = array<i64: 128, 1024>}, {pipeline_mode = #tpu.pipeline_mode<synchronous>, transform_indices = @transform_4, window_bounds = array<i64: 128, 128>}, {pipeline_mode = #tpu.pipeline_mode<synchronous>, transform_indices = @transform_5, window_bounds = array<i64: 1, 128>}, {transform_indices = @transform_6, window_bounds = array<i64: 512, 1024>}, {transform_indices = @transform_7, window_bounds = array<i64: 512, 128>}]} {
    %get3A = arith.constant 0 : index
    %get3A_0 = arith.constant 0 : index
    %get3A_1 = vector.load %arg1[%get3A, %get3A_0] : memref<512x128xf32, #tpu.memory_space<vmem>>, vector<512x128xf32>
    %get3A_2 = arith.constant 0 : index
    %get3A_3 = arith.constant 0 : index
    %get3A_4 = vector.load %arg2[%get3A_2, %get3A_3] : memref<512x128xf32, #tpu.memory_space<vmem>>, vector<512x128xf32>
    %add3A = arith.addf %get3A_1, %get3A_4 : vector<512x128xf32>
    %get3A_5 = arith.constant 0 : index
    %get3A_6 = arith.constant 0 : index
    %get3A_7 = vector.load %arg3[%get3A_5, %get3A_6] : memref<512x128xf32, #tpu.memory_space<vmem>>, vector<512x128xf32>
    %add3A_8 = arith.addf %add3A, %get3A_7 : vector<512x128xf32>
    %ge3A = arith.constant 0.000000e+00 : f32
    %ge3A_9 = vector.broadcast %ge3A : f32 to vector<512x128xf32>
    %ge3A_10 = arith.cmpf oge, %add3A_8, %ge3A_9 : vector<512x128xf32>
    %mul3A = arith.constant 0.00999999977 : f32
    %mul3A_11 = vector.broadcast %mul3A : f32 to vector<512x128xf32>
    %mul3A_12 = arith.mulf %mul3A_11, %add3A_8 : vector<512x128xf32>
    %select_n3A = arith.select %ge3A_10, %add3A_8, %mul3A_12 : vector<512x128xi1>, vector<512x128xf32>
    %get3A_13 = arith.constant 0 : index
    %get3A_14 = arith.constant 0 : index
    %get3A_15 = vector.load %arg4[%get3A_13, %get3A_14] : memref<128x1024xf32, #tpu.memory_space<vmem>>, vector<128x1024xf32>
    %dot_general3A = arith.constant dense<0.000000e+00> : vector<512x1024xf32>
    %dot_general3A_16 = tpu.matmul %select_n3A, %get3A_15, %dot_general3A {dimension_numbers = #tpu.dot_dimension_numbers<[1], [0], [0], [1], [0, 0, 1, 1], [], []>, transpose_lhs_hint = false} : vector<512x128xf32>, vector<128x1024xf32>, vector<512x1024xf32> -> vector<512x1024xf32>
    %swap3A = arith.constant 0 : index
    %swap3A_17 = arith.constant 0 : index
    %swap3A_18 = vector.load %arg7[%swap3A, %swap3A_17] : memref<512x1024xf32, #tpu.memory_space<vmem>>, vector<512x1024xf32>
    tpu.vector_store %arg7[%swap3A, %swap3A_17], %dot_general3A_16 {strides = array<i32>} : memref<512x1024xf32, #tpu.memory_space<vmem>>, vector<512x1024xf32>,
    %get3A_19 = arith.constant 0 : index
    %get3A_20 = arith.constant 0 : index
    %get3A_21 = vector.load %arg5[%get3A_19, %get3A_20] : memref<128x128xf32, #tpu.memory_space<vmem>>, vector<128x128xf32>
    %dot_general3A_22 = arith.constant dense<0.000000e+00> : vector<512x128xf32>
    %dot_general3A_23 = tpu.matmul %select_n3A, %get3A_21, %dot_general3A_22 {dimension_numbers = #tpu.dot_dimension_numbers<[1], [0], [0], [1], [0, 0, 1, 1], [], []>, transpose_lhs_hint = false} : vector<512x128xf32>, vector<128x128xf32>, vector<512x128xf32> -> vector<512x128xf32>
    %get3A_24 = arith.constant 0 : index
    %get3A_25 = arith.constant 0 : index
    %get3A_26 = vector.load %arg6[%get3A_24, %get3A_25] : memref<1x128xf32, #tpu.memory_space<vmem>>, vector<1x128xf32>
    %add3A_27 = vector.broadcast %get3A_26 : vector<1x128xf32> to vector<512x128xf32>
    %add3A_28 = arith.addf %dot_general3A_23, %add3A_27 : vector<512x128xf32>
    %swap3A_29 = arith.constant 0 : index
    %swap3A_30 = arith.constant 0 : index
    %swap3A_31 = vector.load %arg8[%swap3A_29, %swap3A_30] : memref<512x128xf32, #tpu.memory_space<vmem>>, vector<512x128xf32>
    tpu.vector_store %arg8[%swap3A_29, %swap3A_30], %add3A_28 {strides = array<i32>} : memref<512x128xf32, #tpu.memory_space<vmem>>, vector<512x128xf32>,
    return
  }
  func.func @transform_0(%arg0: i32) -> (i32, i32) {
    %c0_i32 = arith.constant 0 : i32
    %c0_i32_0 = arith.constant 0 : i32
    return %arg0, %c0_i32 : i32, i32
  }
  func.func @transform_1(%arg0: i32) -> (i32, i32) {
    %c0_i32 = arith.constant 0 : i32
    %c0_i32_0 = arith.constant 0 : i32
    return %arg0, %c0_i32 : i32, i32
  }
  func.func @transform_2(%arg0: i32) -> (i32, i32) {
    %c0_i32 = arith.constant 0 : i32
    %c0_i32_0 = arith.constant 0 : i32
    return %arg0, %c0_i32 : i32, i32
  }
  func.func @transform_3(%arg0: i32) -> (i32, i32) {
    %c0_i32 = arith.constant 0 : i32
    %c0_i32_0 = arith.constant 0 : i32
    %c0_i32_1 = arith.constant 0 : i32
    return %c0_i32, %c0_i32_0 : i32, i32
  }
  func.func @transform_4(%arg0: i32) -> (i32, i32) {
    %c0_i32 = arith.constant 0 : i32
    %c0_i32_0 = arith.constant 0 : i32
    %c0_i32_1 = arith.constant 0 : i32
    return %c0_i32, %c0_i32_0 : i32, i32
  }
  func.func @transform_5(%arg0: i32) -> (i32, i32) {
    %c0_i32 = arith.constant 0 : i32
    %c0_i32_0 = arith.constant 0 : i32
    %c0_i32_1 = arith.constant 0 : i32
    return %c0_i32, %c0_i32_0 : i32, i32
  }
  func.func @transform_6(%arg0: i32) -> (i32, i32) {
    %c0_i32 = arith.constant 0 : i32
    %c0_i32_0 = arith.constant 0 : i32
    return %arg0, %c0_i32 : i32, i32
  }
  func.func @transform_7(%arg0: i32) -> (i32, i32) {
    %c0_i32 = arith.constant 0 : i32
    %c0_i32_0 = arith.constant 0 : i32
    return %arg0, %c0_i32 : i32, i32
  }
}

module attributes {stable_mosaic.version = 14 : i64} {
  func.func @_tc_final_body(%arg0: i32, %arg1: memref<512x128xf32, #tpu.memory_space<vmem>>, %arg2: memref<512x128xf32, #tpu.memory_space<vmem>>, %arg3: memref<512x128xf32, #tpu.memory_space<vmem>>, %arg4: memref<512x128xf32, #tpu.memory_space<vmem>>) attributes {dimension_semantics = [#tpu.dimension_semantics<arbitrary>], iteration_bounds = array<i64: 20>, scalar_prefetch = 0 : i64, scratch_operands = 0 : i64, tpu.core_type = #tpu.core_type<tc>, window_params = [{transform_indices = @transform_0, window_bounds = array<i64: 512, 128>}, {transform_indices = @transform_1, window_bounds = array<i64: 512, 128>}, {transform_indices = @transform_2, window_bounds = array<i64: 512, 128>}, {transform_indices = @transform_3, window_bounds = array<i64: 512, 128>}]} {
    %get3A = arith.constant 0 : index
    %get3A_0 = arith.constant 0 : index
    %get3A_1 = vector.load %arg1[%get3A, %get3A_0] : memref<512x128xf32, #tpu.memory_space<vmem>>, vector<512x128xf32>
    %get3A_2 = arith.constant 0 : index
    %get3A_3 = arith.constant 0 : index
    %get3A_4 = vector.load %arg2[%get3A_2, %get3A_3] : memref<512x128xf32, #tpu.memory_space<vmem>>, vector<512x128xf32>
    %add3A = arith.addf %get3A_1, %get3A_4 : vector<512x128xf32>
    %get3A_5 = arith.constant 0 : index
    %get3A_6 = arith.constant 0 : index
    %get3A_7 = vector.load %arg3[%get3A_5, %get3A_6] : memref<512x128xf32, #tpu.memory_space<vmem>>, vector<512x128xf32>
    %add3A_8 = arith.addf %add3A, %get3A_7 : vector<512x128xf32>
    %ge3A = arith.constant 0.000000e+00 : f32
    %ge3A_9 = vector.broadcast %ge3A : f32 to vector<512x128xf32>
    %ge3A_10 = arith.cmpf oge, %add3A_8, %ge3A_9 : vector<512x128xf32>
    %mul3A = arith.constant 0.00999999977 : f32
    %mul3A_11 = vector.broadcast %mul3A : f32 to vector<512x128xf32>
    %mul3A_12 = arith.mulf %mul3A_11, %add3A_8 : vector<512x128xf32>
    %select_n3A = arith.select %ge3A_10, %add3A_8, %mul3A_12 : vector<512x128xi1>, vector<512x128xf32>
    %swap3A = arith.constant 0 : index
    %swap3A_13 = arith.constant 0 : index
    %swap3A_14 = vector.load %arg4[%swap3A, %swap3A_13] : memref<512x128xf32, #tpu.memory_space<vmem>>, vector<512x128xf32>
    tpu.vector_store %arg4[%swap3A, %swap3A_13], %select_n3A {strides = array<i32>} : memref<512x128xf32, #tpu.memory_space<vmem>>, vector<512x128xf32>,
    return
  }
  func.func @transform_0(%arg0: i32) -> (i32, i32) {
    %c0_i32 = arith.constant 0 : i32
    %c0_i32_0 = arith.constant 0 : i32
    return %arg0, %c0_i32 : i32, i32
  }
  func.func @transform_1(%arg0: i32) -> (i32, i32) {
    %c0_i32 = arith.constant 0 : i32
    %c0_i32_0 = arith.constant 0 : i32
    return %arg0, %c0_i32 : i32, i32
  }
  func.func @transform_2(%arg0: i32) -> (i32, i32) {
    %c0_i32 = arith.constant 0 : i32
    %c0_i32_0 = arith.constant 0 : i32
    return %arg0, %c0_i32 : i32, i32
  }
  func.func @transform_3(%arg0: i32) -> (i32, i32) {
    %c0_i32 = arith.constant 0 : i32
    %c0_i32_0 = arith.constant 0 : i32
    return %arg0, %c0_i32 : i32, i32
  }
}

</mosaic_0001>

<sc_bundles>
// kernel: kernel.12.cloned.1.call-start
scs
__scs_entry_jumppad:
0x0: {  	(pc) =	sbr.rel $0x88, $3  }
0x1: {  	(tag) =	ssettag $0x0;
	lr =	simm.s32 $0x1  }
0x2: {  	[smem:$0x3F9A] =	sst lr;
	_ =	strace $0xD0000000  }
0x3: {  	_ = 	snop  }
0x4: {  	_ = 	snop  }
0x5: {  	_ = 	snop  }
0x6: {  	_ = 	snop  }
0x7: {  	_ = 	snop  }
__scs_overlays_trampoline_lowered:
0x8: {  	[smem:$0x3FA9] =	sst s0  }
0x9: {  	[smem:$0x3FAA] =	sst s1  }
0xa: {  	[smem:$0x3FAB] =	sst s2  }
0xb: {  	[smem:$0x3FAC] =	sst s3  }
0xc: {  	[smem:$0x3FAD] =	sst s4  }
0xd: {  	[smem:$0x3FAE] =	sst s5  }
0xe: {  	[smem:$0x3FAF] =	sst s6  }
0xf: {  	[smem:$0x3FB0] =	sst s7  }
0x10: {  	[smem:$0x3FB1] =	sst s8  }
0x11: {  	[smem:$0x3FB2] =	sst s9;
	s0 =	simm.s32 @!p0 $0x0  }
0x12: {  	s1 =	sld [smem:$0x3F98];
	s0 =	simm.s32 @p0 $0x1  }
0x13: {  	[smem:$0x3FB3] =	sst s0;
	s0 =	simm.s32 @!p1 $0x0  }
0x14: {  	s2 =	sld [smem:$0x3F97];
	s0 =	simm.s32 @p1 $0x1  }
0x15: {  	[smem:$0x3FB4] =	sst s0;
	s0 =	simm.s32 @!p2 $0x0  }
0x16: {  	s3 =	sld [smem:$0x3FDB];
	s0 =	simm.s32 @p2 $0x1  }
0x17: {  	s4 =	simm.s32 $0x1BF5;
	[smem:$0x3FB6] =	sst s0  }
0x18: {  	s0 =	sld [smem:$0x3F99];
	_ =	swait.ge [sflag:s4], $0x0  }
0x19: {  	s7 =	sld [smem:$0x3F9A]  }
0x1a: {  	s8 =	sadd.s32 $0xFFFFE003, lr  }
0x1b: {  	s9 =	sadd.s32 $0xFFFFFEF7, lr;
	s5 =	simm.s32 $0xFFFFFFFF;
	p2 =	slt.u32 s8, $0xFFFFF086  }
0x1c: {  	p1 =	slt.u32 s9, $0xF7A;
	s5 =	simm.s32 @!p2 $0x0  }
0x1d: {  	s5 =	simm.s32 @p1 $0x1;
	p0 =	seq.s32 s7, s2  }
0x1e: {  	s7 =	smul.u32 @!p0 $0xF7A, s2;
	p2 =	seq.s32 @!p0 s5, $0x0  }
0x1f: {  	s9 =	smul.u32 $0xF7A, s1;
	s8 =	simm.s32 @!p0 $0x1BF5;
	p2 =	por !p2, p0  }
0x20: {  	[sflag:s8] =	ssyncset.s32 @!p0 $0xFFFFF086;
	s6 =	sadd.s32 @!p0 s3, s7;
	s7 =	simm.s32 @!p0 $0x108  }
0x21: {  	s3 =	sadd.s32 s3, s9;
	s6 =	sadd.s32 @!p0 $0x88, s6;
	s7 =	simm.s32 @p2 $0x1082  }
0x22: {  	[simem:s7], [sflag:s8] =	dma.local @!p0 [hbm:s6], $0xF7A  }
0x23: {  	s9 =	sor.u32 $0xD0000000, s2;
	s6 =	simm.s32 $0x108;
	_ =	swait.ge @!p0 [sflag:s8], $0x0  }
0x24: {  	s3 =	sadd.s32 $0x88, s3;
	s6 =	simm.s32 @!p1 $0x1082;
	[sflag:s4] =	ssyncset.s32 $0xFFFFF086  }
0x25: {  	[simem:s6], [sflag:s4] =	dma.local [hbm:s3], $0xF7A  }
0x26: {  	[smem:$0x3F9A] =	sst s1;
	(tag) =	ssettag s2;
	_ =	strace s9  }
0x27: {  	s1 =	sld [smem:$0x3FAA]  }
0x28: {  	s2 =	sld [smem:$0x3FAB]  }
0x29: {  	s4 =	sld [smem:$0x3FAD]  }
0x2a: {  	p0 =	seq.s32 s5, $0x0;
	s5 =	sld [smem:$0x3FAE]  }
0x2b: {  	s6 =	sld [smem:$0x3FAF]  }
0x2c: {  	s7 =	sld [smem:$0x3FB0]  }
0x2d: {  	s3 =	simm.s32 $0x108;
	s8 =	sld [smem:$0x3FB1]  }
0x2e: {  	s3 =	simm.s32 @!p0 $0x1082;
	s9 =	sld [smem:$0x3FB2]  }
0x2f: {  	lr =	sadd.s32 s0, s3;
	s0 =	sld [smem:$0x3FA9]  }
0x30: {  	s3 =	sld [smem:$0x3FAC]  }
0x31: {  	[smem:$0x3FB5] =	sst s10  }
0x32: {  	s10 =	sld [smem:$0x3FB3];
	_ =	sdelay $0x3  }
0x33: {  	p0 =	seq.s32 s10, $0x1;
	s10 =	sld [smem:$0x3FB5];
	_ =	sdelay $0x3  }
0x34: {  	[smem:$0x3FB5] =	sst s10  }
0x35: {  	s10 =	sld [smem:$0x3FB4];
	_ =	sdelay $0x3  }
0x36: {  	p1 =	seq.s32 s10, $0x1;
	s10 =	sld [smem:$0x3FB5];
	_ =	sdelay $0x3  }
0x37: {  	[smem:$0x3FB5] =	sst s10  }
0x38: {  	s10 =	sld [smem:$0x3FB6]  }
0x39: {  	_ = 	snop;
	(pc) =	sbr.ind lr, $3  }
0x3a: {  	_ = 	snop  }
0x3b: {  	_ = 	snop  }
0x3c: {  	p2 =	seq.s32 s10, $0x1;
	s10 =	sld [smem:$0x3FB5]  }
0x3d: {  	_ =	shalt  }
0x3e: {  	_ =	shalt  }
0x3f: {  	_ =	shalt  }
0x40: {  	_ =	shalt  }
0x41: {  	_ =	shalt  }
0x42: {  	_ =	shalt  }
0x43: {  	_ =	shalt  }
0x44: {  	_ =	shalt  }
0x45: {  	_ =	shalt  }
0x46: {  	_ =	shalt  }
0x47: {  	_ =	shalt  }
0x48: {  	_ =	shalt  }
0x49: {  	_ =	shalt  }
0x4a: {  	_ =	shalt  }
0x4b: {  	_ =	shalt  }
0x4c: {  	_ =	shalt  }
0x4d: {  	_ =	shalt  }
0x4e: {  	_ =	shalt  }
0x4f: {  	_ =	shalt  }
0x50: {  	_ =	shalt  }
0x51: {  	_ =	shalt  }
0x52: {  	_ =	shalt  }
0x53: {  	_ =	shalt  }
0x54: {  	_ =	shalt  }
0x55: {  	_ =	shalt  }
0x56: {  	_ =	shalt  }
0x57: {  	_ =	shalt  }
0x58: {  	_ =	shalt  }
0x59: {  	_ =	shalt  }
0x5a: {  	_ =	shalt  }
0x5b: {  	_ =	shalt  }
0x5c: {  	_ =	shalt  }
0x5d: {  	_ =	shalt  }
0x5e: {  	_ =	shalt  }
0x5f: {  	_ =	shalt  }
0x60: {  	_ =	shalt  }
0x61: {  	_ =	shalt  }
0x62: {  	_ =	shalt  }
0x63: {  	_ =	shalt  }
0x64: {  	_ =	shalt  }
0x65: {  	_ =	shalt  }
0x66: {  	_ =	shalt  }
0x67: {  	_ =	shalt  }
0x68: {  	_ =	shalt  }
0x69: {  	_ =	shalt  }
0x6a: {  	_ =	shalt  }
0x6b: {  	_ =	shalt  }
0x6c: {  	_ =	shalt  }
0x6d: {  	_ =	shalt  }
0x6e: {  	_ =	shalt  }
0x6f: {  	_ =	shalt  }
0x70: {  	_ =	shalt  }
0x71: {  	_ =	shalt  }
0x72: {  	_ =	shalt  }
0x73: {  	_ =	shalt  }
0x74: {  	_ =	shalt  }
0x75: {  	_ =	shalt  }
0x76: {  	_ =	shalt  }
0x77: {  	_ =	shalt  }
0x78: {  	_ =	shalt  }
0x79: {  	_ =	shalt  }
0x7a: {  	_ =	shalt  }
0x7b: {  	_ =	shalt  }
0x7c: {  	_ =	shalt  }
0x7d: {  	_ =	shalt  }
0x7e: {  	_ =	shalt  }
0x7f: {  	_ =	shalt  }
0x80: {  	_ =	shalt  }
0x81: {  	_ =	shalt  }
0x82: {  	_ =	shalt  }
0x83: {  	_ =	shalt  }
0x84: {  	_ =	shalt  }
0x85: {  	_ =	shalt  }
0x86: {  	_ =	shalt  }
0x87: {  	_ =	shalt  }
.Lfunc_end0:
.L_simem_size_0:
called_computation.1_lowered:
.L_overlay_start_0:
0x88: {  	s2 =	sld [smem:$0x3FD9]  }
0x89: {  	s3 =	sld [smem:$0x3FFE];
	_ =	sdelay $0x1  }
0x8a: {  	s1 =	srdreg.scid  }
0x8b: {  	s0 =	sand.u32 $0x1, s1  }
0x8c: {  	s17 =	sshll.u32 s0, $0xA;
	s2 =	sadd.s32 s3, s2  }
0x8d: {  	s2 =	sadd.s32 s2, s17  }
0x8e: {  	[smem:$0x3FC1] =	sst s2  }
0x8f: {  	_ = 	snop  }
0x90: {  	s2 =	sld [smem:$0x3FD0];
	(tm) =	ssettm $0x1  }
0x91: {  	s18 =	sld [smem:$0x3FFB];
	_ =	sdelay $0x3  }
0x92: {  	_ =	strace s18  }
0x93: {  	s3 =	sld [smem:$0x3FFC];
	_ =	sdelay $0x3  }
0x94: {  	_ =	strace s3  }
0x95: {  	s3 =	sld [smem:$0x3FFD];
	_ =	sdelay $0x3  }
0x96: {  	_ =	strace s3  }
0x97: {  	_ =	strace $0x8FFFFFFF  }
0x98: {  	s19 =	sld [smem:$0x3FDB];
	_ =	sdelay $0x1  }
0x99: {  	s4 =	simm.s32 $_scs_section_size  }
0x9a: {  	s5 =	simm.s32 $_size__tile_overlayer_lowered;
	s6 =	simm.s32 $_tile_overlayer_lowered  }
0x9b: {  	s22 =	simm.s32 $0x1BFF;
	s21 =	sshll.u32 s6, $0x1;
	s3 =	sadd.s32 s4, s19  }
0x9c: {  	s7 =	simm.s32 $0x0;
	s20 =	sshll.u32 s5, $0x1;
	s5 =	sadd.s32 s21, s3  }
0x9d: {  	[timem:s7], [sflag:s22] =	dma.local [hbm:s5], s20  }
0x9e: {  	_ =	swait.ge [sflag:s22], s20  }
0x9f: {  	s4 =	ssub.s32 $0x0, s20;
	[sflag:s22] =	ssyncset.done $0x0  }
0xa0: {  	[sflag:s22] =	ssyncadd.s32 s4;
	_ =	sdelay $0x1  }
0xa1: {  	s23 =	simm.s32 $0x1B8B  }
0xa2: {  	_ =	swait.ge [sflag:s23], $0x1  }
0xa3: {  	[sflag:s23] =	ssyncset.done $0x0  }
0xa4: {  	s25 =	simm.s32 $0x1B8E;
	s24 =	sld [smem:$0x3FFE];
	[sflag:s23] =	ssyncadd.s32 $0xFFFFFFFF  }
0xa5: {  	s26 =	simm.s32 $execute0_lowered;
	[smem:$0x3FD2] =	sst s25  }
0xa6: {  	s5 =	sshll.u32 s26, $0x1;
	_ =	strace $0x80000049;
	[dreg:$0x1] =	wrdreg $0xFFFFFFFF  }
0xa7: {  	s28 =	simm.s32 $_size_execute0_lowered;
	s3 =	sadd.s32 s3, s5;
	[dreg:$0x0] =	wrdreg $0x0  }
0xa8: {  	s5 =	sshll.u32 s28, $0x1;
	[dreg:$0x2] =	wrdreg s3  }
0xa9: {  	[dreg:$0x3] =	wrdreg s5  }
0xaa: {  	[dreg:$0x4] =	wrdreg $0xC0  }
0xab: {  	_ =	task [dreg:s7], $0x5FFFF  }
0xac: {  	[dreg:$0x1] =	wrdreg $0xFFFFFFFF  }
0xad: {  	[dreg:$0x0] =	wrdreg $0x60  }
0xae: {  	[dreg:$0x2] =	wrdreg s24  }
0xaf: {  	[dreg:$0x3] =	wrdreg s2  }
0xb0: {  	[dreg:$0x4] =	wrdreg $0x0  }
0xb1: {  	[dreg:$0x5] =	wrdreg $0x9  }
0xb2: {  	_ =	task.clear_ibuf [dreg:s7], $0x6FFFF;
	_ =	strace $0x90000049  }
0xb3: {  	s29 =	simm.s32 $0x9;
	_ =	strace $0x8000004B  }
0xb4: {  	_ =	swait.ge [sflag:s29], $0x1  }
0xb5: {  	[sflag:s29] =	ssyncadd.s32 $0xFFFFFFFF  }
0xb6: {  	_ =	strace $0x9000004B  }
0xb7: {  	_ =	sfence  }
0xb8: {  	s30 =	sld [smem:$0x0];
	_ =	sdelay $0x2  }
0xb9: {  	s31 =	sshll.u32 s1, $0xD;
	s1 =	sshrl.u32 s1, $0x2  }
0xba: {  	s3 =	sand.u32 $0x4000, s31;
	s1 =	sadd.s32 s1, s30  }
0xbb: {  	s0 =	sor.u32 s3, s0;
	s1 =	sshll.u32 s1, $0x11  }
0xbc: {  	s0 =	sor.u32 s1, s0  }
0xbd: {  	s0 =	sadd.s32 $0x8F2B, s0  }
0xbe: {  	[sflag:s0] =	ssyncadd.remote.s32 $0x1  }
0xbf: {  	_ =	sfence.sel $0xFFFF  }
0xc0: {  	[dreg:$0x0] =	wrdreg $0xFFFFFFFF;
	(pc) =	sbr.abs _section_cstart, $3  }
0xc1: {  	[dreg:$0x1] =	wrdreg $0xFFFFFFFF  }
0xc2: {  	_ =	task.clear_ibuf [dreg:s7], $0x2FFFF;
	_ =	strace $0x9FFFFFFF  }
0xc3: {  	(tm) =	ssettm $0x7FFFFFFF  }
tec
execute0_lowered:
.L_overlay_start_1:
0x0: {  	(tag) =	ssettag $0x1  }
0x1: {  	s6 =	rddreg [dreg:$0x0]  }
0x2: {  	s7 =	rddreg [dreg:$0x1]  }
0x3: {  	s0 =	srdreg.scid;
	s2 =	rddreg [dreg:$0x2]  }
0x4: {  	s1 =	stileid.u32;
	s3 =	simm.s32 $0x0;
	s19 =	simm.s32 $0x1  }
0x5: {  	s8 =	sand.u32 $0x1, s0;
	s0 =	rddreg [dreg:$0x3];
	s12 =	smul.u32 $0x280, s1  }
0x6: {  	[smem:$0x7FF] =	sst s3;
	s5 =	sadd.s32 $0xCA00, s6;
	s26 =	smul.u32 $0x50000, s1  }
0x7: {  	s20 =	smul.u32 $0x2800, s1;
	s4 =	sshll.u32 s8, $0x4;
	_ =	strace $0x8000004A  }
0x8: {  	s11 =	smul.u32 $0x28000, s8;
	s8 =	ssub.s32 $0x2, s8;
	s4 =	sor.u32 s1, s4  }
0x9: {  	s25 =	sshrl.u32 s8, $0x1;
	s15 =	sadd.s32 $0x80, s12;
	s28 =	sshrl.u32 s26, $0x2  }
0xa: {  	s16 =	sadd.s32 $0x100, s12;
	s17 =	sadd.s32 $0x180, s12;
	s18 =	sadd.s32 $0x200, s12  }
0xb: {  	s9 =	smul.u32 $0x500, s4;
	s4 =	sadd.s32 $0x14D200, s6;
	s13 =	sadd.s32 s11, s6  }
0xc: {  	s14 =	ssub.s32 s8, s25;
	s29 =	sshll.u32 s15, $0x7;
	s8 =	sadd.s32 s28, s2  }
0xd: {  	s30 =	sshll.u32 s16, $0x7;
	s31 =	sshll.u32 s17, $0x7;
	s12 =	sshll.u32 s18, $0x7  }
0xe: {  	s21 =	sshll.u32 s15, $0x4;
	s22 =	sshll.u32 s16, $0x4;
	s23 =	sshll.u32 s17, $0x4  }
0xf: {  	s25 =	sshll.u32 s18, $0x4;
	s15 =	simm.s32 $0x2;
	s16 =	simm.s32 $0x16800  }
0x10: {  	s17 =	simm.s32 $0x19000;
	s18 =	simm.s32 $0x80;
	s11 =	sadd.s32 s31, s2  }
0x11: {  	s12 =	sadd.s32 s12, s2;
	s24 =	sadd.s32 $0xD200, s13;
	s13 =	smax.u32 s14, $0x1  }
0x12: {  	s14 =	simm.s32 $0x14000;
	s10 =	sadd.s32 s9, s6;
	s6 =	sadd.s32 s7, s9  }
0x13: {  	s9 =	sadd.s32 s29, s2;
	s20 =	sadd.s32 s20, s24;
	s21 =	sadd.s32 s21, s24  }
0x14: {  	s22 =	sadd.s32 s22, s24;
	s23 =	sadd.s32 s23, s24;
	s24 =	sadd.s32 s25, s24  }
0x15: {  	s25 =	simm.s32 $0x0;
	s7 =	sadd.s32 $0x2A00, s10;
	s10 =	sadd.s32 s30, s2  }
.LBB2_1:
0x16: {  	[tilespmem:s14], [sflag:$0x2] =	stream.linear.gather [hbm4b:s6+s3], $0x2780, $0x38;
	[tilespmem:$0x1D000] =	vst v63  }
0x17: {  	_ =	swait.ge [sflag:s15], $0x2780  }
0x18: {  	[sflag:s15] =	ssyncset.done $0x0  }
0x19: {  	[sflag:s15] =	ssyncadd.s32 $0xFFFFD880  }
0x1a: {  	[tilespmem:s16], [sflag:$0x2] =	stream.linear.gather [hbm4b:s7+s3], $0x2780, $0x38;
	[tilespmem:$0x1D000] =	vst v63  }
0x1b: {  	_ =	swait.ge [sflag:s15], $0x2780  }
0x1c: {  	[sflag:s15] =	ssyncset.done $0x0  }
0x1d: {  	[sflag:s15] =	ssyncadd.s32 $0xFFFFD880  }
0x1e: {  	[tilespmem:s17], [sflag:$0x2] =	stream.linear.gather [hbm4b:s5+s3], $0x4000, $0x38;
	[tilespmem:$0x1D000] =	vst v63  }
0x1f: {  	_ =	swait.ge [sflag:s15], $0x4000  }
0x20: {  	[sflag:s15] =	ssyncset.done $0x0  }
0x21: {  	[sflag:s15] =	ssyncadd.s32 $0xFFFFC000  }
0x22: {  	[spmem:s8] =	stream.linear.scatter [tilespmem:s17], [sflag:$0x2], $0x4000, $0x38;
	[tilespmem:$0x1D000] =	vst v63  }
0x23: {  	_ =	swait.ge [sflag:s15], $0x4000  }
0x24: {  	[sflag:s15] =	ssyncset.done $0x0  }
0x25: {  	[sflag:s15] =	ssyncadd.s32 $0xFFFFC000  }
0x26: {  	[spmem:s9] =	stream.linear.scatter [tilespmem:s17], [sflag:$0x2], $0x4000, $0x38;
	[tilespmem:$0x1D000] =	vst v63  }
0x27: {  	_ =	swait.ge [sflag:s15], $0x4000  }
0x28: {  	[sflag:s15] =	ssyncset.done $0x0  }
0x29: {  	[sflag:s15] =	ssyncadd.s32 $0xFFFFC000  }
0x2a: {  	[spmem:s10] =	stream.linear.scatter [tilespmem:s17], [sflag:$0x2], $0x4000, $0x38;
	[tilespmem:$0x1D000] =	vst v63  }
0x2b: {  	_ =	swait.ge [sflag:s15], $0x4000  }
0x2c: {  	[sflag:s15] =	ssyncset.done $0x0  }
0x2d: {  	[sflag:s15] =	ssyncadd.s32 $0xFFFFC000  }
0x2e: {  	[spmem:s11] =	stream.linear.scatter [tilespmem:s17], [sflag:$0x2], $0x4000, $0x38;
	[tilespmem:$0x1D000] =	vst v63  }
0x2f: {  	_ =	swait.ge [sflag:s15], $0x4000  }
0x30: {  	[sflag:s15] =	ssyncset.done $0x0  }
0x31: {  	[sflag:s15] =	ssyncadd.s32 $0xFFFFC000  }
0x32: {  	[spmem:s12] =	stream.linear.scatter [tilespmem:s17], [sflag:$0x2], $0x4000, $0x38;
	[tilespmem:$0x1D000] =	vst v63  }
0x33: {  	_ =	swait.ge [sflag:s15], $0x4000  }
0x34: {  	[sflag:s15] =	ssyncset.done $0x0  }
0x35: {  	[sflag:s15] =	ssyncadd.s32 $0xFFFFC000  }
0x36: {  	s26 =	simm.s32 $0x14000;
	[bflag:$0x0] =	sbarrier.arrive $0xFFFF  }
0x37: {  	[tilespmem:s17], [sflag:$0x1] =	stream.indirect.gather [hbm4b:s4+s18], $0x80, s26, s18, $0xb8;
	[tilespmem:$0x1D000] =	vst v63  }
0x38: {  	_ =	swait.ge [sflag:s19], $0x4000  }
0x39: {  	[sflag:s19] =	ssyncset.done $0x0  }
0x3a: {  	s31 =	simm.s32 $0x16800;
	[sflag:s19] =	ssyncadd.s32 $0xFFFFC000  }
0x3b: {  	[spmem:s2] =	stream.indirect.scatter.add.f32 [tilespmem:s17], [sflag:$0x2], $0x80, s31, s18, $0xb8;
	[tilespmem:$0x1D000] =	vst v63  }
0x3c: {  	_ =	swait.ge [sflag:s15], $0x4000  }
0x3d: {  	s28 =	simm.s32 $0x400;
	s26 =	simm.s32 $0x80;
	[sflag:s15] =	ssyncset.done $0x0  }
.LBB2_2:
0x3e: {  	s29 =	sadd.s32 $0x14000, s26  }
0x3f: {  	[sflag:s15] =	ssyncadd.s32 $0xFFFFC000;
	s30 =	smov.u32 s28;
	s31 =	sadd.s32 $0x200, s28  }
0x40: {  	[tilespmem:s17], [sflag:$0x1] =	stream.indirect.gather [hbm4b:s4+s18], $0x80, s29, s18, $0xb8;
	[tilespmem:$0x1D000] =	vst v63  }
0x41: {  	p0 =	sne.s32 s28, $0x9C00;
	_ =	swait.ge [sflag:s19], $0x4000  }
.Ltmp0:
0x42: {  	[sflag:s19] =	ssyncset.done $0x0;
	(pc) =	sbr.rel @p0 .LBB2_2-.Ltmp0, $4  }
0x43: {  	s26 =	sadd.s32 $0x16800, s26;
	[sflag:s19] =	ssyncadd.s32 $0xFFFFC000  }
0x44: {  	[spmem:s2] =	stream.indirect.scatter.add.f32 [tilespmem:s17], [sflag:$0x2], $0x80, s26, s18, $0xb8;
	[tilespmem:$0x1D000] =	vst v63  }
0x45: {  	_ =	swait.ge [sflag:s15], $0x4000  }
0x46: {  	s28 =	smov.u32 s31;
	s26 =	sshra.s32 s30, $0x2;
	[sflag:s15] =	ssyncset.done $0x0  }
0x47: {  	s28 =	sadd.s32 $0x14000, s26;
	[sflag:s15] =	ssyncadd.s32 $0xFFFFC000  }
0x48: {  	[tilespmem:s17], [sflag:$0x1] =	stream.indirect.gather [hbm4b:s4+s18], $0x80, s28, s18, $0xb8;
	[tilespmem:$0x1D000] =	vst v63  }
0x49: {  	_ =	swait.ge [sflag:s19], $0x4000  }
0x4a: {  	[sflag:s19] =	ssyncset.done $0x0  }
0x4b: {  	s31 =	sadd.s32 $0x16800, s26;
	[sflag:s19] =	ssyncadd.s32 $0xFFFFC000  }
0x4c: {  	[spmem:s2] =	stream.indirect.scatter.add.f32 [tilespmem:s17], [sflag:$0x2], $0x80, s31, s18, $0xb8;
	[tilespmem:$0x1D000] =	vst v63  }
0x4d: {  	_ =	swait.ge [sflag:s15], $0x4000  }
0x4e: {  	[sflag:s15] =	ssyncset.done $0x0  }
0x4f: {  	[sflag:s15] =	ssyncadd.s32 $0xFFFFC000  }
0x50: {  	[bflag:$0x0] =	sbarrier.arrive $0xFFFF  }
0x51: {  	[tilespmem:s17], [sflag:$0x2] =	stream.linear.gather [spmem:s8], $0x4000, $0x38;
	[tilespmem:$0x1D000] =	vst v63  }
0x52: {  	_ =	swait.ge [sflag:s15], $0x4000  }
0x53: {  	[sflag:s15] =	ssyncset.done $0x0  }
0x54: {  	[sflag:s15] =	ssyncadd.s32 $0xFFFFC000  }
0x55: {  	[hbm4b:s20+s3] =	stream.linear.scatter [tilespmem:s17], [sflag:$0x2], $0x4000, $0x38;
	[tilespmem:$0x1D000] =	vst v63  }
0x56: {  	_ =	swait.ge [sflag:s15], $0x4000  }
0x57: {  	[sflag:s15] =	ssyncset.done $0x0  }
0x58: {  	[sflag:s15] =	ssyncadd.s32 $0xFFFFC000  }
0x59: {  	[tilespmem:s17], [sflag:$0x2] =	stream.linear.gather [spmem:s9], $0x4000, $0x38;
	[tilespmem:$0x1D000] =	vst v63  }
0x5a: {  	_ =	swait.ge [sflag:s15], $0x4000  }
0x5b: {  	[sflag:s15] =	ssyncset.done $0x0  }
0x5c: {  	[sflag:s15] =	ssyncadd.s32 $0xFFFFC000  }
0x5d: {  	[hbm4b:s21+s3] =	stream.linear.scatter [tilespmem:s17], [sflag:$0x2], $0x4000, $0x38;
	[tilespmem:$0x1D000] =	vst v63  }
0x5e: {  	_ =	swait.ge [sflag:s15], $0x4000  }
0x5f: {  	[sflag:s15] =	ssyncset.done $0x0  }
0x60: {  	[sflag:s15] =	ssyncadd.s32 $0xFFFFC000  }
0x61: {  	[tilespmem:s17], [sflag:$0x2] =	stream.linear.gather [spmem:s10], $0x4000, $0x38;
	[tilespmem:$0x1D000] =	vst v63  }
0x62: {  	_ =	swait.ge [sflag:s15], $0x4000  }
0x63: {  	[sflag:s15] =	ssyncset.done $0x0  }
0x64: {  	[sflag:s15] =	ssyncadd.s32 $0xFFFFC000  }
0x65: {  	[hbm4b:s22+s3] =	stream.linear.scatter [tilespmem:s17], [sflag:$0x2], $0x4000, $0x38;
	[tilespmem:$0x1D000] =	vst v63  }
0x66: {  	_ =	swait.ge [sflag:s15], $0x4000  }
0x67: {  	[sflag:s15] =	ssyncset.done $0x0  }
0x68: {  	[sflag:s15] =	ssyncadd.s32 $0xFFFFC000  }
0x69: {  	[tilespmem:s17], [sflag:$0x2] =	stream.linear.gather [spmem:s11], $0x4000, $0x38;
	[tilespmem:$0x1D000] =	vst v63  }
0x6a: {  	_ =	swait.ge [sflag:s15], $0x4000  }
0x6b: {  	[sflag:s15] =	ssyncset.done $0x0  }
0x6c: {  	[sflag:s15] =	ssyncadd.s32 $0xFFFFC000  }
0x6d: {  	[hbm4b:s23+s3] =	stream.linear.scatter [tilespmem:s17], [sflag:$0x2], $0x4000, $0x38;
	[tilespmem:$0x1D000] =	vst v63  }
0x6e: {  	_ =	swait.ge [sflag:s15], $0x4000  }
0x6f: {  	[sflag:s15] =	ssyncset.done $0x0  }
0x70: {  	[sflag:s15] =	ssyncadd.s32 $0xFFFFC000  }
0x71: {  	[tilespmem:s17], [sflag:$0x2] =	stream.linear.gather [spmem:s12], $0x4000, $0x38;
	[tilespmem:$0x1D000] =	vst v63  }
0x72: {  	s25 =	sadd.s32 $0x1, s25;
	_ =	swait.ge [sflag:s15], $0x4000  }
0x73: {  	p0 =	sne.s32 s25, s13;
	[sflag:s15] =	ssyncset.done $0x0  }
.Ltmp1:
0x74: {  	[sflag:s15] =	ssyncadd.s32 $0xFFFFC000;
	(pc) =	sbr.rel @p0 .LBB2_1-.Ltmp1, $4  }
0x75: {  	[hbm4b:s24+s3] =	stream.linear.scatter [tilespmem:s17], [sflag:$0x2], $0x4000, $0x38;
	[tilespmem:$0x1D000] =	vst v63  }
0x76: {  	_ =	swait.ge [sflag:s15], $0x4000  }
0x77: {  	[sflag:s15] =	ssyncset.done $0x0  }
0x78: {  	[sflag:s15] =	ssyncadd.s32 $0xFFFFC000  }
0x79: {  	_ =	sfence.sel $0x180000  }
0x7a: {  	[bflag:$0x0] =	sbarrier.arrive $0xFFFF  }
0x7b: {  	p0 =	sne.s32 s1, $0x0;
	_ =	strace $0x9000004A  }
0x7c: {  	s0 =	sadd.s32 @!p0 $0x100000, s0;
	[bflag:$0x2] =	sbarrier.arrive $0xFFFF  }
0x7d: {  	[sflag:s0] =	ssyncadd.tile.s32 @!p0 $0x1;
	_ =	shalt  }
.Lfunc_end2:
_tile_overlayer_lowered:
.L_overlay_start_2:
0x7e: {  	(tag) =	ssettag $0x2  }
0x7f: {  	s0 =	rddreg [dreg:$0x0];
	s2 =	stileid.u32  }
0x80: {  	s1 =	rddreg [dreg:$0x1];
	p0 =	sne.s32 s2, $0x0  }
0x81: {  	s3 =	rddreg [dreg:$0x2];
	[bflag:$0x3] =	sbarrier.arrive $0xFFFF;
	s2 =	simm.s32 @!p0 $0x1C02  }
0x82: {  	[timem:s3], [sflag:s2] =	dma.local @!p0 [hbm:s0], s1  }
0x83: {  	s0 =	simm.s32 @!p0 $0x2  }
0x84: {  	_ =	swait.ge @!p0 [sflag:s0], s1  }
0x85: {  	s1 =	ssub.s32 @!p0 $0x0, s1;
	[sflag:s0] =	ssyncset.done @!p0 $0x0  }
0x86: {  	[sflag:s0] =	ssyncadd.s32 @!p0 s1  }
0x87: {  	[bflag:$0x3] =	sbarrier.arrive $0xFFFF  }
0x88: {  	_ =	shalt  }

// kernel: kernel.15.cloned.1.call-start
scs
__scs_entry_jumppad:
0x0: {  	(pc) =	sbr.rel $0x88, $3  }
0x1: {  	(tag) =	ssettag $0x0;
	lr =	simm.s32 $0x1  }
0x2: {  	[smem:$0x3F9A] =	sst lr;
	_ =	strace $0xD0000000  }
0x3: {  	_ = 	snop  }
0x4: {  	_ = 	snop  }
0x5: {  	_ = 	snop  }
0x6: {  	_ = 	snop  }
0x7: {  	_ = 	snop  }
__scs_overlays_trampoline_lowered:
0x8: {  	[smem:$0x3FA9] =	sst s0  }
0x9: {  	[smem:$0x3FAA] =	sst s1  }
0xa: {  	[smem:$0x3FAB] =	sst s2  }
0xb: {  	[smem:$0x3FAC] =	sst s3  }
0xc: {  	[smem:$0x3FAD] =	sst s4  }
0xd: {  	[smem:$0x3FAE] =	sst s5  }
0xe: {  	[smem:$0x3FAF] =	sst s6  }
0xf: {  	[smem:$0x3FB0] =	sst s7  }
0x10: {  	[smem:$0x3FB1] =	sst s8  }
0x11: {  	[smem:$0x3FB2] =	sst s9;
	s0 =	simm.s32 @!p0 $0x0  }
0x12: {  	s1 =	sld [smem:$0x3F98];
	s0 =	simm.s32 @p0 $0x1  }
0x13: {  	[smem:$0x3FB3] =	sst s0;
	s0 =	simm.s32 @!p1 $0x0  }
0x14: {  	s2 =	sld [smem:$0x3F97];
	s0 =	simm.s32 @p1 $0x1  }
0x15: {  	[smem:$0x3FB4] =	sst s0;
	s0 =	simm.s32 @!p2 $0x0  }
0x16: {  	s3 =	sld [smem:$0x3FDB];
	s0 =	simm.s32 @p2 $0x1  }
0x17: {  	s4 =	simm.s32 $0x1BF5;
	[smem:$0x3FB6] =	sst s0  }
0x18: {  	s0 =	sld [smem:$0x3F99];
	_ =	swait.ge [sflag:s4], $0x0  }
0x19: {  	s7 =	sld [smem:$0x3F9A]  }
0x1a: {  	s8 =	sadd.s32 $0xFFFFE003, lr  }
0x1b: {  	s9 =	sadd.s32 $0xFFFFFEF7, lr;
	s5 =	simm.s32 $0xFFFFFFFF;
	p2 =	slt.u32 s8, $0xFFFFF086  }
0x1c: {  	p1 =	slt.u32 s9, $0xF7A;
	s5 =	simm.s32 @!p2 $0x0  }
0x1d: {  	s5 =	simm.s32 @p1 $0x1;
	p0 =	seq.s32 s7, s2  }
0x1e: {  	s7 =	smul.u32 @!p0 $0xF7A, s2;
	p2 =	seq.s32 @!p0 s5, $0x0  }
0x1f: {  	s9 =	smul.u32 $0xF7A, s1;
	s8 =	simm.s32 @!p0 $0x1BF5;
	p2 =	por !p2, p0  }
0x20: {  	[sflag:s8] =	ssyncset.s32 @!p0 $0xFFFFF086;
	s6 =	sadd.s32 @!p0 s3, s7;
	s7 =	simm.s32 @!p0 $0x108  }
0x21: {  	s3 =	sadd.s32 s3, s9;
	s6 =	sadd.s32 @!p0 $0x88, s6;
	s7 =	simm.s32 @p2 $0x1082  }
0x22: {  	[simem:s7], [sflag:s8] =	dma.local @!p0 [hbm:s6], $0xF7A  }
0x23: {  	s9 =	sor.u32 $0xD0000000, s2;
	s6 =	simm.s32 $0x108;
	_ =	swait.ge @!p0 [sflag:s8], $0x0  }
0x24: {  	s3 =	sadd.s32 $0x88, s3;
	s6 =	simm.s32 @!p1 $0x1082;
	[sflag:s4] =	ssyncset.s32 $0xFFFFF086  }
0x25: {  	[simem:s6], [sflag:s4] =	dma.local [hbm:s3], $0xF7A  }
0x26: {  	[smem:$0x3F9A] =	sst s1;
	(tag) =	ssettag s2;
	_ =	strace s9  }
0x27: {  	s1 =	sld [smem:$0x3FAA]  }
0x28: {  	s2 =	sld [smem:$0x3FAB]  }
0x29: {  	s4 =	sld [smem:$0x3FAD]  }
0x2a: {  	p0 =	seq.s32 s5, $0x0;
	s5 =	sld [smem:$0x3FAE]  }
0x2b: {  	s6 =	sld [smem:$0x3FAF]  }
0x2c: {  	s7 =	sld [smem:$0x3FB0]  }
0x2d: {  	s3 =	simm.s32 $0x108;
	s8 =	sld [smem:$0x3FB1]  }
0x2e: {  	s3 =	simm.s32 @!p0 $0x1082;
	s9 =	sld [smem:$0x3FB2]  }
0x2f: {  	lr =	sadd.s32 s0, s3;
	s0 =	sld [smem:$0x3FA9]  }
0x30: {  	s3 =	sld [smem:$0x3FAC]  }
0x31: {  	[smem:$0x3FB5] =	sst s10  }
0x32: {  	s10 =	sld [smem:$0x3FB3];
	_ =	sdelay $0x3  }
0x33: {  	p0 =	seq.s32 s10, $0x1;
	s10 =	sld [smem:$0x3FB5];
	_ =	sdelay $0x3  }
0x34: {  	[smem:$0x3FB5] =	sst s10  }
0x35: {  	s10 =	sld [smem:$0x3FB4];
	_ =	sdelay $0x3  }
0x36: {  	p1 =	seq.s32 s10, $0x1;
	s10 =	sld [smem:$0x3FB5];
	_ =	sdelay $0x3  }
0x37: {  	[smem:$0x3FB5] =	sst s10  }
0x38: {  	s10 =	sld [smem:$0x3FB6]  }
0x39: {  	_ = 	snop;
	(pc) =	sbr.ind lr, $3  }
0x3a: {  	_ = 	snop  }
0x3b: {  	_ = 	snop  }
0x3c: {  	p2 =	seq.s32 s10, $0x1;
	s10 =	sld [smem:$0x3FB5]  }
0x3d: {  	_ =	shalt  }
0x3e: {  	_ =	shalt  }
0x3f: {  	_ =	shalt  }
0x40: {  	_ =	shalt  }
0x41: {  	_ =	shalt  }
0x42: {  	_ =	shalt  }
0x43: {  	_ =	shalt  }
0x44: {  	_ =	shalt  }
0x45: {  	_ =	shalt  }
0x46: {  	_ =	shalt  }
0x47: {  	_ =	shalt  }
0x48: {  	_ =	shalt  }
0x49: {  	_ =	shalt  }
0x4a: {  	_ =	shalt  }
0x4b: {  	_ =	shalt  }
0x4c: {  	_ =	shalt  }
0x4d: {  	_ =	shalt  }
0x4e: {  	_ =	shalt  }
0x4f: {  	_ =	shalt  }
0x50: {  	_ =	shalt  }
0x51: {  	_ =	shalt  }
0x52: {  	_ =	shalt  }
0x53: {  	_ =	shalt  }
0x54: {  	_ =	shalt  }
0x55: {  	_ =	shalt  }
0x56: {  	_ =	shalt  }
0x57: {  	_ =	shalt  }
0x58: {  	_ =	shalt  }
0x59: {  	_ =	shalt  }
0x5a: {  	_ =	shalt  }
0x5b: {  	_ =	shalt  }
0x5c: {  	_ =	shalt  }
0x5d: {  	_ =	shalt  }
0x5e: {  	_ =	shalt  }
0x5f: {  	_ =	shalt  }
0x60: {  	_ =	shalt  }
0x61: {  	_ =	shalt  }
0x62: {  	_ =	shalt  }
0x63: {  	_ =	shalt  }
0x64: {  	_ =	shalt  }
0x65: {  	_ =	shalt  }
0x66: {  	_ =	shalt  }
0x67: {  	_ =	shalt  }
0x68: {  	_ =	shalt  }
0x69: {  	_ =	shalt  }
0x6a: {  	_ =	shalt  }
0x6b: {  	_ =	shalt  }
0x6c: {  	_ =	shalt  }
0x6d: {  	_ =	shalt  }
0x6e: {  	_ =	shalt  }
0x6f: {  	_ =	shalt  }
0x70: {  	_ =	shalt  }
0x71: {  	_ =	shalt  }
0x72: {  	_ =	shalt  }
0x73: {  	_ =	shalt  }
0x74: {  	_ =	shalt  }
0x75: {  	_ =	shalt  }
0x76: {  	_ =	shalt  }
0x77: {  	_ =	shalt  }
0x78: {  	_ =	shalt  }
0x79: {  	_ =	shalt  }
0x7a: {  	_ =	shalt  }
0x7b: {  	_ =	shalt  }
0x7c: {  	_ =	shalt  }
0x7d: {  	_ =	shalt  }
0x7e: {  	_ =	shalt  }
0x7f: {  	_ =	shalt  }
0x80: {  	_ =	shalt  }
0x81: {  	_ =	shalt  }
0x82: {  	_ =	shalt  }
0x83: {  	_ =	shalt  }
0x84: {  	_ =	shalt  }
0x85: {  	_ =	shalt  }
0x86: {  	_ =	shalt  }
0x87: {  	_ =	shalt  }
.Lfunc_end0:
.L_simem_size_0:
called_computation.2_lowered:
.L_overlay_start_0:
0x88: {  	s2 =	sld [smem:$0x3FD9]  }
0x89: {  	s3 =	sld [smem:$0x3FFE];
	_ =	sdelay $0x1  }
0x8a: {  	s1 =	srdreg.scid  }
0x8b: {  	s0 =	sand.u32 $0x1, s1  }
0x8c: {  	s17 =	sshll.u32 s0, $0xA;
	s2 =	sadd.s32 s3, s2  }
0x8d: {  	s2 =	sadd.s32 s2, s17  }
0x8e: {  	[smem:$0x3FC1] =	sst s2  }
0x8f: {  	_ = 	snop  }
0x90: {  	s2 =	sld [smem:$0x3FD0];
	(tm) =	ssettm $0x1  }
0x91: {  	s18 =	sld [smem:$0x3FFB];
	_ =	sdelay $0x3  }
0x92: {  	_ =	strace s18  }
0x93: {  	s3 =	sld [smem:$0x3FFC];
	_ =	sdelay $0x3  }
0x94: {  	_ =	strace s3  }
0x95: {  	s3 =	sld [smem:$0x3FFD];
	_ =	sdelay $0x3  }
0x96: {  	_ =	strace s3  }
0x97: {  	_ =	strace $0x8FFFFFFF  }
0x98: {  	s19 =	sld [smem:$0x3FDB];
	_ =	sdelay $0x1  }
0x99: {  	s4 =	simm.s32 $_scs_section_size  }
0x9a: {  	s5 =	simm.s32 $_size__tile_overlayer_lowered;
	s6 =	simm.s32 $_tile_overlayer_lowered  }
0x9b: {  	s22 =	simm.s32 $0x1BFF;
	s21 =	sshll.u32 s6, $0x1;
	s3 =	sadd.s32 s4, s19  }
0x9c: {  	s7 =	simm.s32 $0x0;
	s20 =	sshll.u32 s5, $0x1;
	s5 =	sadd.s32 s21, s3  }
0x9d: {  	[timem:s7], [sflag:s22] =	dma.local [hbm:s5], s20  }
0x9e: {  	_ =	swait.ge [sflag:s22], s20  }
0x9f: {  	s4 =	ssub.s32 $0x0, s20;
	[sflag:s22] =	ssyncset.done $0x0  }
0xa0: {  	[sflag:s22] =	ssyncadd.s32 s4;
	_ =	sdelay $0x1  }
0xa1: {  	s23 =	simm.s32 $0x1B8B  }
0xa2: {  	_ =	swait.ge [sflag:s23], $0x1  }
0xa3: {  	[sflag:s23] =	ssyncset.done $0x0  }
0xa4: {  	s25 =	simm.s32 $0x1B8E;
	s24 =	sld [smem:$0x3FFE];
	[sflag:s23] =	ssyncadd.s32 $0xFFFFFFFF  }
0xa5: {  	s26 =	simm.s32 $execute0_lowered;
	[smem:$0x3FD2] =	sst s25  }
0xa6: {  	s5 =	sshll.u32 s26, $0x1;
	_ =	strace $0x8000004C;
	[dreg:$0x1] =	wrdreg $0xFFFFFFFF  }
0xa7: {  	s28 =	simm.s32 $_size_execute0_lowered;
	s3 =	sadd.s32 s3, s5;
	[dreg:$0x0] =	wrdreg $0x0  }
0xa8: {  	s5 =	sshll.u32 s28, $0x1;
	[dreg:$0x2] =	wrdreg s3  }
0xa9: {  	[dreg:$0x3] =	wrdreg s5  }
0xaa: {  	[dreg:$0x4] =	wrdreg $0xC0  }
0xab: {  	_ =	task [dreg:s7], $0x5FFFF  }
0xac: {  	[dreg:$0x1] =	wrdreg $0xFFFFFFFF  }
0xad: {  	[dreg:$0x0] =	wrdreg $0x60  }
0xae: {  	[dreg:$0x2] =	wrdreg s24  }
0xaf: {  	[dreg:$0x3] =	wrdreg s2  }
0xb0: {  	[dreg:$0x4] =	wrdreg $0x0  }
0xb1: {  	[dreg:$0x5] =	wrdreg $0x9  }
0xb2: {  	_ =	task.clear_ibuf [dreg:s7], $0x6FFFF;
	_ =	strace $0x9000004C  }
0xb3: {  	s29 =	simm.s32 $0x9;
	_ =	strace $0x8000004E  }
0xb4: {  	_ =	swait.ge [sflag:s29], $0x1  }
0xb5: {  	[sflag:s29] =	ssyncadd.s32 $0xFFFFFFFF  }
0xb6: {  	_ =	strace $0x9000004E  }
0xb7: {  	_ =	sfence  }
0xb8: {  	s30 =	sld [smem:$0x0];
	_ =	sdelay $0x2  }
0xb9: {  	s31 =	sshll.u32 s1, $0xD;
	s1 =	sshrl.u32 s1, $0x2  }
0xba: {  	s3 =	sand.u32 $0x4000, s31;
	s1 =	sadd.s32 s1, s30  }
0xbb: {  	s0 =	sor.u32 s3, s0;
	s1 =	sshll.u32 s1, $0x11  }
0xbc: {  	s0 =	sor.u32 s1, s0  }
0xbd: {  	s0 =	sadd.s32 $0x8F2B, s0  }
0xbe: {  	[sflag:s0] =	ssyncadd.remote.s32 $0x1  }
0xbf: {  	_ =	sfence.sel $0xFFFF  }
0xc0: {  	[dreg:$0x0] =	wrdreg $0xFFFFFFFF;
	(pc) =	sbr.abs _section_cstart, $3  }
0xc1: {  	[dreg:$0x1] =	wrdreg $0xFFFFFFFF  }
0xc2: {  	_ =	task.clear_ibuf [dreg:s7], $0x2FFFF;
	_ =	strace $0x9FFFFFFF  }
0xc3: {  	(tm) =	ssettm $0x7FFFFFFF  }
tec
execute0_lowered:
.L_overlay_start_1:
0x0: {  	(tag) =	ssettag $0x1  }
0x1: {  	s6 =	rddreg [dreg:$0x0]  }
0x2: {  	s7 =	rddreg [dreg:$0x1]  }
0x3: {  	s0 =	srdreg.scid;
	s2 =	rddreg [dreg:$0x2]  }
0x4: {  	s1 =	stileid.u32;
	s3 =	simm.s32 $0x0;
	s19 =	simm.s32 $0x1  }
0x5: {  	s8 =	sand.u32 $0x1, s0;
	s0 =	rddreg [dreg:$0x3];
	s12 =	smul.u32 $0x280, s1  }
0x6: {  	[smem:$0x7FF] =	sst s3;
	s5 =	sadd.s32 $0xCA00, s6;
	s26 =	smul.u32 $0x50000, s1  }
0x7: {  	s20 =	smul.u32 $0x2800, s1;
	s4 =	sshll.u32 s8, $0x4;
	_ =	strace $0x8000004D  }
0x8: {  	s11 =	smul.u32 $0x28000, s8;
	s8 =	ssub.s32 $0x2, s8;
	s4 =	sor.u32 s1, s4  }
0x9: {  	s25 =	sshrl.u32 s8, $0x1;
	s15 =	sadd.s32 $0x80, s12;
	s28 =	sshrl.u32 s26, $0x2  }
0xa: {  	s16 =	sadd.s32 $0x100, s12;
	s17 =	sadd.s32 $0x180, s12;
	s18 =	sadd.s32 $0x200, s12  }
0xb: {  	s9 =	smul.u32 $0x500, s4;
	s4 =	sadd.s32 $0x14D200, s6;
	s13 =	sadd.s32 s11, s6  }
0xc: {  	s14 =	ssub.s32 s8, s25;
	s29 =	sshll.u32 s15, $0x7;
	s8 =	sadd.s32 s28, s2  }
0xd: {  	s30 =	sshll.u32 s16, $0x7;
	s31 =	sshll.u32 s17, $0x7;
	s12 =	sshll.u32 s18, $0x7  }
0xe: {  	s21 =	sshll.u32 s15, $0x4;
	s22 =	sshll.u32 s16, $0x4;
	s23 =	sshll.u32 s17, $0x4  }
0xf: {  	s25 =	sshll.u32 s18, $0x4;
	s15 =	simm.s32 $0x2;
	s16 =	simm.s32 $0x16800  }
0x10: {  	s17 =	simm.s32 $0x19000;
	s18 =	simm.s32 $0x80;
	s11 =	sadd.s32 s31, s2  }
0x11: {  	s12 =	sadd.s32 s12, s2;
	s24 =	sadd.s32 $0xD200, s13;
	s13 =	smax.u32 s14, $0x1  }
0x12: {  	s14 =	simm.s32 $0x14000;
	s10 =	sadd.s32 s9, s6;
	s6 =	sadd.s32 s7, s9  }
0x13: {  	s9 =	sadd.s32 s29, s2;
	s20 =	sadd.s32 s20, s24;
	s21 =	sadd.s32 s21, s24  }
0x14: {  	s22 =	sadd.s32 s22, s24;
	s23 =	sadd.s32 s23, s24;
	s24 =	sadd.s32 s25, s24  }
0x15: {  	s25 =	simm.s32 $0x0;
	s7 =	sadd.s32 $0x2A00, s10;
	s10 =	sadd.s32 s30, s2  }
.LBB2_1:
0x16: {  	[tilespmem:s14], [sflag:$0x2] =	stream.linear.gather [hbm4b:s6+s3], $0x2780, $0x38;
	[tilespmem:$0x1D000] =	vst v63  }
0x17: {  	_ =	swait.ge [sflag:s15], $0x2780  }
0x18: {  	[sflag:s15] =	ssyncset.done $0x0  }
0x19: {  	[sflag:s15] =	ssyncadd.s32 $0xFFFFD880  }
0x1a: {  	[tilespmem:s16], [sflag:$0x2] =	stream.linear.gather [hbm4b:s7+s3], $0x2780, $0x38;
	[tilespmem:$0x1D000] =	vst v63  }
0x1b: {  	_ =	swait.ge [sflag:s15], $0x2780  }
0x1c: {  	[sflag:s15] =	ssyncset.done $0x0  }
0x1d: {  	[sflag:s15] =	ssyncadd.s32 $0xFFFFD880  }
0x1e: {  	[tilespmem:s17], [sflag:$0x2] =	stream.linear.gather [hbm4b:s5+s3], $0x4000, $0x38;
	[tilespmem:$0x1D000] =	vst v63  }
0x1f: {  	_ =	swait.ge [sflag:s15], $0x4000  }
0x20: {  	[sflag:s15] =	ssyncset.done $0x0  }
0x21: {  	[sflag:s15] =	ssyncadd.s32 $0xFFFFC000  }
0x22: {  	[spmem:s8] =	stream.linear.scatter [tilespmem:s17], [sflag:$0x2], $0x4000, $0x38;
	[tilespmem:$0x1D000] =	vst v63  }
0x23: {  	_ =	swait.ge [sflag:s15], $0x4000  }
0x24: {  	[sflag:s15] =	ssyncset.done $0x0  }
0x25: {  	[sflag:s15] =	ssyncadd.s32 $0xFFFFC000  }
0x26: {  	[spmem:s9] =	stream.linear.scatter [tilespmem:s17], [sflag:$0x2], $0x4000, $0x38;
	[tilespmem:$0x1D000] =	vst v63  }
0x27: {  	_ =	swait.ge [sflag:s15], $0x4000  }
0x28: {  	[sflag:s15] =	ssyncset.done $0x0  }
0x29: {  	[sflag:s15] =	ssyncadd.s32 $0xFFFFC000  }
0x2a: {  	[spmem:s10] =	stream.linear.scatter [tilespmem:s17], [sflag:$0x2], $0x4000, $0x38;
	[tilespmem:$0x1D000] =	vst v63  }
0x2b: {  	_ =	swait.ge [sflag:s15], $0x4000  }
0x2c: {  	[sflag:s15] =	ssyncset.done $0x0  }
0x2d: {  	[sflag:s15] =	ssyncadd.s32 $0xFFFFC000  }
0x2e: {  	[spmem:s11] =	stream.linear.scatter [tilespmem:s17], [sflag:$0x2], $0x4000, $0x38;
	[tilespmem:$0x1D000] =	vst v63  }
0x2f: {  	_ =	swait.ge [sflag:s15], $0x4000  }
0x30: {  	[sflag:s15] =	ssyncset.done $0x0  }
0x31: {  	[sflag:s15] =	ssyncadd.s32 $0xFFFFC000  }
0x32: {  	[spmem:s12] =	stream.linear.scatter [tilespmem:s17], [sflag:$0x2], $0x4000, $0x38;
	[tilespmem:$0x1D000] =	vst v63  }
0x33: {  	_ =	swait.ge [sflag:s15], $0x4000  }
0x34: {  	[sflag:s15] =	ssyncset.done $0x0  }
0x35: {  	[sflag:s15] =	ssyncadd.s32 $0xFFFFC000  }
0x36: {  	s26 =	simm.s32 $0x14000;
	[bflag:$0x0] =	sbarrier.arrive $0xFFFF  }
0x37: {  	[tilespmem:s17], [sflag:$0x1] =	stream.indirect.gather [hbm4b:s4+s18], $0x80, s26, s18, $0xb8;
	[tilespmem:$0x1D000] =	vst v63  }
0x38: {  	_ =	swait.ge [sflag:s19], $0x4000  }
0x39: {  	[sflag:s19] =	ssyncset.done $0x0  }
0x3a: {  	s31 =	simm.s32 $0x16800;
	[sflag:s19] =	ssyncadd.s32 $0xFFFFC000  }
0x3b: {  	[spmem:s2] =	stream.indirect.scatter.add.f32 [tilespmem:s17], [sflag:$0x2], $0x80, s31, s18, $0xb8;
	[tilespmem:$0x1D000] =	vst v63  }
0x3c: {  	_ =	swait.ge [sflag:s15], $0x4000  }
0x3d: {  	s28 =	simm.s32 $0x400;
	s26 =	simm.s32 $0x80;
	[sflag:s15] =	ssyncset.done $0x0  }
.LBB2_2:
0x3e: {  	s29 =	sadd.s32 $0x14000, s26  }
0x3f: {  	[sflag:s15] =	ssyncadd.s32 $0xFFFFC000;
	s30 =	smov.u32 s28;
	s31 =	sadd.s32 $0x200, s28  }
0x40: {  	[tilespmem:s17], [sflag:$0x1] =	stream.indirect.gather [hbm4b:s4+s18], $0x80, s29, s18, $0xb8;
	[tilespmem:$0x1D000] =	vst v63  }
0x41: {  	p0 =	sne.s32 s28, $0x9C00;
	_ =	swait.ge [sflag:s19], $0x4000  }
.Ltmp0:
0x42: {  	[sflag:s19] =	ssyncset.done $0x0;
	(pc) =	sbr.rel @p0 .LBB2_2-.Ltmp0, $4  }
0x43: {  	s26 =	sadd.s32 $0x16800, s26;
	[sflag:s19] =	ssyncadd.s32 $0xFFFFC000  }
0x44: {  	[spmem:s2] =	stream.indirect.scatter.add.f32 [tilespmem:s17], [sflag:$0x2], $0x80, s26, s18, $0xb8;
	[tilespmem:$0x1D000] =	vst v63  }
0x45: {  	_ =	swait.ge [sflag:s15], $0x4000  }
0x46: {  	s28 =	smov.u32 s31;
	s26 =	sshra.s32 s30, $0x2;
	[sflag:s15] =	ssyncset.done $0x0  }
0x47: {  	s28 =	sadd.s32 $0x14000, s26;
	[sflag:s15] =	ssyncadd.s32 $0xFFFFC000  }
0x48: {  	[tilespmem:s17], [sflag:$0x1] =	stream.indirect.gather [hbm4b:s4+s18], $0x80, s28, s18, $0xb8;
	[tilespmem:$0x1D000] =	vst v63  }
0x49: {  	_ =	swait.ge [sflag:s19], $0x4000  }
0x4a: {  	[sflag:s19] =	ssyncset.done $0x0  }
0x4b: {  	s31 =	sadd.s32 $0x16800, s26;
	[sflag:s19] =	ssyncadd.s32 $0xFFFFC000  }
0x4c: {  	[spmem:s2] =	stream.indirect.scatter.add.f32 [tilespmem:s17], [sflag:$0x2], $0x80, s31, s18, $0xb8;
	[tilespmem:$0x1D000] =	vst v63  }
0x4d: {  	_ =	swait.ge [sflag:s15], $0x4000  }
0x4e: {  	[sflag:s15] =	ssyncset.done $0x0  }
0x4f: {  	[sflag:s15] =	ssyncadd.s32 $0xFFFFC000  }
0x50: {  	[bflag:$0x0] =	sbarrier.arrive $0xFFFF  }
0x51: {  	[tilespmem:s17], [sflag:$0x2] =	stream.linear.gather [spmem:s8], $0x4000, $0x38;
	[tilespmem:$0x1D000] =	vst v63  }
0x52: {  	_ =	swait.ge [sflag:s15], $0x4000  }
0x53: {  	[sflag:s15] =	ssyncset.done $0x0  }
0x54: {  	[sflag:s15] =	ssyncadd.s32 $0xFFFFC000  }
0x55: {  	[hbm4b:s20+s3] =	stream.linear.scatter [tilespmem:s17], [sflag:$0x2], $0x4000, $0x38;
	[tilespmem:$0x1D000] =	vst v63  }
0x56: {  	_ =	swait.ge [sflag:s15], $0x4000  }
0x57: {  	[sflag:s15] =	ssyncset.done $0x0  }
0x58: {  	[sflag:s15] =	ssyncadd.s32 $0xFFFFC000  }
0x59: {  	[tilespmem:s17], [sflag:$0x2] =	stream.linear.gather [spmem:s9], $0x4000, $0x38;
	[tilespmem:$0x1D000] =	vst v63  }
0x5a: {  	_ =	swait.ge [sflag:s15], $0x4000  }
0x5b: {  	[sflag:s15] =	ssyncset.done $0x0  }
0x5c: {  	[sflag:s15] =	ssyncadd.s32 $0xFFFFC000  }
0x5d: {  	[hbm4b:s21+s3] =	stream.linear.scatter [tilespmem:s17], [sflag:$0x2], $0x4000, $0x38;
	[tilespmem:$0x1D000] =	vst v63  }
0x5e: {  	_ =	swait.ge [sflag:s15], $0x4000  }
0x5f: {  	[sflag:s15] =	ssyncset.done $0x0  }
0x60: {  	[sflag:s15] =	ssyncadd.s32 $0xFFFFC000  }
0x61: {  	[tilespmem:s17], [sflag:$0x2] =	stream.linear.gather [spmem:s10], $0x4000, $0x38;
	[tilespmem:$0x1D000] =	vst v63  }
0x62: {  	_ =	swait.ge [sflag:s15], $0x4000  }
0x63: {  	[sflag:s15] =	ssyncset.done $0x0  }
0x64: {  	[sflag:s15] =	ssyncadd.s32 $0xFFFFC000  }
0x65: {  	[hbm4b:s22+s3] =	stream.linear.scatter [tilespmem:s17], [sflag:$0x2], $0x4000, $0x38;
	[tilespmem:$0x1D000] =	vst v63  }
0x66: {  	_ =	swait.ge [sflag:s15], $0x4000  }
0x67: {  	[sflag:s15] =	ssyncset.done $0x0  }
0x68: {  	[sflag:s15] =	ssyncadd.s32 $0xFFFFC000  }
0x69: {  	[tilespmem:s17], [sflag:$0x2] =	stream.linear.gather [spmem:s11], $0x4000, $0x38;
	[tilespmem:$0x1D000] =	vst v63  }
0x6a: {  	_ =	swait.ge [sflag:s15], $0x4000  }
0x6b: {  	[sflag:s15] =	ssyncset.done $0x0  }
0x6c: {  	[sflag:s15] =	ssyncadd.s32 $0xFFFFC000  }
0x6d: {  	[hbm4b:s23+s3] =	stream.linear.scatter [tilespmem:s17], [sflag:$0x2], $0x4000, $0x38;
	[tilespmem:$0x1D000] =	vst v63  }
0x6e: {  	_ =	swait.ge [sflag:s15], $0x4000  }
0x6f: {  	[sflag:s15] =	ssyncset.done $0x0  }
0x70: {  	[sflag:s15] =	ssyncadd.s32 $0xFFFFC000  }
0x71: {  	[tilespmem:s17], [sflag:$0x2] =	stream.linear.gather [spmem:s12], $0x4000, $0x38;
	[tilespmem:$0x1D000] =	vst v63  }
0x72: {  	s25 =	sadd.s32 $0x1, s25;
	_ =	swait.ge [sflag:s15], $0x4000  }
0x73: {  	p0 =	sne.s32 s25, s13;
	[sflag:s15] =	ssyncset.done $0x0  }
.Ltmp1:
0x74: {  	[sflag:s15] =	ssyncadd.s32 $0xFFFFC000;
	(pc) =	sbr.rel @p0 .LBB2_1-.Ltmp1, $4  }
0x75: {  	[hbm4b:s24+s3] =	stream.linear.scatter [tilespmem:s17], [sflag:$0x2], $0x4000, $0x38;
	[tilespmem:$0x1D000] =	vst v63  }
0x76: {  	_ =	swait.ge [sflag:s15], $0x4000  }
0x77: {  	[sflag:s15] =	ssyncset.done $0x0  }
0x78: {  	[sflag:s15] =	ssyncadd.s32 $0xFFFFC000  }
0x79: {  	_ =	sfence.sel $0x180000  }
0x7a: {  	[bflag:$0x0] =	sbarrier.arrive $0xFFFF  }
0x7b: {  	p0 =	sne.s32 s1, $0x0;
	_ =	strace $0x9000004D  }
0x7c: {  	s0 =	sadd.s32 @!p0 $0x100000, s0;
	[bflag:$0x2] =	sbarrier.arrive $0xFFFF  }
0x7d: {  	[sflag:s0] =	ssyncadd.tile.s32 @!p0 $0x1;
	_ =	shalt  }
.Lfunc_end2:
_tile_overlayer_lowered:
.L_overlay_start_2:
0x7e: {  	(tag) =	ssettag $0x2  }
0x7f: {  	s0 =	rddreg [dreg:$0x0];
	s2 =	stileid.u32  }
0x80: {  	s1 =	rddreg [dreg:$0x1];
	p0 =	sne.s32 s2, $0x0  }
0x81: {  	s3 =	rddreg [dreg:$0x2];
	[bflag:$0x3] =	sbarrier.arrive $0xFFFF;
	s2 =	simm.s32 @!p0 $0x1C02  }
0x82: {  	[timem:s3], [sflag:s2] =	dma.local @!p0 [hbm:s0], s1  }
0x83: {  	s0 =	simm.s32 @!p0 $0x2  }
0x84: {  	_ =	swait.ge @!p0 [sflag:s0], s1  }
0x85: {  	s1 =	ssub.s32 @!p0 $0x0, s1;
	[sflag:s0] =	ssyncset.done @!p0 $0x0  }
0x86: {  	[sflag:s0] =	ssyncadd.s32 @!p0 s1  }
0x87: {  	[bflag:$0x3] =	sbarrier.arrive $0xFFFF  }
0x88: {  	_ =	shalt  }

// kernel: kernel.9.cloned.1.call-start
scs
__scs_entry_jumppad:
0x0: {  	(pc) =	sbr.rel $0x88, $3  }
0x1: {  	(tag) =	ssettag $0x0;
	lr =	simm.s32 $0x1  }
0x2: {  	[smem:$0x3F9A] =	sst lr;
	_ =	strace $0xD0000000  }
0x3: {  	_ = 	snop  }
0x4: {  	_ = 	snop  }
0x5: {  	_ = 	snop  }
0x6: {  	_ = 	snop  }
0x7: {  	_ = 	snop  }
__scs_overlays_trampoline_lowered:
0x8: {  	[smem:$0x3FA9] =	sst s0  }
0x9: {  	[smem:$0x3FAA] =	sst s1  }
0xa: {  	[smem:$0x3FAB] =	sst s2  }
0xb: {  	[smem:$0x3FAC] =	sst s3  }
0xc: {  	[smem:$0x3FAD] =	sst s4  }
0xd: {  	[smem:$0x3FAE] =	sst s5  }
0xe: {  	[smem:$0x3FAF] =	sst s6  }
0xf: {  	[smem:$0x3FB0] =	sst s7  }
0x10: {  	[smem:$0x3FB1] =	sst s8  }
0x11: {  	[smem:$0x3FB2] =	sst s9;
	s0 =	simm.s32 @!p0 $0x0  }
0x12: {  	s1 =	sld [smem:$0x3F98];
	s0 =	simm.s32 @p0 $0x1  }
0x13: {  	[smem:$0x3FB3] =	sst s0;
	s0 =	simm.s32 @!p1 $0x0  }
0x14: {  	s2 =	sld [smem:$0x3F97];
	s0 =	simm.s32 @p1 $0x1  }
0x15: {  	[smem:$0x3FB4] =	sst s0;
	s0 =	simm.s32 @!p2 $0x0  }
0x16: {  	s3 =	sld [smem:$0x3FDB];
	s0 =	simm.s32 @p2 $0x1  }
0x17: {  	s4 =	simm.s32 $0x1BF5;
	[smem:$0x3FB6] =	sst s0  }
0x18: {  	s0 =	sld [smem:$0x3F99];
	_ =	swait.ge [sflag:s4], $0x0  }
0x19: {  	s7 =	sld [smem:$0x3F9A]  }
0x1a: {  	s8 =	sadd.s32 $0xFFFFE003, lr  }
0x1b: {  	s9 =	sadd.s32 $0xFFFFFEF7, lr;
	s5 =	simm.s32 $0xFFFFFFFF;
	p2 =	slt.u32 s8, $0xFFFFF086  }
0x1c: {  	p1 =	slt.u32 s9, $0xF7A;
	s5 =	simm.s32 @!p2 $0x0  }
0x1d: {  	s5 =	simm.s32 @p1 $0x1;
	p0 =	seq.s32 s7, s2  }
0x1e: {  	s7 =	smul.u32 @!p0 $0xF7A, s2;
	p2 =	seq.s32 @!p0 s5, $0x0  }
0x1f: {  	s9 =	smul.u32 $0xF7A, s1;
	s8 =	simm.s32 @!p0 $0x1BF5;
	p2 =	por !p2, p0  }
0x20: {  	[sflag:s8] =	ssyncset.s32 @!p0 $0xFFFFF086;
	s6 =	sadd.s32 @!p0 s3, s7;
	s7 =	simm.s32 @!p0 $0x108  }
0x21: {  	s3 =	sadd.s32 s3, s9;
	s6 =	sadd.s32 @!p0 $0x88, s6;
	s7 =	simm.s32 @p2 $0x1082  }
0x22: {  	[simem:s7], [sflag:s8] =	dma.local @!p0 [hbm:s6], $0xF7A  }
0x23: {  	s9 =	sor.u32 $0xD0000000, s2;
	s6 =	simm.s32 $0x108;
	_ =	swait.ge @!p0 [sflag:s8], $0x0  }
0x24: {  	s3 =	sadd.s32 $0x88, s3;
	s6 =	simm.s32 @!p1 $0x1082;
	[sflag:s4] =	ssyncset.s32 $0xFFFFF086  }
0x25: {  	[simem:s6], [sflag:s4] =	dma.local [hbm:s3], $0xF7A  }
0x26: {  	[smem:$0x3F9A] =	sst s1;
	(tag) =	ssettag s2;
	_ =	strace s9  }
0x27: {  	s1 =	sld [smem:$0x3FAA]  }
0x28: {  	s2 =	sld [smem:$0x3FAB]  }
0x29: {  	s4 =	sld [smem:$0x3FAD]  }
0x2a: {  	p0 =	seq.s32 s5, $0x0;
	s5 =	sld [smem:$0x3FAE]  }
0x2b: {  	s6 =	sld [smem:$0x3FAF]  }
0x2c: {  	s7 =	sld [smem:$0x3FB0]  }
0x2d: {  	s3 =	simm.s32 $0x108;
	s8 =	sld [smem:$0x3FB1]  }
0x2e: {  	s3 =	simm.s32 @!p0 $0x1082;
	s9 =	sld [smem:$0x3FB2]  }
0x2f: {  	lr =	sadd.s32 s0, s3;
	s0 =	sld [smem:$0x3FA9]  }
0x30: {  	s3 =	sld [smem:$0x3FAC]  }
0x31: {  	[smem:$0x3FB5] =	sst s10  }
0x32: {  	s10 =	sld [smem:$0x3FB3];
	_ =	sdelay $0x3  }
0x33: {  	p0 =	seq.s32 s10, $0x1;
	s10 =	sld [smem:$0x3FB5];
	_ =	sdelay $0x3  }
0x34: {  	[smem:$0x3FB5] =	sst s10  }
0x35: {  	s10 =	sld [smem:$0x3FB4];
	_ =	sdelay $0x3  }
0x36: {  	p1 =	seq.s32 s10, $0x1;
	s10 =	sld [smem:$0x3FB5];
	_ =	sdelay $0x3  }
0x37: {  	[smem:$0x3FB5] =	sst s10  }
0x38: {  	s10 =	sld [smem:$0x3FB6]  }
0x39: {  	_ = 	snop;
	(pc) =	sbr.ind lr, $3  }
0x3a: {  	_ = 	snop  }
0x3b: {  	_ = 	snop  }
0x3c: {  	p2 =	seq.s32 s10, $0x1;
	s10 =	sld [smem:$0x3FB5]  }
0x3d: {  	_ =	shalt  }
0x3e: {  	_ =	shalt  }
0x3f: {  	_ =	shalt  }
0x40: {  	_ =	shalt  }
0x41: {  	_ =	shalt  }
0x42: {  	_ =	shalt  }
0x43: {  	_ =	shalt  }
0x44: {  	_ =	shalt  }
0x45: {  	_ =	shalt  }
0x46: {  	_ =	shalt  }
0x47: {  	_ =	shalt  }
0x48: {  	_ =	shalt  }
0x49: {  	_ =	shalt  }
0x4a: {  	_ =	shalt  }
0x4b: {  	_ =	shalt  }
0x4c: {  	_ =	shalt  }
0x4d: {  	_ =	shalt  }
0x4e: {  	_ =	shalt  }
0x4f: {  	_ =	shalt  }
0x50: {  	_ =	shalt  }
0x51: {  	_ =	shalt  }
0x52: {  	_ =	shalt  }
0x53: {  	_ =	shalt  }
0x54: {  	_ =	shalt  }
0x55: {  	_ =	shalt  }
0x56: {  	_ =	shalt  }
0x57: {  	_ =	shalt  }
0x58: {  	_ =	shalt  }
0x59: {  	_ =	shalt  }
0x5a: {  	_ =	shalt  }
0x5b: {  	_ =	shalt  }
0x5c: {  	_ =	shalt  }
0x5d: {  	_ =	shalt  }
0x5e: {  	_ =	shalt  }
0x5f: {  	_ =	shalt  }
0x60: {  	_ =	shalt  }
0x61: {  	_ =	shalt  }
0x62: {  	_ =	shalt  }
0x63: {  	_ =	shalt  }
0x64: {  	_ =	shalt  }
0x65: {  	_ =	shalt  }
0x66: {  	_ =	shalt  }
0x67: {  	_ =	shalt  }
0x68: {  	_ =	shalt  }
0x69: {  	_ =	shalt  }
0x6a: {  	_ =	shalt  }
0x6b: {  	_ =	shalt  }
0x6c: {  	_ =	shalt  }
0x6d: {  	_ =	shalt  }
0x6e: {  	_ =	shalt  }
0x6f: {  	_ =	shalt  }
0x70: {  	_ =	shalt  }
0x71: {  	_ =	shalt  }
0x72: {  	_ =	shalt  }
0x73: {  	_ =	shalt  }
0x74: {  	_ =	shalt  }
0x75: {  	_ =	shalt  }
0x76: {  	_ =	shalt  }
0x77: {  	_ =	shalt  }
0x78: {  	_ =	shalt  }
0x79: {  	_ =	shalt  }
0x7a: {  	_ =	shalt  }
0x7b: {  	_ =	shalt  }
0x7c: {  	_ =	shalt  }
0x7d: {  	_ =	shalt  }
0x7e: {  	_ =	shalt  }
0x7f: {  	_ =	shalt  }
0x80: {  	_ =	shalt  }
0x81: {  	_ =	shalt  }
0x82: {  	_ =	shalt  }
0x83: {  	_ =	shalt  }
0x84: {  	_ =	shalt  }
0x85: {  	_ =	shalt  }
0x86: {  	_ =	shalt  }
0x87: {  	_ =	shalt  }
.Lfunc_end0:
.L_simem_size_0:
called_computation_lowered:
.L_overlay_start_0:
0x88: {  	s2 =	sld [smem:$0x3FD9]  }
0x89: {  	s3 =	sld [smem:$0x3FFE];
	_ =	sdelay $0x1  }
0x8a: {  	s1 =	srdreg.scid  }
0x8b: {  	s0 =	sand.u32 $0x1, s1  }
0x8c: {  	s17 =	sshll.u32 s0, $0xA;
	s2 =	sadd.s32 s3, s2  }
0x8d: {  	s2 =	sadd.s32 s2, s17  }
0x8e: {  	[smem:$0x3FC1] =	sst s2  }
0x8f: {  	_ = 	snop  }
0x90: {  	s2 =	sld [smem:$0x3FD0];
	(tm) =	ssettm $0x1  }
0x91: {  	s18 =	sld [smem:$0x3FFB];
	_ =	sdelay $0x3  }
0x92: {  	_ =	strace s18  }
0x93: {  	s3 =	sld [smem:$0x3FFC];
	_ =	sdelay $0x3  }
0x94: {  	_ =	strace s3  }
0x95: {  	s3 =	sld [smem:$0x3FFD];
	_ =	sdelay $0x3  }
0x96: {  	_ =	strace s3  }
0x97: {  	_ =	strace $0x8FFFFFFF  }
0x98: {  	s19 =	sld [smem:$0x3FDB];
	_ =	sdelay $0x1  }
0x99: {  	s4 =	simm.s32 $_scs_section_size  }
0x9a: {  	s5 =	simm.s32 $_size__tile_overlayer_lowered;
	s6 =	simm.s32 $_tile_overlayer_lowered  }
0x9b: {  	s22 =	simm.s32 $0x1BFF;
	s21 =	sshll.u32 s6, $0x1;
	s3 =	sadd.s32 s4, s19  }
0x9c: {  	s7 =	simm.s32 $0x0;
	s20 =	sshll.u32 s5, $0x1;
	s5 =	sadd.s32 s21, s3  }
0x9d: {  	[timem:s7], [sflag:s22] =	dma.local [hbm:s5], s20  }
0x9e: {  	_ =	swait.ge [sflag:s22], s20  }
0x9f: {  	s4 =	ssub.s32 $0x0, s20;
	[sflag:s22] =	ssyncset.done $0x0  }
0xa0: {  	[sflag:s22] =	ssyncadd.s32 s4;
	_ =	sdelay $0x1  }
0xa1: {  	s23 =	simm.s32 $0x1B8B  }
0xa2: {  	_ =	swait.ge [sflag:s23], $0x1  }
0xa3: {  	[sflag:s23] =	ssyncset.done $0x0  }
0xa4: {  	s25 =	simm.s32 $0x1B8E;
	s24 =	sld [smem:$0x3FFE];
	[sflag:s23] =	ssyncadd.s32 $0xFFFFFFFF  }
0xa5: {  	s26 =	simm.s32 $execute0_lowered;
	[smem:$0x3FD2] =	sst s25  }
0xa6: {  	s5 =	sshll.u32 s26, $0x1;
	_ =	strace $0x80000046;
	[dreg:$0x1] =	wrdreg $0xFFFFFFFF  }
0xa7: {  	s28 =	simm.s32 $_size_execute0_lowered;
	s3 =	sadd.s32 s3, s5;
	[dreg:$0x0] =	wrdreg $0x0  }
0xa8: {  	s5 =	sshll.u32 s28, $0x1;
	[dreg:$0x2] =	wrdreg s3  }
0xa9: {  	[dreg:$0x3] =	wrdreg s5  }
0xaa: {  	[dreg:$0x4] =	wrdreg $0xC0  }
0xab: {  	_ =	task [dreg:s7], $0x5FFFF  }
0xac: {  	[dreg:$0x1] =	wrdreg $0xFFFFFFFF  }
0xad: {  	[dreg:$0x0] =	wrdreg $0x60  }
0xae: {  	[dreg:$0x2] =	wrdreg s24  }
0xaf: {  	[dreg:$0x3] =	wrdreg s2  }
0xb0: {  	[dreg:$0x4] =	wrdreg $0x0  }
0xb1: {  	[dreg:$0x5] =	wrdreg $0x9  }
0xb2: {  	_ =	task.clear_ibuf [dreg:s7], $0x6FFFF;
	_ =	strace $0x90000046  }
0xb3: {  	s29 =	simm.s32 $0x9;
	_ =	strace $0x80000048  }
0xb4: {  	_ =	swait.ge [sflag:s29], $0x1  }
0xb5: {  	[sflag:s29] =	ssyncadd.s32 $0xFFFFFFFF  }
0xb6: {  	_ =	strace $0x90000048  }
0xb7: {  	_ =	sfence  }
0xb8: {  	s30 =	sld [smem:$0x0];
	_ =	sdelay $0x2  }
0xb9: {  	s31 =	sshll.u32 s1, $0xD;
	s1 =	sshrl.u32 s1, $0x2  }
0xba: {  	s3 =	sand.u32 $0x4000, s31;
	s1 =	sadd.s32 s1, s30  }
0xbb: {  	s0 =	sor.u32 s3, s0;
	s1 =	sshll.u32 s1, $0x11  }
0xbc: {  	s0 =	sor.u32 s1, s0  }
0xbd: {  	s0 =	sadd.s32 $0x8F2B, s0  }
0xbe: {  	[sflag:s0] =	ssyncadd.remote.s32 $0x1  }
0xbf: {  	_ =	sfence.sel $0xFFFF  }
0xc0: {  	[dreg:$0x0] =	wrdreg $0xFFFFFFFF;
	(pc) =	sbr.abs _section_cstart, $3  }
0xc1: {  	[dreg:$0x1] =	wrdreg $0xFFFFFFFF  }
0xc2: {  	_ =	task.clear_ibuf [dreg:s7], $0x2FFFF;
	_ =	strace $0x9FFFFFFF  }
0xc3: {  	(tm) =	ssettm $0x7FFFFFFF  }
tec
execute0_lowered:
.L_overlay_start_1:
0x0: {  	(tag) =	ssettag $0x1  }
0x1: {  	s6 =	rddreg [dreg:$0x0]  }
0x2: {  	s7 =	rddreg [dreg:$0x1]  }
0x3: {  	s0 =	srdreg.scid;
	s2 =	rddreg [dreg:$0x2]  }
0x4: {  	s1 =	stileid.u32;
	s3 =	simm.s32 $0x0;
	s19 =	simm.s32 $0x1  }
0x5: {  	s8 =	sand.u32 $0x1, s0;
	s0 =	rddreg [dreg:$0x3];
	s12 =	smul.u32 $0x280, s1  }
0x6: {  	[smem:$0x7FF] =	sst s3;
	s5 =	sadd.s32 $0xCA00, s6;
	s26 =	smul.u32 $0x50000, s1  }
0x7: {  	s20 =	smul.u32 $0x2800, s1;
	s4 =	sshll.u32 s8, $0x4;
	_ =	strace $0x80000047  }
0x8: {  	s11 =	smul.u32 $0x28000, s8;
	s8 =	ssub.s32 $0x2, s8;
	s4 =	sor.u32 s1, s4  }
0x9: {  	s25 =	sshrl.u32 s8, $0x1;
	s15 =	sadd.s32 $0x80, s12;
	s28 =	sshrl.u32 s26, $0x2  }
0xa: {  	s16 =	sadd.s32 $0x100, s12;
	s17 =	sadd.s32 $0x180, s12;
	s18 =	sadd.s32 $0x200, s12  }
0xb: {  	s9 =	smul.u32 $0x500, s4;
	s4 =	sadd.s32 $0x142A00, s6;
	s13 =	sadd.s32 s11, s6  }
0xc: {  	s14 =	ssub.s32 s8, s25;
	s29 =	sshll.u32 s15, $0x7;
	s8 =	sadd.s32 s28, s2  }
0xd: {  	s30 =	sshll.u32 s16, $0x7;
	s31 =	sshll.u32 s17, $0x7;
	s12 =	sshll.u32 s18, $0x7  }
0xe: {  	s21 =	sshll.u32 s15, $0x4;
	s22 =	sshll.u32 s16, $0x4;
	s23 =	sshll.u32 s17, $0x4  }
0xf: {  	s25 =	sshll.u32 s18, $0x4;
	s15 =	simm.s32 $0x2;
	s16 =	simm.s32 $0x16800  }
0x10: {  	s17 =	simm.s32 $0x19000;
	s18 =	simm.s32 $0x80;
	s11 =	sadd.s32 s31, s2  }
0x11: {  	s12 =	sadd.s32 s12, s2;
	s24 =	sadd.s32 $0xD200, s13;
	s13 =	smax.u32 s14, $0x1  }
0x12: {  	s14 =	simm.s32 $0x14000;
	s10 =	sadd.s32 s9, s6;
	s6 =	sadd.s32 s7, s9  }
0x13: {  	s9 =	sadd.s32 s29, s2;
	s20 =	sadd.s32 s20, s24;
	s21 =	sadd.s32 s21, s24  }
0x14: {  	s22 =	sadd.s32 s22, s24;
	s23 =	sadd.s32 s23, s24;
	s24 =	sadd.s32 s25, s24  }
0x15: {  	s25 =	simm.s32 $0x0;
	s7 =	sadd.s32 $0x2A00, s10;
	s10 =	sadd.s32 s30, s2  }
.LBB2_1:
0x16: {  	[tilespmem:s14], [sflag:$0x2] =	stream.linear.gather [hbm4b:s6+s3], $0x2780, $0x38;
	[tilespmem:$0x1D000] =	vst v63  }
0x17: {  	_ =	swait.ge [sflag:s15], $0x2780  }
0x18: {  	[sflag:s15] =	ssyncset.done $0x0  }
0x19: {  	[sflag:s15] =	ssyncadd.s32 $0xFFFFD880  }
0x1a: {  	[tilespmem:s16], [sflag:$0x2] =	stream.linear.gather [hbm4b:s7+s3], $0x2780, $0x38;
	[tilespmem:$0x1D000] =	vst v63  }
0x1b: {  	_ =	swait.ge [sflag:s15], $0x2780  }
0x1c: {  	[sflag:s15] =	ssyncset.done $0x0  }
0x1d: {  	[sflag:s15] =	ssyncadd.s32 $0xFFFFD880  }
0x1e: {  	[tilespmem:s17], [sflag:$0x2] =	stream.linear.gather [hbm4b:s5+s3], $0x4000, $0x38;
	[tilespmem:$0x1D000] =	vst v63  }
0x1f: {  	_ =	swait.ge [sflag:s15], $0x4000  }
0x20: {  	[sflag:s15] =	ssyncset.done $0x0  }
0x21: {  	[sflag:s15] =	ssyncadd.s32 $0xFFFFC000  }
0x22: {  	[spmem:s8] =	stream.linear.scatter [tilespmem:s17], [sflag:$0x2], $0x4000, $0x38;
	[tilespmem:$0x1D000] =	vst v63  }
0x23: {  	_ =	swait.ge [sflag:s15], $0x4000  }
0x24: {  	[sflag:s15] =	ssyncset.done $0x0  }
0x25: {  	[sflag:s15] =	ssyncadd.s32 $0xFFFFC000  }
0x26: {  	[spmem:s9] =	stream.linear.scatter [tilespmem:s17], [sflag:$0x2], $0x4000, $0x38;
	[tilespmem:$0x1D000] =	vst v63  }
0x27: {  	_ =	swait.ge [sflag:s15], $0x4000  }
0x28: {  	[sflag:s15] =	ssyncset.done $0x0  }
0x29: {  	[sflag:s15] =	ssyncadd.s32 $0xFFFFC000  }
0x2a: {  	[spmem:s10] =	stream.linear.scatter [tilespmem:s17], [sflag:$0x2], $0x4000, $0x38;
	[tilespmem:$0x1D000] =	vst v63  }
0x2b: {  	_ =	swait.ge [sflag:s15], $0x4000  }
0x2c: {  	[sflag:s15] =	ssyncset.done $0x0  }
0x2d: {  	[sflag:s15] =	ssyncadd.s32 $0xFFFFC000  }
0x2e: {  	[spmem:s11] =	stream.linear.scatter [tilespmem:s17], [sflag:$0x2], $0x4000, $0x38;
	[tilespmem:$0x1D000] =	vst v63  }
0x2f: {  	_ =	swait.ge [sflag:s15], $0x4000  }
0x30: {  	[sflag:s15] =	ssyncset.done $0x0  }
0x31: {  	[sflag:s15] =	ssyncadd.s32 $0xFFFFC000  }
0x32: {  	[spmem:s12] =	stream.linear.scatter [tilespmem:s17], [sflag:$0x2], $0x4000, $0x38;
	[tilespmem:$0x1D000] =	vst v63  }
0x33: {  	_ =	swait.ge [sflag:s15], $0x4000  }
0x34: {  	[sflag:s15] =	ssyncset.done $0x0  }
0x35: {  	[sflag:s15] =	ssyncadd.s32 $0xFFFFC000  }
0x36: {  	s26 =	simm.s32 $0x14000;
	[bflag:$0x0] =	sbarrier.arrive $0xFFFF  }
0x37: {  	[tilespmem:s17], [sflag:$0x1] =	stream.indirect.gather [hbm4b:s4+s18], $0x80, s26, s18, $0xb8;
	[tilespmem:$0x1D000] =	vst v63  }
0x38: {  	_ =	swait.ge [sflag:s19], $0x4000  }
0x39: {  	[sflag:s19] =	ssyncset.done $0x0  }
0x3a: {  	s31 =	simm.s32 $0x16800;
	[sflag:s19] =	ssyncadd.s32 $0xFFFFC000  }
0x3b: {  	[spmem:s2] =	stream.indirect.scatter.add.f32 [tilespmem:s17], [sflag:$0x2], $0x80, s31, s18, $0xb8;
	[tilespmem:$0x1D000] =	vst v63  }
0x3c: {  	_ =	swait.ge [sflag:s15], $0x4000  }
0x3d: {  	s28 =	simm.s32 $0x400;
	s26 =	simm.s32 $0x80;
	[sflag:s15] =	ssyncset.done $0x0  }
.LBB2_2:
0x3e: {  	s29 =	sadd.s32 $0x14000, s26  }
0x3f: {  	[sflag:s15] =	ssyncadd.s32 $0xFFFFC000;
	s30 =	smov.u32 s28;
	s31 =	sadd.s32 $0x200, s28  }
0x40: {  	[tilespmem:s17], [sflag:$0x1] =	stream.indirect.gather [hbm4b:s4+s18], $0x80, s29, s18, $0xb8;
	[tilespmem:$0x1D000] =	vst v63  }
0x41: {  	p0 =	sne.s32 s28, $0x9C00;
	_ =	swait.ge [sflag:s19], $0x4000  }
.Ltmp0:
0x42: {  	[sflag:s19] =	ssyncset.done $0x0;
	(pc) =	sbr.rel @p0 .LBB2_2-.Ltmp0, $4  }
0x43: {  	s26 =	sadd.s32 $0x16800, s26;
	[sflag:s19] =	ssyncadd.s32 $0xFFFFC000  }
0x44: {  	[spmem:s2] =	stream.indirect.scatter.add.f32 [tilespmem:s17], [sflag:$0x2], $0x80, s26, s18, $0xb8;
	[tilespmem:$0x1D000] =	vst v63  }
0x45: {  	_ =	swait.ge [sflag:s15], $0x4000  }
0x46: {  	s28 =	smov.u32 s31;
	s26 =	sshra.s32 s30, $0x2;
	[sflag:s15] =	ssyncset.done $0x0  }
0x47: {  	s28 =	sadd.s32 $0x14000, s26;
	[sflag:s15] =	ssyncadd.s32 $0xFFFFC000  }
0x48: {  	[tilespmem:s17], [sflag:$0x1] =	stream.indirect.gather [hbm4b:s4+s18], $0x80, s28, s18, $0xb8;
	[tilespmem:$0x1D000] =	vst v63  }
0x49: {  	_ =	swait.ge [sflag:s19], $0x4000  }
0x4a: {  	[sflag:s19] =	ssyncset.done $0x0  }
0x4b: {  	s31 =	sadd.s32 $0x16800, s26;
	[sflag:s19] =	ssyncadd.s32 $0xFFFFC000  }
0x4c: {  	[spmem:s2] =	stream.indirect.scatter.add.f32 [tilespmem:s17], [sflag:$0x2], $0x80, s31, s18, $0xb8;
	[tilespmem:$0x1D000] =	vst v63  }
0x4d: {  	_ =	swait.ge [sflag:s15], $0x4000  }
0x4e: {  	[sflag:s15] =	ssyncset.done $0x0  }
0x4f: {  	[sflag:s15] =	ssyncadd.s32 $0xFFFFC000  }
0x50: {  	[bflag:$0x0] =	sbarrier.arrive $0xFFFF  }
0x51: {  	[tilespmem:s17], [sflag:$0x2] =	stream.linear.gather [spmem:s8], $0x4000, $0x38;
	[tilespmem:$0x1D000] =	vst v63  }
0x52: {  	_ =	swait.ge [sflag:s15], $0x4000  }
0x53: {  	[sflag:s15] =	ssyncset.done $0x0  }
0x54: {  	[sflag:s15] =	ssyncadd.s32 $0xFFFFC000  }
0x55: {  	[hbm4b:s20+s3] =	stream.linear.scatter [tilespmem:s17], [sflag:$0x2], $0x4000, $0x38;
	[tilespmem:$0x1D000] =	vst v63  }
0x56: {  	_ =	swait.ge [sflag:s15], $0x4000  }
0x57: {  	[sflag:s15] =	ssyncset.done $0x0  }
0x58: {  	[sflag:s15] =	ssyncadd.s32 $0xFFFFC000  }
0x59: {  	[tilespmem:s17], [sflag:$0x2] =	stream.linear.gather [spmem:s9], $0x4000, $0x38;
	[tilespmem:$0x1D000] =	vst v63  }
0x5a: {  	_ =	swait.ge [sflag:s15], $0x4000  }
0x5b: {  	[sflag:s15] =	ssyncset.done $0x0  }
0x5c: {  	[sflag:s15] =	ssyncadd.s32 $0xFFFFC000  }
0x5d: {  	[hbm4b:s21+s3] =	stream.linear.scatter [tilespmem:s17], [sflag:$0x2], $0x4000, $0x38;
	[tilespmem:$0x1D000] =	vst v63  }
0x5e: {  	_ =	swait.ge [sflag:s15], $0x4000  }
0x5f: {  	[sflag:s15] =	ssyncset.done $0x0  }
0x60: {  	[sflag:s15] =	ssyncadd.s32 $0xFFFFC000  }
0x61: {  	[tilespmem:s17], [sflag:$0x2] =	stream.linear.gather [spmem:s10], $0x4000, $0x38;
	[tilespmem:$0x1D000] =	vst v63  }
0x62: {  	_ =	swait.ge [sflag:s15], $0x4000  }
0x63: {  	[sflag:s15] =	ssyncset.done $0x0  }
0x64: {  	[sflag:s15] =	ssyncadd.s32 $0xFFFFC000  }
0x65: {  	[hbm4b:s22+s3] =	stream.linear.scatter [tilespmem:s17], [sflag:$0x2], $0x4000, $0x38;
	[tilespmem:$0x1D000] =	vst v63  }
0x66: {  	_ =	swait.ge [sflag:s15], $0x4000  }
0x67: {  	[sflag:s15] =	ssyncset.done $0x0  }
0x68: {  	[sflag:s15] =	ssyncadd.s32 $0xFFFFC000  }
0x69: {  	[tilespmem:s17], [sflag:$0x2] =	stream.linear.gather [spmem:s11], $0x4000, $0x38;
	[tilespmem:$0x1D000] =	vst v63  }
0x6a: {  	_ =	swait.ge [sflag:s15], $0x4000  }
0x6b: {  	[sflag:s15] =	ssyncset.done $0x0  }
0x6c: {  	[sflag:s15] =	ssyncadd.s32 $0xFFFFC000  }
0x6d: {  	[hbm4b:s23+s3] =	stream.linear.scatter [tilespmem:s17], [sflag:$0x2], $0x4000, $0x38;
	[tilespmem:$0x1D000] =	vst v63  }
0x6e: {  	_ =	swait.ge [sflag:s15], $0x4000  }
0x6f: {  	[sflag:s15] =	ssyncset.done $0x0  }
0x70: {  	[sflag:s15] =	ssyncadd.s32 $0xFFFFC000  }
0x71: {  	[tilespmem:s17], [sflag:$0x2] =	stream.linear.gather [spmem:s12], $0x4000, $0x38;
	[tilespmem:$0x1D000] =	vst v63  }
0x72: {  	s25 =	sadd.s32 $0x1, s25;
	_ =	swait.ge [sflag:s15], $0x4000  }
0x73: {  	p0 =	sne.s32 s25, s13;
	[sflag:s15] =	ssyncset.done $0x0  }
.Ltmp1:
0x74: {  	[sflag:s15] =	ssyncadd.s32 $0xFFFFC000;
	(pc) =	sbr.rel @p0 .LBB2_1-.Ltmp1, $4  }
0x75: {  	[hbm4b:s24+s3] =	stream.linear.scatter [tilespmem:s17], [sflag:$0x2], $0x4000, $0x38;
	[tilespmem:$0x1D000] =	vst v63  }
0x76: {  	_ =	swait.ge [sflag:s15], $0x4000  }
0x77: {  	[sflag:s15] =	ssyncset.done $0x0  }
0x78: {  	[sflag:s15] =	ssyncadd.s32 $0xFFFFC000  }
0x79: {  	_ =	sfence.sel $0x180000  }
0x7a: {  	[bflag:$0x0] =	sbarrier.arrive $0xFFFF  }
0x7b: {  	p0 =	sne.s32 s1, $0x0;
	_ =	strace $0x90000047  }
0x7c: {  	s0 =	sadd.s32 @!p0 $0x100000, s0;
	[bflag:$0x2] =	sbarrier.arrive $0xFFFF  }
0x7d: {  	[sflag:s0] =	ssyncadd.tile.s32 @!p0 $0x1;
	_ =	shalt  }
.Lfunc_end2:
_tile_overlayer_lowered:
.L_overlay_start_2:
0x7e: {  	(tag) =	ssettag $0x2  }
0x7f: {  	s0 =	rddreg [dreg:$0x0];
	s2 =	stileid.u32  }
0x80: {  	s1 =	rddreg [dreg:$0x1];
	p0 =	sne.s32 s2, $0x0  }
0x81: {  	s3 =	rddreg [dreg:$0x2];
	[bflag:$0x3] =	sbarrier.arrive $0xFFFF;
	s2 =	simm.s32 @!p0 $0x1C02  }
0x82: {  	[timem:s3], [sflag:s2] =	dma.local @!p0 [hbm:s0], s1  }
0x83: {  	s0 =	simm.s32 @!p0 $0x2  }
0x84: {  	_ =	swait.ge @!p0 [sflag:s0], s1  }
0x85: {  	s1 =	ssub.s32 @!p0 $0x0, s1;
	[sflag:s0] =	ssyncset.done @!p0 $0x0  }
0x86: {  	[sflag:s0] =	ssyncadd.s32 @!p0 s1  }
0x87: {  	[bflag:$0x3] =	sbarrier.arrive $0xFFFF  }
0x88: {  	_ =	shalt  }

</sc_bundles>
